<compile_context>
chip_gen: v7x
topology: tpu7x:2x2x1
jax: 0.10.2.dev20260603
libtpu: 0.0.44.dev20260713+nightly
codegen_flags: <defaults>
</compile_context>

<pallas_src>
import functools
import math

import jax
import jax.numpy as jnp
from jax import lax
from jax.experimental import pallas as pl
from jax.experimental.pallas import tpu as pltpu
from jax.experimental.pallas import tpu_sc as plsc

F32 = jnp.float32
I32 = jnp.int32
_SQRT2 = math.sqrt(2.0)

TBE = 512
HW = 512
CH = 1024
NPH = 4
_HOFFC = (0, 1, 2, 4, 6, 9, 12, 16)


def _gelu(v):
    return 0.5 * v * (1.0 + jax.lax.erf(v / _SQRT2))


def _router_body(xb, liqb, rw1x, rw1l, rb1, rw2, rb2, uw1, ub1, uw2, ub2,
                 stril, m1_out, m2_out, pr_out, misc, running,
                 *, nblocks, n_tokens):
    i = pl.program_id(0)
    x_ = xb[...]
    h = (jnp.dot(x_, rw1x[...], preferred_element_type=F32)
         + jnp.dot(liqb[...], rw1l[...], preferred_element_type=F32)
         + rb1[...])
    h = _gelu(h)
    logits = jnp.dot(h, rw2[...], preferred_element_type=F32) + rb2[...]
    m = jnp.max(logits, axis=-1, keepdims=True)
    e = jnp.exp(logits - m)
    p = e / jnp.sum(e, axis=-1, keepdims=True)
    lane = jax.lax.broadcasted_iota(I32, p.shape, 1)
    p1 = jnp.max(p, axis=-1, keepdims=True)
    i1 = jnp.min(jnp.where(p == p1, lane, 999), axis=-1, keepdims=True)
    pm = jnp.where(lane == i1, -1.0, p)
    p2 = jnp.max(pm, axis=-1, keepdims=True)
    i2 = jnp.min(jnp.where(pm == p2, lane, 999), axis=-1, keepdims=True)
    s12 = p1 + p2
    pn1 = p1 / s12
    pn2 = p2 / s12
    oh1 = (lane == i1).astype(F32)
    oh2 = (lane == i2).astype(F32)

    @pl.when(i == 0)
    def _init():
        misc[...] = jnp.zeros_like(misc)
        running[...] = jnp.zeros_like(running)

    run = running[...]
    excl1 = jnp.dot(stril[...], oh1, preferred_element_type=F32)
    csum1 = jnp.sum(oh1, axis=0, keepdims=True)
    excl2 = jnp.dot(stril[...], oh2, preferred_element_type=F32)
    csum2 = jnp.sum(oh2, axis=0, keepdims=True)
    m1_out[...] = oh1 * (run + excl1 + 1.0)
    m2_out[...] = oh2 * (run + csum1 + excl2 + 1.0)
    running[...] = run + csum1 + csum2

    nb = xb.shape[0]
    pr_out[...] = jnp.concatenate(
        [pn1, pn2, jnp.zeros((nb, 126), F32)], axis=1)

    hu = _gelu(jnp.dot(x_, uw1[...], preferred_element_type=F32) + ub1[...])
    uo = jnp.dot(hu, uw2[...], preferred_element_type=F32) + ub2[...]
    unc = jax.nn.sigmoid(uo[:, 0:1])
    misc[2:3, :] += jnp.full((1, misc.shape[1]), jnp.sum(unc), F32)

    @pl.when(i == nblocks - 1)
    def _fin():
        c = running[...]
        el = c / (2.0 * n_tokens)
        lane8 = jax.lax.broadcasted_iota(I32, el.shape, 1) < 8
        diff = jnp.where(lane8, el - 0.125, 0.0)
        lb = 0.01 * jnp.sum(diff * diff) / 8.0
        misc[0:1, :] = el
        misc[1:2, :] = jnp.full_like(c, lb)
        misc[2:3, :] = misc[2:3, :] / n_tokens
        misc[3:4, :] = c


def _k12_body(be_ref, hoffc_ref, xg, w1c, b1c, w2c, gc, betac, b2r, out,
              hs, stats):
    b = pl.program_id(0)
    jj = pl.program_id(1)
    e = be_ref[b]
    last = e // 2
    j = jnp.where(jj < NPH, jj, jj - NPH)
    he = ((e + 1) * HW).astype(F32)

    @pl.when(jj == 0)
    def _init():
        stats[...] = jnp.zeros_like(stats)

    @pl.when(jnp.logical_and(jj < NPH, jj <= last))
    def _phase1():
        hblk = jnp.dot(xg[...].astype(jnp.bfloat16), w1c[...],
                       preferred_element_type=F32) + b1c[...]
        hs[jj] = hblk
        s1 = jnp.sum(hblk, axis=1, keepdims=True)
        s2 = jnp.sum(hblk * hblk, axis=1, keepdims=True)
        pad = jnp.zeros((hblk.shape[0], 126), F32)
        stats[...] += jnp.concatenate([s1, s2, pad], axis=1)

    @pl.when(jj == NPH)
    def _initout():
        out[...] = jnp.broadcast_to(b2r[0], out.shape)

    @pl.when(jnp.logical_and(jj >= NPH, j <= last))
    def _phase2():
        s = stats[...]
        mu = s[:, 0:1] / he
        var = s[:, 1:2] / he - mu * mu
        rstd = jax.lax.rsqrt(var + 1e-5)
        hn = (hs[j] - mu) * rstd * gc[...] + betac[...]
        out[...] += jnp.dot(_gelu(hn).astype(jnp.bfloat16), w2c[...],
                            preferred_element_type=F32)


def _pos_body(m1, m2, offrow, pos_out):
    rows = []
    for mref in (m1, m2):
        mv = mref[...]
        posc = jnp.sum(jnp.where(mv > 0.0, mv - 1.0 + offrow[...], 0.0),
                       axis=-1, keepdims=True)
        rows.append(posc.reshape(1, mv.shape[0]))
    pos_out[...] = jnp.concatenate(rows, axis=0).astype(I32)


def _dispatch_sc(x_hbm, pos_hbm, xg_hbm, p_v, buf, sem, *, n_tokens):
    cs = 64
    per_w = 2 * n_tokens // 32
    nchunk = per_w // cs
    wid = lax.axis_index("s") * 2 + lax.axis_index("c")
    blk = wid // 4
    slot = (wid // 2) % 2
    half = wid % 2
    tokbase = blk * 512 + half * 256

    for c in range(nchunk):
        base = tokbase + c * cs
        pltpu.sync_copy(pos_hbm.at[slot, pl.ds(base, cs)], p_v)
        pltpu.sync_copy(x_hbm.at[pl.ds(base, cs)], buf)
        pltpu.async_copy(buf, xg_hbm.at[p_v], sem).wait()


def _combine_sc(eo_hbm, pos_hbm, g_hbm, p_v, buf, sem, *, n_tokens):
    cs = 64
    per_w = 2 * n_tokens // 32
    nchunk = per_w // cs
    wid = lax.axis_index("s") * 2 + lax.axis_index("c")
    blk = wid // 4
    slot = (wid // 2) % 2
    half = wid % 2
    tokbase = blk * 512 + half * 256

    for c in range(nchunk):
        base = tokbase + c * cs
        pltpu.sync_copy(pos_hbm.at[slot, pl.ds(base, cs)], p_v)
        pltpu.async_copy(eo_hbm.at[p_v], buf, sem).wait()
        pltpu.sync_copy(buf, g_hbm.at[pl.ds(slot * n_tokens + base, cs)])


def _wsum_body(g1, g2, pr, out):
    out[...] = g1[...] * pr[:, 0:1] + g2[...] * pr[:, 1:2]


def _pipeline(x, liquid_state, params):
    Bsz, Seq, D = x.shape
    N = Bsz * Seq
    L = liquid_state.shape[-1]
    x_flat = x.reshape(N, D)
    liq = jnp.broadcast_to(liquid_state[:, None, :], (Bsz, Seq, L)).reshape(N, L)

    r = params["router"]
    u = params["unc"]
    E = r["W2"].shape[1]
    HR = r["W1"].shape[1]
    HU = u["W1"].shape[1]
    rw1x = r["W1"][:D]
    rw1l = r["W1"][D:]
    rb1 = r["b1"].reshape(1, HR)
    rw2 = jnp.zeros((HR, 128), F32).at[:, :E].set(r["W2"])
    rb2 = jnp.full((1, 128), -1e30, F32).at[0, :E].set(r["b2"])
    uw1 = u["W1"]
    ub1 = u["b1"].reshape(1, HU)
    uw2 = jnp.zeros((HU, 128), F32).at[:, 0:1].set(u["W2"])
    ub2 = jnp.zeros((1, 128), F32).at[0, 0].set(u["b2"][0])

    TB = 512
    NBR = N // TB
    stril = jnp.tril(jnp.ones((TB, TB), F32), -1)
    full = lambda s: pl.BlockSpec(s, lambda i: tuple(0 for _ in s))
    m1, m2, pr, misc = pl.pallas_call(
        functools.partial(_router_body, nblocks=NBR, n_tokens=N),
        grid=(NBR,),
        in_specs=[
            pl.BlockSpec((TB, D), lambda i: (i, 0)),
            pl.BlockSpec((TB, L), lambda i: (i, 0)),
            full((D, HR)), full((L, HR)), full((1, HR)),
            full((HR, 128)), full((1, 128)),
            full((D, HU)), full((1, HU)),
            full((HU, 128)), full((1, 128)),
            full((TB, TB)),
        ],
        out_specs=[
            pl.BlockSpec((TB, 128), lambda i: (i, 0)),
            pl.BlockSpec((TB, 128), lambda i: (i, 0)),
            pl.BlockSpec((TB, 128), lambda i: (i, 0)),
            pl.BlockSpec((8, 128), lambda i: (0, 0)),
        ],
        out_shape=[
            jax.ShapeDtypeStruct((N, 128), F32),
            jax.ShapeDtypeStruct((N, 128), F32),
            jax.ShapeDtypeStruct((N, 128), F32),
            jax.ShapeDtypeStruct((8, 128), F32),
        ],
        scratch_shapes=[pltpu.VMEM((1, 128), F32)],
    )(x_flat, liq, rw1x, rw1l, rb1, rw2, rb2, uw1, ub1, uw2, ub2, stril)

    counts = misc[3, :E]
    cap_chunks = jnp.ceil(counts / TBE).astype(I32)
    blkoff = jnp.concatenate([jnp.zeros((1,), I32),
                              jnp.cumsum(cap_chunks)[:-1]])
    used = jnp.sum(cap_chunks)
    NB = 2 * N // TBE + E
    barange = jnp.arange(NB, dtype=I32)
    be = jnp.sum((blkoff[None, :] <= barange[:, None]).astype(I32), axis=1) - 1
    be = jnp.where(barange < used, jnp.clip(be, 0, E - 1), 0)
    offrow = jnp.zeros((1, 128), F32).at[0, :E].set((blkoff * TBE).astype(F32))
    hoffc = jnp.array(_HOFFC, I32)

    pos2d = pl.pallas_call(
        _pos_body,
        grid=(NBR,),
        in_specs=[
            pl.BlockSpec((TB, 128), lambda i: (i, 0)),
            pl.BlockSpec((TB, 128), lambda i: (i, 0)),
            full((1, 128)),
        ],
        out_specs=pl.BlockSpec((2, TB), lambda i: (0, i)),
        out_shape=jax.ShapeDtypeStruct((2, N), I32),
    )(m1, m2, offrow)

    NROWS = NB * TBE
    mesh = plsc.VectorSubcoreMesh(core_axis_name="c", subcore_axis_name="s")
    xg = pl.kernel(
        functools.partial(_dispatch_sc, n_tokens=N),
        mesh=mesh,
        out_type=jax.ShapeDtypeStruct((NROWS, D), F32),
        scratch_types=[
            pltpu.VMEM((64,), I32),
            pltpu.VMEM((64, D), F32), pltpu.SemaphoreType.DMA,
        ],
    )(x_flat, pos2d)

    BF16 = jnp.bfloat16

    def _padw(a, axis):
        h = a.shape[axis]
        padto = CH * ((h + CH - 1) // CH)
        padcfg = [(0, 0)] * a.ndim
        padcfg[axis] = (0, padto - h)
        return jnp.pad(a, padcfg)

    w1cat = jnp.concatenate(
        [_padw(params["experts"][e]["W1"], 1) for e in range(E)], 1
        ).astype(BF16)
    b1cat = jnp.concatenate(
        [_padw(params["experts"][e]["b1"], 0) for e in range(E)]
        ).reshape(1, -1)
    gcat = jnp.concatenate(
        [_padw(params["experts"][e]["g"], 0) for e in range(E)]
        ).reshape(1, -1)
    betacat = jnp.concatenate(
        [_padw(params["experts"][e]["beta"], 0) for e in range(E)]
        ).reshape(1, -1)
    w2cat = jnp.concatenate(
        [_padw(params["experts"][e]["W2"], 0) for e in range(E)], 0
        ).astype(BF16)
    b2cat = jnp.stack([params["experts"][e]["b2"] for e in range(E)], 0
                      ).reshape(E, 1, D)

    def _c1(bref, href, b, jj):
        e = bref[b]
        return href[e] + jnp.where(jj < NPH, jnp.minimum(jj, e // 2), e // 2)

    def _c2(bref, href, b, jj):
        e = bref[b]
        return href[e] + jnp.where(jj < NPH, 0,
                                   jnp.minimum(jj - NPH, e // 2))

    grid12 = pltpu.PrefetchScalarGridSpec(
        num_scalar_prefetch=2,
        grid=(NB, 2 * NPH),
        in_specs=[
            pl.BlockSpec((TBE, D), lambda b, jj, bref, href: (b, 0)),
            pl.BlockSpec((D, CH), lambda b, jj, bref, href: (0, _c1(bref, href, b, jj))),
            pl.BlockSpec((1, CH), lambda b, jj, bref, href: (0, _c1(bref, href, b, jj))),
            pl.BlockSpec((CH, D), lambda b, jj, bref, href: (_c2(bref, href, b, jj), 0)),
            pl.BlockSpec((1, CH), lambda b, jj, bref, href: (0, _c2(bref, href, b, jj))),
            pl.BlockSpec((1, CH), lambda b, jj, bref, href: (0, _c2(bref, href, b, jj))),
            pl.BlockSpec((1, 1, D), lambda b, jj, bref, href: (bref[b], 0, 0)),
        ],
        out_specs=pl.BlockSpec((TBE, D), lambda b, jj, bref, href: (b, 0)),
        scratch_shapes=[
            pltpu.VMEM((NPH, TBE, CH), F32),
            pltpu.VMEM((TBE, 128), F32),
        ],
    )
    eo = pl.pallas_call(
        _k12_body,
        grid_spec=grid12,
        out_shape=jax.ShapeDtypeStruct((NROWS, D), F32),
    )(be, hoffc, xg, w1cat, b1cat, w2cat, gcat, betacat, b2cat)

    gcat = pl.kernel(
        functools.partial(_combine_sc, n_tokens=N),
        mesh=mesh,
        out_type=jax.ShapeDtypeStruct((2 * N, D), F32),
        scratch_types=[
            pltpu.VMEM((64,), I32), pltpu.VMEM((64, D), F32),
            pltpu.SemaphoreType.DMA,
        ],
    )(eo, pos2d)

    nbt = N // TB
    out_flat = pl.pallas_call(
        _wsum_body,
        grid=(nbt,),
        in_specs=[
            pl.BlockSpec((TB, D), lambda i: (i, 0)),
            pl.BlockSpec((TB, D), lambda i: (i + nbt, 0)),
            pl.BlockSpec((TB, 128), lambda i: (i, 0)),
        ],
        out_specs=pl.BlockSpec((TB, D), lambda i: (i, 0)),
        out_shape=jax.ShapeDtypeStruct((N, D), F32),
    )(gcat, gcat, pr)

    output = out_flat.reshape(Bsz, Seq, D)
    expert_loads = misc[0, :E]
    lb_loss = misc[1, 0]
    unc_mean = misc[2, 0]
    return dict(m1=m1, m2=m2, pr=pr, misc=misc, be=be, pos2d=pos2d, xg=xg,
                eo=eo, gcat=gcat, output=output,
                lb_loss=lb_loss, expert_loads=expert_loads,
                unc_mean=unc_mean)


def kernel(x, liquid_state, params):
    s = _pipeline(x, liquid_state, params)
    return s["output"], s["lb_loss"], s["expert_loads"], s["unc_mean"]

# --- scband reference (transcript-rebuilt; emitter-appended) ---
"""Pipeline reference for scband-adaptive-mixture-of-experts-25795573580557 (READ-ONLY COPY).

The authoritative reference and input builder live on the scoring server;
editing this copy changes nothing except your own understanding.
"""

import jax, jax.numpy as jnp
import numpy as np

NUM_EXPERTS = 8
INPUT_DIM = 1024
HIDDEN_DIM = 512
LIQUID_DIM = 256
B, S = 2, 2048


def _lin_init(key, fan_in, fan_out):
    k1, k2 = jax.random.split(key)
    lim = 1.0 / np.sqrt(fan_in)
    W = jax.random.uniform(k1, (fan_in, fan_out), jnp.float32, -lim, lim)
    b = jax.random.uniform(k2, (fan_out,), jnp.float32, -lim, lim)
    return W, b


def setup_inputs(seed: int = 0):
    key = jax.random.key(seed)
    ks = jax.random.split(key, 2 + 2 * NUM_EXPERTS + 4)
    x = jax.random.normal(ks[0], (B, S, INPUT_DIM), jnp.float32)
    liquid_state = jax.random.normal(ks[1], (B, LIQUID_DIM), jnp.float32)
    experts = []
    for i in range(NUM_EXPERTS):
        h = HIDDEN_DIM * (i + 1)
        W1, b1 = _lin_init(ks[2 + 2 * i], INPUT_DIM, h)
        W2, b2 = _lin_init(ks[3 + 2 * i], h, INPUT_DIM)
        experts.append({"W1": W1, "b1": b1, "g": jnp.ones((h,), jnp.float32), "beta": jnp.zeros((h,), jnp.float32), "W2": W2, "b2": b2})
    base = 2 + 2 * NUM_EXPERTS
    rW1, rb1 = _lin_init(ks[base], INPUT_DIM + LIQUID_DIM, HIDDEN_DIM)
    rW2, rb2 = _lin_init(ks[base + 1], HIDDEN_DIM, NUM_EXPERTS)
    uW1, ub1 = _lin_init(ks[base + 2], INPUT_DIM, HIDDEN_DIM // 2)
    uW2, ub2 = _lin_init(ks[base + 3], HIDDEN_DIM // 2, 1)
    params = {
        "experts": experts,
        "router": {"W1": rW1, "b1": rb1, "W2": rW2, "b2": rb2},
        "unc": {"W1": uW1, "b1": ub1, "W2": uW2, "b2": ub2},
    }
    return {"x": x, "liquid_state": liquid_state, "params": params}


def _forward(x, liquid_state, params):
    Bsz, Seq, D = x.shape
    x_flat = x.reshape(-1, D)
    L = liquid_state.shape[-1]
    liq = jnp.broadcast_to(liquid_state[:, None, :], (Bsz, Seq, L)).reshape(-1, L)
    ri = jnp.concatenate([x_flat, liq], axis=-1)
    r = params["router"]
    logits = jax.nn.gelu(ri @ r["W1"] + r["b1"], approximate=False) @ r["W2"] + r["b2"]
    probs = jax.nn.softmax(logits, axis=-1)
    u = params["unc"]
    uncertainty = jax.nn.sigmoid((jax.nn.gelu(x_flat @ u["W1"] + u["b1"], approximate=False) @ u["W2"] + u["b2"])[:, 0])
    k = 2  # source code overrides adaptive k with constant 2
    topk_probs, topk_idx = jax.lax.top_k(probs, k)
    topk_probs = topk_probs / jnp.sum(topk_probs, axis=-1, keepdims=True)
    output = jnp.zeros_like(x_flat)
    loads = []
    for e in range(NUM_EXPERTS):
        ep = params["experts"][e]
        h = x_flat @ ep["W1"] + ep["b1"]
        mu = jnp.mean(h, axis=-1, keepdims=True)
        var = jnp.var(h, axis=-1, keepdims=True)
        h = (h - mu) / jnp.sqrt(var + 1e-5) * ep["g"] + ep["beta"]
        h = jax.nn.gelu(h, approximate=False)
        eo = h @ ep["W2"] + ep["b2"]
        w = jnp.zeros((x_flat.shape[0],), jnp.float32)
        load = jnp.zeros(())
        for i in range(k):
            m = (topk_idx[:, i] == e).astype(jnp.float32)
            w = w + m * topk_probs[:, i]
            load = load + jnp.sum(m)
        loads.append(load)
        output = output + w[:, None] * eo
    output = output.reshape(Bsz, Seq, D)
    expert_loads = jnp.stack(loads)
    expert_loads = expert_loads / jnp.sum(expert_loads)
    uniform = 1.0 / NUM_EXPERTS
    lb_loss = 0.01 * jnp.mean((expert_loads - uniform) ** 2)
    return output, lb_loss, expert_loads, jnp.mean(uncertainty)


def reference(x, liquid_state, params):
    return _forward(x, liquid_state, params)

if __name__ == "__main__":
    import jax
    _d = setup_inputs()
    print(jax.jit(kernel)(*tuple(_d.values())))

</pallas_src>

<mosaic_0001>
#map = affine_map<(d0, d1) -> (0, 0)>
module attributes {stable_mosaic.version = 14 : i64} {
  func.func @_dispatch_sc(%arg0: i32, %arg1: i32, %arg2: memref<4096x1024xf32, #tpu.memory_space<hbm>>, %arg3: memref<2x4096xi32, #tpu.memory_space<hbm>>, %arg4: memref<12288x1024xf32, #tpu.memory_space<hbm>>, %arg5: memref<64xi32, #tpu.memory_space<vmem>>, %arg6: memref<64x1024xf32, #tpu.memory_space<vmem>>, %arg7: memref<!tpu.dma_semaphore, #tpu.memory_space<semaphore_mem>>) attributes {dimension_semantics = [#tpu.dimension_semantics<core_parallel>, #tpu.dimension_semantics<subcore_parallel>], iteration_bounds = array<i64: 2, 16>, scalar_prefetch = 0 : i64, scratch_operands = 3 : i64, tpu.core_type = #tpu.core_type<sc_vector_subcore>, window_params = [{transform_indices = #map}, {transform_indices = #map}, {transform_indices = #map}]} {
    %mul3A = arith.constant 2 : i32
    %mul3A_0 = arith.muli %arg1, %mul3A : i32
    %add3A = arith.addi %mul3A_0, %arg0 : i32
    %jit3A = arith.constant 4 : i32
    %div3A = arith.divsi %add3A, %jit3A : i32
    %sign3A = arith.constant 0 : i32
    %sign3A_1 = arith.cmpi sgt, %add3A, %sign3A : i32
    %sign3A_2 = arith.extui %sign3A_1 : i1 to i32
    %sign3A_3 = arith.constant 0 : i32
    %sign3A_4 = arith.cmpi slt, %add3A, %sign3A_3 : i32
    %sign3A_5 = arith.extui %sign3A_4 : i1 to i32
    %sign3A_6 = arith.subi %sign3A_2, %sign3A_5 : i32
    %sign3A_7 = arith.constant 0 : i32
    %sign3A_8 = arith.cmpi sgt, %jit3A, %sign3A_7 : i32
    %sign3A_9 = arith.extui %sign3A_8 : i1 to i32
    %sign3A_10 = arith.constant 0 : i32
    %sign3A_11 = arith.cmpi slt, %jit3A, %sign3A_10 : i32
    %sign3A_12 = arith.extui %sign3A_11 : i1 to i32
    %sign3A_13 = arith.subi %sign3A_9, %sign3A_12 : i32
    %ne3A = arith.cmpi ne, %sign3A_6, %sign3A_13 : i32
    %rem3A = arith.remsi %add3A, %jit3A : i32
    %ne3A_14 = arith.constant 0 : i32
    %ne3A_15 = arith.cmpi ne, %rem3A, %ne3A_14 : i32
    %and3A = arith.andi %ne3A, %ne3A_15 : i1
    %sub3A = arith.constant 1 : i32
    %sub3A_16 = arith.subi %div3A, %sub3A : i32
    %select_n3A = arith.select %and3A, %sub3A_16, %div3A : i32
    %jit3A_17 = arith.constant 2 : i32
    %div3A_18 = arith.divsi %add3A, %jit3A_17 : i32
    %sign3A_19 = arith.constant 0 : i32
    %sign3A_20 = arith.cmpi sgt, %add3A, %sign3A_19 : i32
    %sign3A_21 = arith.extui %sign3A_20 : i1 to i32
    %sign3A_22 = arith.constant 0 : i32
    %sign3A_23 = arith.cmpi slt, %add3A, %sign3A_22 : i32
    %sign3A_24 = arith.extui %sign3A_23 : i1 to i32
    %sign3A_25 = arith.subi %sign3A_21, %sign3A_24 : i32
    %sign3A_26 = arith.constant 0 : i32
    %sign3A_27 = arith.cmpi sgt, %jit3A_17, %sign3A_26 : i32
    %sign3A_28 = arith.extui %sign3A_27 : i1 to i32
    %sign3A_29 = arith.constant 0 : i32
    %sign3A_30 = arith.cmpi slt, %jit3A_17, %sign3A_29 : i32
    %sign3A_31 = arith.extui %sign3A_30 : i1 to i32
    %sign3A_32 = arith.subi %sign3A_28, %sign3A_31 : i32
    %ne3A_33 = arith.cmpi ne, %sign3A_25, %sign3A_32 : i32
    %rem3A_34 = arith.remsi %add3A, %jit3A_17 : i32
    %ne3A_35 = arith.constant 0 : i32
    %ne3A_36 = arith.cmpi ne, %rem3A_34, %ne3A_35 : i32
    %and3A_37 = arith.andi %ne3A_33, %ne3A_36 : i1
    %sub3A_38 = arith.constant 1 : i32
    %sub3A_39 = arith.subi %div3A_18, %sub3A_38 : i32
    %select_n3A_40 = arith.select %and3A_37, %sub3A_39, %div3A_18 : i32
    %jit3A_41 = arith.constant 2 : i32
    %eq3A = arith.constant 0 : i32
    %eq3A_42 = arith.cmpi eq, %jit3A_41, %eq3A : i32
    %jit3A_43 = arith.constant 1 : i32
    %select_n3A_44 = arith.select %eq3A_42, %jit3A_43, %jit3A_41 : i32
    %rem3A_45 = arith.remsi %select_n3A_40, %select_n3A_44 : i32
    %ne3A_46 = arith.constant 0 : i32
    %ne3A_47 = arith.cmpi ne, %rem3A_45, %ne3A_46 : i32
    %lt3A = arith.constant 0 : i32
    %lt3A_48 = arith.cmpi slt, %rem3A_45, %lt3A : i32
    %lt3A_49 = arith.constant 0 : i32
    %lt3A_50 = arith.cmpi slt, %select_n3A_44, %lt3A_49 : i32
    %ne3A_51 = arith.xori %lt3A_48, %lt3A_50 : i1
    %and3A_52 = arith.andi %ne3A_51, %ne3A_47 : i1
    %add3A_53 = arith.addi %rem3A_45, %select_n3A_44 : i32
    %select_n3A_54 = arith.select %and3A_52, %add3A_53, %rem3A_45 : i32
    %jit3A_55 = arith.constant 2 : i32
    %eq3A_56 = arith.constant 0 : i32
    %eq3A_57 = arith.cmpi eq, %jit3A_55, %eq3A_56 : i32
    %jit3A_58 = arith.constant 1 : i32
    %select_n3A_59 = arith.select %eq3A_57, %jit3A_58, %jit3A_55 : i32
    %rem3A_60 = arith.remsi %add3A, %select_n3A_59 : i32
    %ne3A_61 = arith.constant 0 : i32
    %ne3A_62 = arith.cmpi ne, %rem3A_60, %ne3A_61 : i32
    %lt3A_63 = arith.constant 0 : i32
    %lt3A_64 = arith.cmpi slt, %rem3A_60, %lt3A_63 : i32
    %lt3A_65 = arith.constant 0 : i32
    %lt3A_66 = arith.cmpi slt, %select_n3A_59, %lt3A_65 : i32
    %ne3A_67 = arith.xori %lt3A_64, %lt3A_66 : i1
    %and3A_68 = arith.andi %ne3A_67, %ne3A_62 : i1
    %add3A_69 = arith.addi %rem3A_60, %select_n3A_59 : i32
    %select_n3A_70 = arith.select %and3A_68, %add3A_69, %rem3A_60 : i32
    %mul3A_71 = arith.constant 512 : i32
    %mul3A_72 = arith.muli %select_n3A, %mul3A_71 : i32
    %mul3A_73 = arith.constant 256 : i32
    %mul3A_74 = arith.muli %select_n3A_70, %mul3A_73 : i32
    %add3A_75 = arith.addi %mul3A_72, %mul3A_74 : i32
    %add3A_76 = arith.constant 0 : i32
    %add3A_77 = arith.addi %add3A_75, %add3A_76 : i32
    "tpu.region"() ({
      %run_scoped3A = tpu.sem_alloc : memref<!tpu.dma_semaphore, #tpu.memory_space<semaphore_mem>>
      %dma_start3A_106 = tpu.memref_slice %arg3[%select_n3A_54, %add3A_77] : memref<2x4096xi32, #tpu.memory_space<hbm>> -> memref<1x64xi32, #tpu.memory_space<hbm>>
      %dma_start3A_107 = tpu.memref_squeeze %dma_start3A_106 : memref<1x64xi32, #tpu.memory_space<hbm>> -> memref<64xi32, #tpu.memory_space<hbm>>
      %dma_start3A_108 = tpu.memref_slice %arg3[%select_n3A_54, %add3A_77] : memref<2x4096xi32, #tpu.memory_space<hbm>> -> memref<1x64xi32, #tpu.memory_space<hbm>>
      %dma_start3A_109 = tpu.memref_squeeze %dma_start3A_108 : memref<1x64xi32, #tpu.memory_space<hbm>> -> memref<64xi32, #tpu.memory_space<hbm>>
      tpu.enqueue_dma source(%dma_start3A_109 : memref<64xi32, #tpu.memory_space<hbm>>) target(%arg5 : memref<64xi32, #tpu.memory_space<vmem>>) target_semaphore(%run_scoped3A : memref<!tpu.dma_semaphore, #tpu.memory_space<semaphore_mem>>)
      %dma_wait3A_110 = tpu.memref_slice %arg3[%select_n3A_54, %add3A_77] : memref<2x4096xi32, #tpu.memory_space<hbm>> -> memref<1x64xi32, #tpu.memory_space<hbm>>
      %dma_wait3A_111 = tpu.memref_squeeze %dma_wait3A_110 : memref<1x64xi32, #tpu.memory_space<hbm>> -> memref<64xi32, #tpu.memory_space<hbm>>
      %dma_wait3A_112 = tpu.memref_slice %arg3[%select_n3A_54, %add3A_77] : memref<2x4096xi32, #tpu.memory_space<hbm>> -> memref<1x64xi32, #tpu.memory_space<hbm>>
      %dma_wait3A_113 = tpu.memref_squeeze %dma_wait3A_112 : memref<1x64xi32, #tpu.memory_space<hbm>> -> memref<64xi32, #tpu.memory_space<hbm>>
      tpu.wait_dma2 semaphore(%run_scoped3A : memref<!tpu.dma_semaphore, #tpu.memory_space<semaphore_mem>>) src(%dma_wait3A_113 : memref<64xi32, #tpu.memory_space<hbm>>) dst(%arg5 : memref<64xi32, #tpu.memory_space<vmem>>)
      tpu.yield
    }) : () -> ()
    "tpu.region"() ({
      %run_scoped3A = tpu.sem_alloc : memref<!tpu.dma_semaphore, #tpu.memory_space<semaphore_mem>>
      %dma_start3A_106 = arith.constant 0 : i32
      %dma_start3A_107 = tpu.memref_slice %arg2[%add3A_77, %dma_start3A_106] : memref<4096x1024xf32, #tpu.memory_space<hbm>> -> memref<64x1024xf32, #tpu.memory_space<hbm>>
      %dma_start3A_108 = arith.constant 0 : i32
      %dma_start3A_109 = tpu.memref_slice %arg2[%add3A_77, %dma_start3A_108] : memref<4096x1024xf32, #tpu.memory_space<hbm>> -> memref<64x1024xf32, #tpu.memory_space<hbm>>
      tpu.enqueue_dma source(%dma_start3A_109 : memref<64x1024xf32, #tpu.memory_space<hbm>>) target(%arg6 : memref<64x1024xf32, #tpu.memory_space<vmem>>) target_semaphore(%run_scoped3A : memref<!tpu.dma_semaphore, #tpu.memory_space<semaphore_mem>>)
      %dma_wait3A_110 = arith.constant 0 : i32
      %dma_wait3A_111 = tpu.memref_slice %arg2[%add3A_77, %dma_wait3A_110] : memref<4096x1024xf32, #tpu.memory_space<hbm>> -> memref<64x1024xf32, #tpu.memory_space<hbm>>
      %dma_wait3A_112 = arith.constant 0 : i32
      %dma_wait3A_113 = tpu.memref_slice %arg2[%add3A_77, %dma_wait3A_112] : memref<4096x1024xf32, #tpu.memory_space<hbm>> -> memref<64x1024xf32, #tpu.memory_space<hbm>>
      tpu.wait_dma2 semaphore(%run_scoped3A : memref<!tpu.dma_semaphore, #tpu.memory_space<semaphore_mem>>) src(%dma_wait3A_113 : memref<64x1024xf32, #tpu.memory_space<hbm>>) dst(%arg6 : memref<64x1024xf32, #tpu.memory_space<vmem>>)
      tpu.yield
    }) : () -> ()
    %dma_start3A = arith.constant 0 : i32
    %dma_start3A_78 = arith.constant 0 : i32
    %dma_start3A_79 = tpu.memref_slice %arg4[%dma_start3A, %dma_start3A_78] : memref<12288x1024xf32, #tpu.memory_space<hbm>> -> memref<12288x1024xf32, #tpu.memory_space<hbm>>
    tpu.enqueue_indirect_dma source(%arg6 : memref<64x1024xf32, #tpu.memory_space<vmem>>) target(%dma_start3A_79 : memref<12288x1024xf32, #tpu.memory_space<hbm>>) offsets(%arg5 : memref<64xi32, #tpu.memory_space<vmem>>) semaphore(%arg7 : memref<!tpu.dma_semaphore, #tpu.memory_space<semaphore_mem>>)
    %dma_wait3A = arith.constant 0 : i32
    %dma_wait3A_80 = arith.constant 0 : i32
    %dma_wait3A_81 = tpu.memref_slice %arg4[%dma_wait3A, %dma_wait3A_80] : memref<12288x1024xf32, #tpu.memory_space<hbm>> -> memref<12288x1024xf32, #tpu.memory_space<hbm>>
    tpu.wait_indirect_dma semaphore(%arg7 : memref<!tpu.dma_semaphore, #tpu.memory_space<semaphore_mem>>) src(%arg6 : memref<64x1024xf32, #tpu.memory_space<vmem>>) dst(%dma_wait3A_81 : memref<12288x1024xf32, #tpu.memory_space<hbm>>)
    %add3A_82 = arith.constant 64 : i32
    %add3A_83 = arith.addi %add3A_75, %add3A_82 : i32
    "tpu.region"() ({
      %run_scoped3A = tpu.sem_alloc : memref<!tpu.dma_semaphore, #tpu.memory_space<semaphore_mem>>
      %dma_start3A_106 = tpu.memref_slice %arg3[%select_n3A_54, %add3A_83] : memref<2x4096xi32, #tpu.memory_space<hbm>> -> memref<1x64xi32, #tpu.memory_space<hbm>>
      %dma_start3A_107 = tpu.memref_squeeze %dma_start3A_106 : memref<1x64xi32, #tpu.memory_space<hbm>> -> memref<64xi32, #tpu.memory_space<hbm>>
      %dma_start3A_108 = tpu.memref_slice %arg3[%select_n3A_54, %add3A_83] : memref<2x4096xi32, #tpu.memory_space<hbm>> -> memref<1x64xi32, #tpu.memory_space<hbm>>
      %dma_start3A_109 = tpu.memref_squeeze %dma_start3A_108 : memref<1x64xi32, #tpu.memory_space<hbm>> -> memref<64xi32, #tpu.memory_space<hbm>>
      tpu.enqueue_dma source(%dma_start3A_109 : memref<64xi32, #tpu.memory_space<hbm>>) target(%arg5 : memref<64xi32, #tpu.memory_space<vmem>>) target_semaphore(%run_scoped3A : memref<!tpu.dma_semaphore, #tpu.memory_space<semaphore_mem>>)
      %dma_wait3A_110 = tpu.memref_slice %arg3[%select_n3A_54, %add3A_83] : memref<2x4096xi32, #tpu.memory_space<hbm>> -> memref<1x64xi32, #tpu.memory_space<hbm>>
      %dma_wait3A_111 = tpu.memref_squeeze %dma_wait3A_110 : memref<1x64xi32, #tpu.memory_space<hbm>> -> memref<64xi32, #tpu.memory_space<hbm>>
      %dma_wait3A_112 = tpu.memref_slice %arg3[%select_n3A_54, %add3A_83] : memref<2x4096xi32, #tpu.memory_space<hbm>> -> memref<1x64xi32, #tpu.memory_space<hbm>>
      %dma_wait3A_113 = tpu.memref_squeeze %dma_wait3A_112 : memref<1x64xi32, #tpu.memory_space<hbm>> -> memref<64xi32, #tpu.memory_space<hbm>>
      tpu.wait_dma2 semaphore(%run_scoped3A : memref<!tpu.dma_semaphore, #tpu.memory_space<semaphore_mem>>) src(%dma_wait3A_113 : memref<64xi32, #tpu.memory_space<hbm>>) dst(%arg5 : memref<64xi32, #tpu.memory_space<vmem>>)
      tpu.yield
    }) : () -> ()
    "tpu.region"() ({
      %run_scoped3A = tpu.sem_alloc : memref<!tpu.dma_semaphore, #tpu.memory_space<semaphore_mem>>
      %dma_start3A_106 = arith.constant 0 : i32
      %dma_start3A_107 = tpu.memref_slice %arg2[%add3A_83, %dma_start3A_106] : memref<4096x1024xf32, #tpu.memory_space<hbm>> -> memref<64x1024xf32, #tpu.memory_space<hbm>>
      %dma_start3A_108 = arith.constant 0 : i32
      %dma_start3A_109 = tpu.memref_slice %arg2[%add3A_83, %dma_start3A_108] : memref<4096x1024xf32, #tpu.memory_space<hbm>> -> memref<64x1024xf32, #tpu.memory_space<hbm>>
      tpu.enqueue_dma source(%dma_start3A_109 : memref<64x1024xf32, #tpu.memory_space<hbm>>) target(%arg6 : memref<64x1024xf32, #tpu.memory_space<vmem>>) target_semaphore(%run_scoped3A : memref<!tpu.dma_semaphore, #tpu.memory_space<semaphore_mem>>)
      %dma_wait3A_110 = arith.constant 0 : i32
      %dma_wait3A_111 = tpu.memref_slice %arg2[%add3A_83, %dma_wait3A_110] : memref<4096x1024xf32, #tpu.memory_space<hbm>> -> memref<64x1024xf32, #tpu.memory_space<hbm>>
      %dma_wait3A_112 = arith.constant 0 : i32
      %dma_wait3A_113 = tpu.memref_slice %arg2[%add3A_83, %dma_wait3A_112] : memref<4096x1024xf32, #tpu.memory_space<hbm>> -> memref<64x1024xf32, #tpu.memory_space<hbm>>
      tpu.wait_dma2 semaphore(%run_scoped3A : memref<!tpu.dma_semaphore, #tpu.memory_space<semaphore_mem>>) src(%dma_wait3A_113 : memref<64x1024xf32, #tpu.memory_space<hbm>>) dst(%arg6 : memref<64x1024xf32, #tpu.memory_space<vmem>>)
      tpu.yield
    }) : () -> ()
    %dma_start3A_84 = arith.constant 0 : i32
    %dma_start3A_85 = arith.constant 0 : i32
    %dma_start3A_86 = tpu.memref_slice %arg4[%dma_start3A_84, %dma_start3A_85] : memref<12288x1024xf32, #tpu.memory_space<hbm>> -> memref<12288x1024xf32, #tpu.memory_space<hbm>>
    tpu.enqueue_indirect_dma source(%arg6 : memref<64x1024xf32, #tpu.memory_space<vmem>>) target(%dma_start3A_86 : memref<12288x1024xf32, #tpu.memory_space<hbm>>) offsets(%arg5 : memref<64xi32, #tpu.memory_space<vmem>>) semaphore(%arg7 : memref<!tpu.dma_semaphore, #tpu.memory_space<semaphore_mem>>)
    %dma_wait3A_87 = arith.constant 0 : i32
    %dma_wait3A_88 = arith.constant 0 : i32
    %dma_wait3A_89 = tpu.memref_slice %arg4[%dma_wait3A_87, %dma_wait3A_88] : memref<12288x1024xf32, #tpu.memory_space<hbm>> -> memref<12288x1024xf32, #tpu.memory_space<hbm>>
    tpu.wait_indirect_dma semaphore(%arg7 : memref<!tpu.dma_semaphore, #tpu.memory_space<semaphore_mem>>) src(%arg6 : memref<64x1024xf32, #tpu.memory_space<vmem>>) dst(%dma_wait3A_89 : memref<12288x1024xf32, #tpu.memory_space<hbm>>)
    %add3A_90 = arith.constant 128 : i32
    %add3A_91 = arith.addi %add3A_75, %add3A_90 : i32
    "tpu.region"() ({
      %run_scoped3A = tpu.sem_alloc : memref<!tpu.dma_semaphore, #tpu.memory_space<semaphore_mem>>
      %dma_start3A_106 = tpu.memref_slice %arg3[%select_n3A_54, %add3A_91] : memref<2x4096xi32, #tpu.memory_space<hbm>> -> memref<1x64xi32, #tpu.memory_space<hbm>>
      %dma_start3A_107 = tpu.memref_squeeze %dma_start3A_106 : memref<1x64xi32, #tpu.memory_space<hbm>> -> memref<64xi32, #tpu.memory_space<hbm>>
      %dma_start3A_108 = tpu.memref_slice %arg3[%select_n3A_54, %add3A_91] : memref<2x4096xi32, #tpu.memory_space<hbm>> -> memref<1x64xi32, #tpu.memory_space<hbm>>
      %dma_start3A_109 = tpu.memref_squeeze %dma_start3A_108 : memref<1x64xi32, #tpu.memory_space<hbm>> -> memref<64xi32, #tpu.memory_space<hbm>>
      tpu.enqueue_dma source(%dma_start3A_109 : memref<64xi32, #tpu.memory_space<hbm>>) target(%arg5 : memref<64xi32, #tpu.memory_space<vmem>>) target_semaphore(%run_scoped3A : memref<!tpu.dma_semaphore, #tpu.memory_space<semaphore_mem>>)
      %dma_wait3A_110 = tpu.memref_slice %arg3[%select_n3A_54, %add3A_91] : memref<2x4096xi32, #tpu.memory_space<hbm>> -> memref<1x64xi32, #tpu.memory_space<hbm>>
      %dma_wait3A_111 = tpu.memref_squeeze %dma_wait3A_110 : memref<1x64xi32, #tpu.memory_space<hbm>> -> memref<64xi32, #tpu.memory_space<hbm>>
      %dma_wait3A_112 = tpu.memref_slice %arg3[%select_n3A_54, %add3A_91] : memref<2x4096xi32, #tpu.memory_space<hbm>> -> memref<1x64xi32, #tpu.memory_space<hbm>>
      %dma_wait3A_113 = tpu.memref_squeeze %dma_wait3A_112 : memref<1x64xi32, #tpu.memory_space<hbm>> -> memref<64xi32, #tpu.memory_space<hbm>>
      tpu.wait_dma2 semaphore(%run_scoped3A : memref<!tpu.dma_semaphore, #tpu.memory_space<semaphore_mem>>) src(%dma_wait3A_113 : memref<64xi32, #tpu.memory_space<hbm>>) dst(%arg5 : memref<64xi32, #tpu.memory_space<vmem>>)
      tpu.yield
    }) : () -> ()
    "tpu.region"() ({
      %run_scoped3A = tpu.sem_alloc : memref<!tpu.dma_semaphore, #tpu.memory_space<semaphore_mem>>
      %dma_start3A_106 = arith.constant 0 : i32
      %dma_start3A_107 = tpu.memref_slice %arg2[%add3A_91, %dma_start3A_106] : memref<4096x1024xf32, #tpu.memory_space<hbm>> -> memref<64x1024xf32, #tpu.memory_space<hbm>>
      %dma_start3A_108 = arith.constant 0 : i32
      %dma_start3A_109 = tpu.memref_slice %arg2[%add3A_91, %dma_start3A_108] : memref<4096x1024xf32, #tpu.memory_space<hbm>> -> memref<64x1024xf32, #tpu.memory_space<hbm>>
      tpu.enqueue_dma source(%dma_start3A_109 : memref<64x1024xf32, #tpu.memory_space<hbm>>) target(%arg6 : memref<64x1024xf32, #tpu.memory_space<vmem>>) target_semaphore(%run_scoped3A : memref<!tpu.dma_semaphore, #tpu.memory_space<semaphore_mem>>)
      %dma_wait3A_110 = arith.constant 0 : i32
      %dma_wait3A_111 = tpu.memref_slice %arg2[%add3A_91, %dma_wait3A_110] : memref<4096x1024xf32, #tpu.memory_space<hbm>> -> memref<64x1024xf32, #tpu.memory_space<hbm>>
      %dma_wait3A_112 = arith.constant 0 : i32
      %dma_wait3A_113 = tpu.memref_slice %arg2[%add3A_91, %dma_wait3A_112] : memref<4096x1024xf32, #tpu.memory_space<hbm>> -> memref<64x1024xf32, #tpu.memory_space<hbm>>
      tpu.wait_dma2 semaphore(%run_scoped3A : memref<!tpu.dma_semaphore, #tpu.memory_space<semaphore_mem>>) src(%dma_wait3A_113 : memref<64x1024xf32, #tpu.memory_space<hbm>>) dst(%arg6 : memref<64x1024xf32, #tpu.memory_space<vmem>>)
      tpu.yield
    }) : () -> ()
    %dma_start3A_92 = arith.constant 0 : i32
    %dma_start3A_93 = arith.constant 0 : i32
    %dma_start3A_94 = tpu.memref_slice %arg4[%dma_start3A_92, %dma_start3A_93] : memref<12288x1024xf32, #tpu.memory_space<hbm>> -> memref<12288x1024xf32, #tpu.memory_space<hbm>>
    tpu.enqueue_indirect_dma source(%arg6 : memref<64x1024xf32, #tpu.memory_space<vmem>>) target(%dma_start3A_94 : memref<12288x1024xf32, #tpu.memory_space<hbm>>) offsets(%arg5 : memref<64xi32, #tpu.memory_space<vmem>>) semaphore(%arg7 : memref<!tpu.dma_semaphore, #tpu.memory_space<semaphore_mem>>)
    %dma_wait3A_95 = arith.constant 0 : i32
    %dma_wait3A_96 = arith.constant 0 : i32
    %dma_wait3A_97 = tpu.memref_slice %arg4[%dma_wait3A_95, %dma_wait3A_96] : memref<12288x1024xf32, #tpu.memory_space<hbm>> -> memref<12288x1024xf32, #tpu.memory_space<hbm>>
    tpu.wait_indirect_dma semaphore(%arg7 : memref<!tpu.dma_semaphore, #tpu.memory_space<semaphore_mem>>) src(%arg6 : memref<64x1024xf32, #tpu.memory_space<vmem>>) dst(%dma_wait3A_97 : memref<12288x1024xf32, #tpu.memory_space<hbm>>)
    %add3A_98 = arith.constant 192 : i32
    %add3A_99 = arith.addi %add3A_75, %add3A_98 : i32
    "tpu.region"() ({
      %run_scoped3A = tpu.sem_alloc : memref<!tpu.dma_semaphore, #tpu.memory_space<semaphore_mem>>
      %dma_start3A_106 = tpu.memref_slice %arg3[%select_n3A_54, %add3A_99] : memref<2x4096xi32, #tpu.memory_space<hbm>> -> memref<1x64xi32, #tpu.memory_space<hbm>>
      %dma_start3A_107 = tpu.memref_squeeze %dma_start3A_106 : memref<1x64xi32, #tpu.memory_space<hbm>> -> memref<64xi32, #tpu.memory_space<hbm>>
      %dma_start3A_108 = tpu.memref_slice %arg3[%select_n3A_54, %add3A_99] : memref<2x4096xi32, #tpu.memory_space<hbm>> -> memref<1x64xi32, #tpu.memory_space<hbm>>
      %dma_start3A_109 = tpu.memref_squeeze %dma_start3A_108 : memref<1x64xi32, #tpu.memory_space<hbm>> -> memref<64xi32, #tpu.memory_space<hbm>>
      tpu.enqueue_dma source(%dma_start3A_109 : memref<64xi32, #tpu.memory_space<hbm>>) target(%arg5 : memref<64xi32, #tpu.memory_space<vmem>>) target_semaphore(%run_scoped3A : memref<!tpu.dma_semaphore, #tpu.memory_space<semaphore_mem>>)
      %dma_wait3A_110 = tpu.memref_slice %arg3[%select_n3A_54, %add3A_99] : memref<2x4096xi32, #tpu.memory_space<hbm>> -> memref<1x64xi32, #tpu.memory_space<hbm>>
      %dma_wait3A_111 = tpu.memref_squeeze %dma_wait3A_110 : memref<1x64xi32, #tpu.memory_space<hbm>> -> memref<64xi32, #tpu.memory_space<hbm>>
      %dma_wait3A_112 = tpu.memref_slice %arg3[%select_n3A_54, %add3A_99] : memref<2x4096xi32, #tpu.memory_space<hbm>> -> memref<1x64xi32, #tpu.memory_space<hbm>>
      %dma_wait3A_113 = tpu.memref_squeeze %dma_wait3A_112 : memref<1x64xi32, #tpu.memory_space<hbm>> -> memref<64xi32, #tpu.memory_space<hbm>>
      tpu.wait_dma2 semaphore(%run_scoped3A : memref<!tpu.dma_semaphore, #tpu.memory_space<semaphore_mem>>) src(%dma_wait3A_113 : memref<64xi32, #tpu.memory_space<hbm>>) dst(%arg5 : memref<64xi32, #tpu.memory_space<vmem>>)
      tpu.yield
    }) : () -> ()
    "tpu.region"() ({
      %run_scoped3A = tpu.sem_alloc : memref<!tpu.dma_semaphore, #tpu.memory_space<semaphore_mem>>
      %dma_start3A_106 = arith.constant 0 : i32
      %dma_start3A_107 = tpu.memref_slice %arg2[%add3A_99, %dma_start3A_106] : memref<4096x1024xf32, #tpu.memory_space<hbm>> -> memref<64x1024xf32, #tpu.memory_space<hbm>>
      %dma_start3A_108 = arith.constant 0 : i32
      %dma_start3A_109 = tpu.memref_slice %arg2[%add3A_99, %dma_start3A_108] : memref<4096x1024xf32, #tpu.memory_space<hbm>> -> memref<64x1024xf32, #tpu.memory_space<hbm>>
      tpu.enqueue_dma source(%dma_start3A_109 : memref<64x1024xf32, #tpu.memory_space<hbm>>) target(%arg6 : memref<64x1024xf32, #tpu.memory_space<vmem>>) target_semaphore(%run_scoped3A : memref<!tpu.dma_semaphore, #tpu.memory_space<semaphore_mem>>)
      %dma_wait3A_110 = arith.constant 0 : i32
      %dma_wait3A_111 = tpu.memref_slice %arg2[%add3A_99, %dma_wait3A_110] : memref<4096x1024xf32, #tpu.memory_space<hbm>> -> memref<64x1024xf32, #tpu.memory_space<hbm>>
      %dma_wait3A_112 = arith.constant 0 : i32
      %dma_wait3A_113 = tpu.memref_slice %arg2[%add3A_99, %dma_wait3A_112] : memref<4096x1024xf32, #tpu.memory_space<hbm>> -> memref<64x1024xf32, #tpu.memory_space<hbm>>
      tpu.wait_dma2 semaphore(%run_scoped3A : memref<!tpu.dma_semaphore, #tpu.memory_space<semaphore_mem>>) src(%dma_wait3A_113 : memref<64x1024xf32, #tpu.memory_space<hbm>>) dst(%arg6 : memref<64x1024xf32, #tpu.memory_space<vmem>>)
      tpu.yield
    }) : () -> ()
    %dma_start3A_100 = arith.constant 0 : i32
    %dma_start3A_101 = arith.constant 0 : i32
    %dma_start3A_102 = tpu.memref_slice %arg4[%dma_start3A_100, %dma_start3A_101] : memref<12288x1024xf32, #tpu.memory_space<hbm>> -> memref<12288x1024xf32, #tpu.memory_space<hbm>>
    tpu.enqueue_indirect_dma source(%arg6 : memref<64x1024xf32, #tpu.memory_space<vmem>>) target(%dma_start3A_102 : memref<12288x1024xf32, #tpu.memory_space<hbm>>) offsets(%arg5 : memref<64xi32, #tpu.memory_space<vmem>>) semaphore(%arg7 : memref<!tpu.dma_semaphore, #tpu.memory_space<semaphore_mem>>)
    %dma_wait3A_103 = arith.constant 0 : i32
    %dma_wait3A_104 = arith.constant 0 : i32
    %dma_wait3A_105 = tpu.memref_slice %arg4[%dma_wait3A_103, %dma_wait3A_104] : memref<12288x1024xf32, #tpu.memory_space<hbm>> -> memref<12288x1024xf32, #tpu.memory_space<hbm>>
    tpu.wait_indirect_dma semaphore(%arg7 : memref<!tpu.dma_semaphore, #tpu.memory_space<semaphore_mem>>) src(%arg6 : memref<64x1024xf32, #tpu.memory_space<vmem>>) dst(%dma_wait3A_105 : memref<12288x1024xf32, #tpu.memory_space<hbm>>)
    return
  }
}

#map = affine_map<(d0, d1) -> (0, 0)>
module attributes {stable_mosaic.version = 14 : i64} {
  func.func @_combine_sc(%arg0: i32, %arg1: i32, %arg2: memref<12288x1024xf32, #tpu.memory_space<hbm>>, %arg3: memref<2x4096xi32, #tpu.memory_space<hbm>>, %arg4: memref<8192x1024xf32, #tpu.memory_space<hbm>>, %arg5: memref<64xi32, #tpu.memory_space<vmem>>, %arg6: memref<64x1024xf32, #tpu.memory_space<vmem>>, %arg7: memref<!tpu.dma_semaphore, #tpu.memory_space<semaphore_mem>>) attributes {dimension_semantics = [#tpu.dimension_semantics<core_parallel>, #tpu.dimension_semantics<subcore_parallel>], iteration_bounds = array<i64: 2, 16>, scalar_prefetch = 0 : i64, scratch_operands = 3 : i64, tpu.core_type = #tpu.core_type<sc_vector_subcore>, window_params = [{transform_indices = #map}, {transform_indices = #map}, {transform_indices = #map}]} {
    %mul3A = arith.constant 2 : i32
    %mul3A_0 = arith.muli %arg1, %mul3A : i32
    %add3A = arith.addi %mul3A_0, %arg0 : i32
    %jit3A = arith.constant 4 : i32
    %div3A = arith.divsi %add3A, %jit3A : i32
    %sign3A = arith.constant 0 : i32
    %sign3A_1 = arith.cmpi sgt, %add3A, %sign3A : i32
    %sign3A_2 = arith.extui %sign3A_1 : i1 to i32
    %sign3A_3 = arith.constant 0 : i32
    %sign3A_4 = arith.cmpi slt, %add3A, %sign3A_3 : i32
    %sign3A_5 = arith.extui %sign3A_4 : i1 to i32
    %sign3A_6 = arith.subi %sign3A_2, %sign3A_5 : i32
    %sign3A_7 = arith.constant 0 : i32
    %sign3A_8 = arith.cmpi sgt, %jit3A, %sign3A_7 : i32
    %sign3A_9 = arith.extui %sign3A_8 : i1 to i32
    %sign3A_10 = arith.constant 0 : i32
    %sign3A_11 = arith.cmpi slt, %jit3A, %sign3A_10 : i32
    %sign3A_12 = arith.extui %sign3A_11 : i1 to i32
    %sign3A_13 = arith.subi %sign3A_9, %sign3A_12 : i32
    %ne3A = arith.cmpi ne, %sign3A_6, %sign3A_13 : i32
    %rem3A = arith.remsi %add3A, %jit3A : i32
    %ne3A_14 = arith.constant 0 : i32
    %ne3A_15 = arith.cmpi ne, %rem3A, %ne3A_14 : i32
    %and3A = arith.andi %ne3A, %ne3A_15 : i1
    %sub3A = arith.constant 1 : i32
    %sub3A_16 = arith.subi %div3A, %sub3A : i32
    %select_n3A = arith.select %and3A, %sub3A_16, %div3A : i32
    %jit3A_17 = arith.constant 2 : i32
    %div3A_18 = arith.divsi %add3A, %jit3A_17 : i32
    %sign3A_19 = arith.constant 0 : i32
    %sign3A_20 = arith.cmpi sgt, %add3A, %sign3A_19 : i32
    %sign3A_21 = arith.extui %sign3A_20 : i1 to i32
    %sign3A_22 = arith.constant 0 : i32
    %sign3A_23 = arith.cmpi slt, %add3A, %sign3A_22 : i32
    %sign3A_24 = arith.extui %sign3A_23 : i1 to i32
    %sign3A_25 = arith.subi %sign3A_21, %sign3A_24 : i32
    %sign3A_26 = arith.constant 0 : i32
    %sign3A_27 = arith.cmpi sgt, %jit3A_17, %sign3A_26 : i32
    %sign3A_28 = arith.extui %sign3A_27 : i1 to i32
    %sign3A_29 = arith.constant 0 : i32
    %sign3A_30 = arith.cmpi slt, %jit3A_17, %sign3A_29 : i32
    %sign3A_31 = arith.extui %sign3A_30 : i1 to i32
    %sign3A_32 = arith.subi %sign3A_28, %sign3A_31 : i32
    %ne3A_33 = arith.cmpi ne, %sign3A_25, %sign3A_32 : i32
    %rem3A_34 = arith.remsi %add3A, %jit3A_17 : i32
    %ne3A_35 = arith.constant 0 : i32
    %ne3A_36 = arith.cmpi ne, %rem3A_34, %ne3A_35 : i32
    %and3A_37 = arith.andi %ne3A_33, %ne3A_36 : i1
    %sub3A_38 = arith.constant 1 : i32
    %sub3A_39 = arith.subi %div3A_18, %sub3A_38 : i32
    %select_n3A_40 = arith.select %and3A_37, %sub3A_39, %div3A_18 : i32
    %jit3A_41 = arith.constant 2 : i32
    %eq3A = arith.constant 0 : i32
    %eq3A_42 = arith.cmpi eq, %jit3A_41, %eq3A : i32
    %jit3A_43 = arith.constant 1 : i32
    %select_n3A_44 = arith.select %eq3A_42, %jit3A_43, %jit3A_41 : i32
    %rem3A_45 = arith.remsi %select_n3A_40, %select_n3A_44 : i32
    %ne3A_46 = arith.constant 0 : i32
    %ne3A_47 = arith.cmpi ne, %rem3A_45, %ne3A_46 : i32
    %lt3A = arith.constant 0 : i32
    %lt3A_48 = arith.cmpi slt, %rem3A_45, %lt3A : i32
    %lt3A_49 = arith.constant 0 : i32
    %lt3A_50 = arith.cmpi slt, %select_n3A_44, %lt3A_49 : i32
    %ne3A_51 = arith.xori %lt3A_48, %lt3A_50 : i1
    %and3A_52 = arith.andi %ne3A_51, %ne3A_47 : i1
    %add3A_53 = arith.addi %rem3A_45, %select_n3A_44 : i32
    %select_n3A_54 = arith.select %and3A_52, %add3A_53, %rem3A_45 : i32
    %jit3A_55 = arith.constant 2 : i32
    %eq3A_56 = arith.constant 0 : i32
    %eq3A_57 = arith.cmpi eq, %jit3A_55, %eq3A_56 : i32
    %jit3A_58 = arith.constant 1 : i32
    %select_n3A_59 = arith.select %eq3A_57, %jit3A_58, %jit3A_55 : i32
    %rem3A_60 = arith.remsi %add3A, %select_n3A_59 : i32
    %ne3A_61 = arith.constant 0 : i32
    %ne3A_62 = arith.cmpi ne, %rem3A_60, %ne3A_61 : i32
    %lt3A_63 = arith.constant 0 : i32
    %lt3A_64 = arith.cmpi slt, %rem3A_60, %lt3A_63 : i32
    %lt3A_65 = arith.constant 0 : i32
    %lt3A_66 = arith.cmpi slt, %select_n3A_59, %lt3A_65 : i32
    %ne3A_67 = arith.xori %lt3A_64, %lt3A_66 : i1
    %and3A_68 = arith.andi %ne3A_67, %ne3A_62 : i1
    %add3A_69 = arith.addi %rem3A_60, %select_n3A_59 : i32
    %select_n3A_70 = arith.select %and3A_68, %add3A_69, %rem3A_60 : i32
    %mul3A_71 = arith.constant 512 : i32
    %mul3A_72 = arith.muli %select_n3A, %mul3A_71 : i32
    %mul3A_73 = arith.constant 256 : i32
    %mul3A_74 = arith.muli %select_n3A_70, %mul3A_73 : i32
    %add3A_75 = arith.addi %mul3A_72, %mul3A_74 : i32
    %add3A_76 = arith.constant 0 : i32
    %add3A_77 = arith.addi %add3A_75, %add3A_76 : i32
    "tpu.region"() ({
      %run_scoped3A = tpu.sem_alloc : memref<!tpu.dma_semaphore, #tpu.memory_space<semaphore_mem>>
      %dma_start3A_118 = tpu.memref_slice %arg3[%select_n3A_54, %add3A_77] : memref<2x4096xi32, #tpu.memory_space<hbm>> -> memref<1x64xi32, #tpu.memory_space<hbm>>
      %dma_start3A_119 = tpu.memref_squeeze %dma_start3A_118 : memref<1x64xi32, #tpu.memory_space<hbm>> -> memref<64xi32, #tpu.memory_space<hbm>>
      %dma_start3A_120 = tpu.memref_slice %arg3[%select_n3A_54, %add3A_77] : memref<2x4096xi32, #tpu.memory_space<hbm>> -> memref<1x64xi32, #tpu.memory_space<hbm>>
      %dma_start3A_121 = tpu.memref_squeeze %dma_start3A_120 : memref<1x64xi32, #tpu.memory_space<hbm>> -> memref<64xi32, #tpu.memory_space<hbm>>
      tpu.enqueue_dma source(%dma_start3A_121 : memref<64xi32, #tpu.memory_space<hbm>>) target(%arg5 : memref<64xi32, #tpu.memory_space<vmem>>) target_semaphore(%run_scoped3A : memref<!tpu.dma_semaphore, #tpu.memory_space<semaphore_mem>>)
      %dma_wait3A_122 = tpu.memref_slice %arg3[%select_n3A_54, %add3A_77] : memref<2x4096xi32, #tpu.memory_space<hbm>> -> memref<1x64xi32, #tpu.memory_space<hbm>>
      %dma_wait3A_123 = tpu.memref_squeeze %dma_wait3A_122 : memref<1x64xi32, #tpu.memory_space<hbm>> -> memref<64xi32, #tpu.memory_space<hbm>>
      %dma_wait3A_124 = tpu.memref_slice %arg3[%select_n3A_54, %add3A_77] : memref<2x4096xi32, #tpu.memory_space<hbm>> -> memref<1x64xi32, #tpu.memory_space<hbm>>
      %dma_wait3A_125 = tpu.memref_squeeze %dma_wait3A_124 : memref<1x64xi32, #tpu.memory_space<hbm>> -> memref<64xi32, #tpu.memory_space<hbm>>
      tpu.wait_dma2 semaphore(%run_scoped3A : memref<!tpu.dma_semaphore, #tpu.memory_space<semaphore_mem>>) src(%dma_wait3A_125 : memref<64xi32, #tpu.memory_space<hbm>>) dst(%arg5 : memref<64xi32, #tpu.memory_space<vmem>>)
      tpu.yield
    }) : () -> ()
    %dma_start3A = arith.constant 0 : i32
    %dma_start3A_78 = arith.constant 0 : i32
    %dma_start3A_79 = tpu.memref_slice %arg2[%dma_start3A, %dma_start3A_78] : memref<12288x1024xf32, #tpu.memory_space<hbm>> -> memref<12288x1024xf32, #tpu.memory_space<hbm>>
    tpu.enqueue_indirect_dma source(%dma_start3A_79 : memref<12288x1024xf32, #tpu.memory_space<hbm>>) target(%arg6 : memref<64x1024xf32, #tpu.memory_space<vmem>>) offsets(%arg5 : memref<64xi32, #tpu.memory_space<vmem>>) semaphore(%arg7 : memref<!tpu.dma_semaphore, #tpu.memory_space<semaphore_mem>>)
    %dma_wait3A = arith.constant 0 : i32
    %dma_wait3A_80 = arith.constant 0 : i32
    %dma_wait3A_81 = tpu.memref_slice %arg2[%dma_wait3A, %dma_wait3A_80] : memref<12288x1024xf32, #tpu.memory_space<hbm>> -> memref<12288x1024xf32, #tpu.memory_space<hbm>>
    tpu.wait_indirect_dma semaphore(%arg7 : memref<!tpu.dma_semaphore, #tpu.memory_space<semaphore_mem>>) src(%dma_wait3A_81 : memref<12288x1024xf32, #tpu.memory_space<hbm>>) dst(%arg6 : memref<64x1024xf32, #tpu.memory_space<vmem>>)
    %mul3A_82 = arith.constant 4096 : i32
    %mul3A_83 = arith.muli %select_n3A_54, %mul3A_82 : i32
    %add3A_84 = arith.addi %mul3A_83, %add3A_77 : i32
    "tpu.region"() ({
      %run_scoped3A = tpu.sem_alloc : memref<!tpu.dma_semaphore, #tpu.memory_space<semaphore_mem>>
      %dma_start3A_118 = arith.constant 0 : i32
      %dma_start3A_119 = tpu.memref_slice %arg4[%add3A_84, %dma_start3A_118] : memref<8192x1024xf32, #tpu.memory_space<hbm>> -> memref<64x1024xf32, #tpu.memory_space<hbm>>
      %dma_start3A_120 = arith.constant 0 : i32
      %dma_start3A_121 = tpu.memref_slice %arg4[%add3A_84, %dma_start3A_120] : memref<8192x1024xf32, #tpu.memory_space<hbm>> -> memref<64x1024xf32, #tpu.memory_space<hbm>>
      tpu.enqueue_dma source(%arg6 : memref<64x1024xf32, #tpu.memory_space<vmem>>) target(%dma_start3A_121 : memref<64x1024xf32, #tpu.memory_space<hbm>>) target_semaphore(%run_scoped3A : memref<!tpu.dma_semaphore, #tpu.memory_space<semaphore_mem>>)
      %dma_wait3A_122 = arith.constant 0 : i32
      %dma_wait3A_123 = tpu.memref_slice %arg4[%add3A_84, %dma_wait3A_122] : memref<8192x1024xf32, #tpu.memory_space<hbm>> -> memref<64x1024xf32, #tpu.memory_space<hbm>>
      %dma_wait3A_124 = arith.constant 0 : i32
      %dma_wait3A_125 = tpu.memref_slice %arg4[%add3A_84, %dma_wait3A_124] : memref<8192x1024xf32, #tpu.memory_space<hbm>> -> memref<64x1024xf32, #tpu.memory_space<hbm>>
      tpu.wait_dma2 semaphore(%run_scoped3A : memref<!tpu.dma_semaphore, #tpu.memory_space<semaphore_mem>>) src(%arg6 : memref<64x1024xf32, #tpu.memory_space<vmem>>) dst(%dma_wait3A_125 : memref<64x1024xf32, #tpu.memory_space<hbm>>)
      tpu.yield
    }) : () -> ()
    %add3A_85 = arith.constant 64 : i32
    %add3A_86 = arith.addi %add3A_75, %add3A_85 : i32
    "tpu.region"() ({
      %run_scoped3A = tpu.sem_alloc : memref<!tpu.dma_semaphore, #tpu.memory_space<semaphore_mem>>
      %dma_start3A_118 = tpu.memref_slice %arg3[%select_n3A_54, %add3A_86] : memref<2x4096xi32, #tpu.memory_space<hbm>> -> memref<1x64xi32, #tpu.memory_space<hbm>>
      %dma_start3A_119 = tpu.memref_squeeze %dma_start3A_118 : memref<1x64xi32, #tpu.memory_space<hbm>> -> memref<64xi32, #tpu.memory_space<hbm>>
      %dma_start3A_120 = tpu.memref_slice %arg3[%select_n3A_54, %add3A_86] : memref<2x4096xi32, #tpu.memory_space<hbm>> -> memref<1x64xi32, #tpu.memory_space<hbm>>
      %dma_start3A_121 = tpu.memref_squeeze %dma_start3A_120 : memref<1x64xi32, #tpu.memory_space<hbm>> -> memref<64xi32, #tpu.memory_space<hbm>>
      tpu.enqueue_dma source(%dma_start3A_121 : memref<64xi32, #tpu.memory_space<hbm>>) target(%arg5 : memref<64xi32, #tpu.memory_space<vmem>>) target_semaphore(%run_scoped3A : memref<!tpu.dma_semaphore, #tpu.memory_space<semaphore_mem>>)
      %dma_wait3A_122 = tpu.memref_slice %arg3[%select_n3A_54, %add3A_86] : memref<2x4096xi32, #tpu.memory_space<hbm>> -> memref<1x64xi32, #tpu.memory_space<hbm>>
      %dma_wait3A_123 = tpu.memref_squeeze %dma_wait3A_122 : memref<1x64xi32, #tpu.memory_space<hbm>> -> memref<64xi32, #tpu.memory_space<hbm>>
      %dma_wait3A_124 = tpu.memref_slice %arg3[%select_n3A_54, %add3A_86] : memref<2x4096xi32, #tpu.memory_space<hbm>> -> memref<1x64xi32, #tpu.memory_space<hbm>>
      %dma_wait3A_125 = tpu.memref_squeeze %dma_wait3A_124 : memref<1x64xi32, #tpu.memory_space<hbm>> -> memref<64xi32, #tpu.memory_space<hbm>>
      tpu.wait_dma2 semaphore(%run_scoped3A : memref<!tpu.dma_semaphore, #tpu.memory_space<semaphore_mem>>) src(%dma_wait3A_125 : memref<64xi32, #tpu.memory_space<hbm>>) dst(%arg5 : memref<64xi32, #tpu.memory_space<vmem>>)
      tpu.yield
    }) : () -> ()
    %dma_start3A_87 = arith.constant 0 : i32
    %dma_start3A_88 = arith.constant 0 : i32
    %dma_start3A_89 = tpu.memref_slice %arg2[%dma_start3A_87, %dma_start3A_88] : memref<12288x1024xf32, #tpu.memory_space<hbm>> -> memref<12288x1024xf32, #tpu.memory_space<hbm>>
    tpu.enqueue_indirect_dma source(%dma_start3A_89 : memref<12288x1024xf32, #tpu.memory_space<hbm>>) target(%arg6 : memref<64x1024xf32, #tpu.memory_space<vmem>>) offsets(%arg5 : memref<64xi32, #tpu.memory_space<vmem>>) semaphore(%arg7 : memref<!tpu.dma_semaphore, #tpu.memory_space<semaphore_mem>>)
    %dma_wait3A_90 = arith.constant 0 : i32
    %dma_wait3A_91 = arith.constant 0 : i32
    %dma_wait3A_92 = tpu.memref_slice %arg2[%dma_wait3A_90, %dma_wait3A_91] : memref<12288x1024xf32, #tpu.memory_space<hbm>> -> memref<12288x1024xf32, #tpu.memory_space<hbm>>
    tpu.wait_indirect_dma semaphore(%arg7 : memref<!tpu.dma_semaphore, #tpu.memory_space<semaphore_mem>>) src(%dma_wait3A_92 : memref<12288x1024xf32, #tpu.memory_space<hbm>>) dst(%arg6 : memref<64x1024xf32, #tpu.memory_space<vmem>>)
    %mul3A_93 = arith.constant 4096 : i32
    %mul3A_94 = arith.muli %select_n3A_54, %mul3A_93 : i32
    %add3A_95 = arith.addi %mul3A_94, %add3A_86 : i32
    "tpu.region"() ({
      %run_scoped3A = tpu.sem_alloc : memref<!tpu.dma_semaphore, #tpu.memory_space<semaphore_mem>>
      %dma_start3A_118 = arith.constant 0 : i32
      %dma_start3A_119 = tpu.memref_slice %arg4[%add3A_95, %dma_start3A_118] : memref<8192x1024xf32, #tpu.memory_space<hbm>> -> memref<64x1024xf32, #tpu.memory_space<hbm>>
      %dma_start3A_120 = arith.constant 0 : i32
      %dma_start3A_121 = tpu.memref_slice %arg4[%add3A_95, %dma_start3A_120] : memref<8192x1024xf32, #tpu.memory_space<hbm>> -> memref<64x1024xf32, #tpu.memory_space<hbm>>
      tpu.enqueue_dma source(%arg6 : memref<64x1024xf32, #tpu.memory_space<vmem>>) target(%dma_start3A_121 : memref<64x1024xf32, #tpu.memory_space<hbm>>) target_semaphore(%run_scoped3A : memref<!tpu.dma_semaphore, #tpu.memory_space<semaphore_mem>>)
      %dma_wait3A_122 = arith.constant 0 : i32
      %dma_wait3A_123 = tpu.memref_slice %arg4[%add3A_95, %dma_wait3A_122] : memref<8192x1024xf32, #tpu.memory_space<hbm>> -> memref<64x1024xf32, #tpu.memory_space<hbm>>
      %dma_wait3A_124 = arith.constant 0 : i32
      %dma_wait3A_125 = tpu.memref_slice %arg4[%add3A_95, %dma_wait3A_124] : memref<8192x1024xf32, #tpu.memory_space<hbm>> -> memref<64x1024xf32, #tpu.memory_space<hbm>>
      tpu.wait_dma2 semaphore(%run_scoped3A : memref<!tpu.dma_semaphore, #tpu.memory_space<semaphore_mem>>) src(%arg6 : memref<64x1024xf32, #tpu.memory_space<vmem>>) dst(%dma_wait3A_125 : memref<64x1024xf32, #tpu.memory_space<hbm>>)
      tpu.yield
    }) : () -> ()
    %add3A_96 = arith.constant 128 : i32
    %add3A_97 = arith.addi %add3A_75, %add3A_96 : i32
    "tpu.region"() ({
      %run_scoped3A = tpu.sem_alloc : memref<!tpu.dma_semaphore, #tpu.memory_space<semaphore_mem>>
      %dma_start3A_118 = tpu.memref_slice %arg3[%select_n3A_54, %add3A_97] : memref<2x4096xi32, #tpu.memory_space<hbm>> -> memref<1x64xi32, #tpu.memory_space<hbm>>
      %dma_start3A_119 = tpu.memref_squeeze %dma_start3A_118 : memref<1x64xi32, #tpu.memory_space<hbm>> -> memref<64xi32, #tpu.memory_space<hbm>>
      %dma_start3A_120 = tpu.memref_slice %arg3[%select_n3A_54, %add3A_97] : memref<2x4096xi32, #tpu.memory_space<hbm>> -> memref<1x64xi32, #tpu.memory_space<hbm>>
      %dma_start3A_121 = tpu.memref_squeeze %dma_start3A_120 : memref<1x64xi32, #tpu.memory_space<hbm>> -> memref<64xi32, #tpu.memory_space<hbm>>
      tpu.enqueue_dma source(%dma_start3A_121 : memref<64xi32, #tpu.memory_space<hbm>>) target(%arg5 : memref<64xi32, #tpu.memory_space<vmem>>) target_semaphore(%run_scoped3A : memref<!tpu.dma_semaphore, #tpu.memory_space<semaphore_mem>>)
      %dma_wait3A_122 = tpu.memref_slice %arg3[%select_n3A_54, %add3A_97] : memref<2x4096xi32, #tpu.memory_space<hbm>> -> memref<1x64xi32, #tpu.memory_space<hbm>>
      %dma_wait3A_123 = tpu.memref_squeeze %dma_wait3A_122 : memref<1x64xi32, #tpu.memory_space<hbm>> -> memref<64xi32, #tpu.memory_space<hbm>>
      %dma_wait3A_124 = tpu.memref_slice %arg3[%select_n3A_54, %add3A_97] : memref<2x4096xi32, #tpu.memory_space<hbm>> -> memref<1x64xi32, #tpu.memory_space<hbm>>
      %dma_wait3A_125 = tpu.memref_squeeze %dma_wait3A_124 : memref<1x64xi32, #tpu.memory_space<hbm>> -> memref<64xi32, #tpu.memory_space<hbm>>
      tpu.wait_dma2 semaphore(%run_scoped3A : memref<!tpu.dma_semaphore, #tpu.memory_space<semaphore_mem>>) src(%dma_wait3A_125 : memref<64xi32, #tpu.memory_space<hbm>>) dst(%arg5 : memref<64xi32, #tpu.memory_space<vmem>>)
      tpu.yield
    }) : () -> ()
    %dma_start3A_98 = arith.constant 0 : i32
    %dma_start3A_99 = arith.constant 0 : i32
    %dma_start3A_100 = tpu.memref_slice %arg2[%dma_start3A_98, %dma_start3A_99] : memref<12288x1024xf32, #tpu.memory_space<hbm>> -> memref<12288x1024xf32, #tpu.memory_space<hbm>>
    tpu.enqueue_indirect_dma source(%dma_start3A_100 : memref<12288x1024xf32, #tpu.memory_space<hbm>>) target(%arg6 : memref<64x1024xf32, #tpu.memory_space<vmem>>) offsets(%arg5 : memref<64xi32, #tpu.memory_space<vmem>>) semaphore(%arg7 : memref<!tpu.dma_semaphore, #tpu.memory_space<semaphore_mem>>)
    %dma_wait3A_101 = arith.constant 0 : i32
    %dma_wait3A_102 = arith.constant 0 : i32
    %dma_wait3A_103 = tpu.memref_slice %arg2[%dma_wait3A_101, %dma_wait3A_102] : memref<12288x1024xf32, #tpu.memory_space<hbm>> -> memref<12288x1024xf32, #tpu.memory_space<hbm>>
    tpu.wait_indirect_dma semaphore(%arg7 : memref<!tpu.dma_semaphore, #tpu.memory_space<semaphore_mem>>) src(%dma_wait3A_103 : memref<12288x1024xf32, #tpu.memory_space<hbm>>) dst(%arg6 : memref<64x1024xf32, #tpu.memory_space<vmem>>)
    %mul3A_104 = arith.constant 4096 : i32
    %mul3A_105 = arith.muli %select_n3A_54, %mul3A_104 : i32
    %add3A_106 = arith.addi %mul3A_105, %add3A_97 : i32
    "tpu.region"() ({
      %run_scoped3A = tpu.sem_alloc : memref<!tpu.dma_semaphore, #tpu.memory_space<semaphore_mem>>
      %dma_start3A_118 = arith.constant 0 : i32
      %dma_start3A_119 = tpu.memref_slice %arg4[%add3A_106, %dma_start3A_118] : memref<8192x1024xf32, #tpu.memory_space<hbm>> -> memref<64x1024xf32, #tpu.memory_space<hbm>>
      %dma_start3A_120 = arith.constant 0 : i32
      %dma_start3A_121 = tpu.memref_slice %arg4[%add3A_106, %dma_start3A_120] : memref<8192x1024xf32, #tpu.memory_space<hbm>> -> memref<64x1024xf32, #tpu.memory_space<hbm>>
      tpu.enqueue_dma source(%arg6 : memref<64x1024xf32, #tpu.memory_space<vmem>>) target(%dma_start3A_121 : memref<64x1024xf32, #tpu.memory_space<hbm>>) target_semaphore(%run_scoped3A : memref<!tpu.dma_semaphore, #tpu.memory_space<semaphore_mem>>)
      %dma_wait3A_122 = arith.constant 0 : i32
      %dma_wait3A_123 = tpu.memref_slice %arg4[%add3A_106, %dma_wait3A_122] : memref<8192x1024xf32, #tpu.memory_space<hbm>> -> memref<64x1024xf32, #tpu.memory_space<hbm>>
      %dma_wait3A_124 = arith.constant 0 : i32
      %dma_wait3A_125 = tpu.memref_slice %arg4[%add3A_106, %dma_wait3A_124] : memref<8192x1024xf32, #tpu.memory_space<hbm>> -> memref<64x1024xf32, #tpu.memory_space<hbm>>
      tpu.wait_dma2 semaphore(%run_scoped3A : memref<!tpu.dma_semaphore, #tpu.memory_space<semaphore_mem>>) src(%arg6 : memref<64x1024xf32, #tpu.memory_space<vmem>>) dst(%dma_wait3A_125 : memref<64x1024xf32, #tpu.memory_space<hbm>>)
      tpu.yield
    }) : () -> ()
    %add3A_107 = arith.constant 192 : i32
    %add3A_108 = arith.addi %add3A_75, %add3A_107 : i32
    "tpu.region"() ({
      %run_scoped3A = tpu.sem_alloc : memref<!tpu.dma_semaphore, #tpu.memory_space<semaphore_mem>>
      %dma_start3A_118 = tpu.memref_slice %arg3[%select_n3A_54, %add3A_108] : memref<2x4096xi32, #tpu.memory_space<hbm>> -> memref<1x64xi32, #tpu.memory_space<hbm>>
      %dma_start3A_119 = tpu.memref_squeeze %dma_start3A_118 : memref<1x64xi32, #tpu.memory_space<hbm>> -> memref<64xi32, #tpu.memory_space<hbm>>
      %dma_start3A_120 = tpu.memref_slice %arg3[%select_n3A_54, %add3A_108] : memref<2x4096xi32, #tpu.memory_space<hbm>> -> memref<1x64xi32, #tpu.memory_space<hbm>>
      %dma_start3A_121 = tpu.memref_squeeze %dma_start3A_120 : memref<1x64xi32, #tpu.memory_space<hbm>> -> memref<64xi32, #tpu.memory_space<hbm>>
      tpu.enqueue_dma source(%dma_start3A_121 : memref<64xi32, #tpu.memory_space<hbm>>) target(%arg5 : memref<64xi32, #tpu.memory_space<vmem>>) target_semaphore(%run_scoped3A : memref<!tpu.dma_semaphore, #tpu.memory_space<semaphore_mem>>)
      %dma_wait3A_122 = tpu.memref_slice %arg3[%select_n3A_54, %add3A_108] : memref<2x4096xi32, #tpu.memory_space<hbm>> -> memref<1x64xi32, #tpu.memory_space<hbm>>
      %dma_wait3A_123 = tpu.memref_squeeze %dma_wait3A_122 : memref<1x64xi32, #tpu.memory_space<hbm>> -> memref<64xi32, #tpu.memory_space<hbm>>
      %dma_wait3A_124 = tpu.memref_slice %arg3[%select_n3A_54, %add3A_108] : memref<2x4096xi32, #tpu.memory_space<hbm>> -> memref<1x64xi32, #tpu.memory_space<hbm>>
      %dma_wait3A_125 = tpu.memref_squeeze %dma_wait3A_124 : memref<1x64xi32, #tpu.memory_space<hbm>> -> memref<64xi32, #tpu.memory_space<hbm>>
      tpu.wait_dma2 semaphore(%run_scoped3A : memref<!tpu.dma_semaphore, #tpu.memory_space<semaphore_mem>>) src(%dma_wait3A_125 : memref<64xi32, #tpu.memory_space<hbm>>) dst(%arg5 : memref<64xi32, #tpu.memory_space<vmem>>)
      tpu.yield
    }) : () -> ()
    %dma_start3A_109 = arith.constant 0 : i32
    %dma_start3A_110 = arith.constant 0 : i32
    %dma_start3A_111 = tpu.memref_slice %arg2[%dma_start3A_109, %dma_start3A_110] : memref<12288x1024xf32, #tpu.memory_space<hbm>> -> memref<12288x1024xf32, #tpu.memory_space<hbm>>
    tpu.enqueue_indirect_dma source(%dma_start3A_111 : memref<12288x1024xf32, #tpu.memory_space<hbm>>) target(%arg6 : memref<64x1024xf32, #tpu.memory_space<vmem>>) offsets(%arg5 : memref<64xi32, #tpu.memory_space<vmem>>) semaphore(%arg7 : memref<!tpu.dma_semaphore, #tpu.memory_space<semaphore_mem>>)
    %dma_wait3A_112 = arith.constant 0 : i32
    %dma_wait3A_113 = arith.constant 0 : i32
    %dma_wait3A_114 = tpu.memref_slice %arg2[%dma_wait3A_112, %dma_wait3A_113] : memref<12288x1024xf32, #tpu.memory_space<hbm>> -> memref<12288x1024xf32, #tpu.memory_space<hbm>>
    tpu.wait_indirect_dma semaphore(%arg7 : memref<!tpu.dma_semaphore, #tpu.memory_space<semaphore_mem>>) src(%dma_wait3A_114 : memref<12288x1024xf32, #tpu.memory_space<hbm>>) dst(%arg6 : memref<64x1024xf32, #tpu.memory_space<vmem>>)
    %mul3A_115 = arith.constant 4096 : i32
    %mul3A_116 = arith.muli %select_n3A_54, %mul3A_115 : i32
    %add3A_117 = arith.addi %mul3A_116, %add3A_108 : i32
    "tpu.region"() ({
      %run_scoped3A = tpu.sem_alloc : memref<!tpu.dma_semaphore, #tpu.memory_space<semaphore_mem>>
      %dma_start3A_118 = arith.constant 0 : i32
      %dma_start3A_119 = tpu.memref_slice %arg4[%add3A_117, %dma_start3A_118] : memref<8192x1024xf32, #tpu.memory_space<hbm>> -> memref<64x1024xf32, #tpu.memory_space<hbm>>
      %dma_start3A_120 = arith.constant 0 : i32
      %dma_start3A_121 = tpu.memref_slice %arg4[%add3A_117, %dma_start3A_120] : memref<8192x1024xf32, #tpu.memory_space<hbm>> -> memref<64x1024xf32, #tpu.memory_space<hbm>>
      tpu.enqueue_dma source(%arg6 : memref<64x1024xf32, #tpu.memory_space<vmem>>) target(%dma_start3A_121 : memref<64x1024xf32, #tpu.memory_space<hbm>>) target_semaphore(%run_scoped3A : memref<!tpu.dma_semaphore, #tpu.memory_space<semaphore_mem>>)
      %dma_wait3A_122 = arith.constant 0 : i32
      %dma_wait3A_123 = tpu.memref_slice %arg4[%add3A_117, %dma_wait3A_122] : memref<8192x1024xf32, #tpu.memory_space<hbm>> -> memref<64x1024xf32, #tpu.memory_space<hbm>>
      %dma_wait3A_124 = arith.constant 0 : i32
      %dma_wait3A_125 = tpu.memref_slice %arg4[%add3A_117, %dma_wait3A_124] : memref<8192x1024xf32, #tpu.memory_space<hbm>> -> memref<64x1024xf32, #tpu.memory_space<hbm>>
      tpu.wait_dma2 semaphore(%run_scoped3A : memref<!tpu.dma_semaphore, #tpu.memory_space<semaphore_mem>>) src(%arg6 : memref<64x1024xf32, #tpu.memory_space<vmem>>) dst(%dma_wait3A_125 : memref<64x1024xf32, #tpu.memory_space<hbm>>)
      tpu.yield
    }) : () -> ()
    return
  }
}

module attributes {stable_mosaic.version = 14 : i64} {
  func.func @_router_body(%arg0: i32, %arg1: memref<512x1024xf32, #tpu.memory_space<vmem>>, %arg2: memref<512x256xf32, #tpu.memory_space<vmem>>, %arg3: memref<1024x512xf32, #tpu.memory_space<vmem>>, %arg4: memref<256x512xf32, #tpu.memory_space<vmem>>, %arg5: memref<1x512xf32, #tpu.memory_space<vmem>>, %arg6: memref<512x128xf32, #tpu.memory_space<vmem>>, %arg7: memref<1x128xf32, #tpu.memory_space<vmem>>, %arg8: memref<1024x256xf32, #tpu.memory_space<vmem>>, %arg9: memref<1x256xf32, #tpu.memory_space<vmem>>, %arg10: memref<256x128xf32, #tpu.memory_space<vmem>>, %arg11: memref<1x128xf32, #tpu.memory_space<vmem>>, %arg12: memref<512x512xf32, #tpu.memory_space<vmem>>, %arg13: memref<512x128xf32, #tpu.memory_space<vmem>>, %arg14: memref<512x128xf32, #tpu.memory_space<vmem>>, %arg15: memref<512x128xf32, #tpu.memory_space<vmem>>, %arg16: memref<8x128xf32, #tpu.memory_space<vmem>>, %arg17: memref<1x128xf32, #tpu.memory_space<vmem>>) attributes {dimension_semantics = [#tpu.dimension_semantics<arbitrary>], iteration_bounds = array<i64: 8>, scalar_prefetch = 0 : i64, scratch_operands = 1 : i64, tpu.core_type = #tpu.core_type<tc>, window_params = [{transform_indices = @transform_0, window_bounds = array<i64: 512, 1024>}, {transform_indices = @transform_1, window_bounds = array<i64: 512, 256>}, {pipeline_mode = #tpu.pipeline_mode<synchronous>, transform_indices = @transform_2, window_bounds = array<i64: 1024, 512>}, {pipeline_mode = #tpu.pipeline_mode<synchronous>, transform_indices = @transform_3, window_bounds = array<i64: 256, 512>}, {pipeline_mode = #tpu.pipeline_mode<synchronous>, transform_indices = @transform_4, window_bounds = array<i64: 1, 512>}, {pipeline_mode = #tpu.pipeline_mode<synchronous>, transform_indices = @transform_5, window_bounds = array<i64: 512, 128>}, {pipeline_mode = #tpu.pipeline_mode<synchronous>, transform_indices = @transform_6, window_bounds = array<i64: 1, 128>}, {pipeline_mode = #tpu.pipeline_mode<synchronous>, transform_indices = @transform_7, window_bounds = array<i64: 1024, 256>}, {pipeline_mode = #tpu.pipeline_mode<synchronous>, transform_indices = @transform_8, window_bounds = array<i64: 1, 256>}, {pipeline_mode = #tpu.pipeline_mode<synchronous>, transform_indices = @transform_9, window_bounds = array<i64: 256, 128>}, {pipeline_mode = #tpu.pipeline_mode<synchronous>, transform_indices = @transform_10, window_bounds = array<i64: 1, 128>}, {pipeline_mode = #tpu.pipeline_mode<synchronous>, transform_indices = @transform_11, window_bounds = array<i64: 512, 512>}, {transform_indices = @transform_12, window_bounds = array<i64: 512, 128>}, {transform_indices = @transform_13, window_bounds = array<i64: 512, 128>}, {transform_indices = @transform_14, window_bounds = array<i64: 512, 128>}, {pipeline_mode = #tpu.pipeline_mode<synchronous>, transform_indices = @transform_15, window_bounds = array<i64: 8, 128>}]} {
    %get3A = arith.constant 0 : index
    %get3A_0 = arith.constant 0 : index
    %get3A_1 = vector.load %arg1[%get3A, %get3A_0] : memref<512x1024xf32, #tpu.memory_space<vmem>>, vector<512x1024xf32>
    %get3A_2 = arith.constant 0 : index
    %get3A_3 = arith.constant 0 : index
    %get3A_4 = vector.load %arg3[%get3A_2, %get3A_3] : memref<1024x512xf32, #tpu.memory_space<vmem>>, vector<1024x512xf32>
    %dot_general3A = arith.constant dense<0.000000e+00> : vector<512x512xf32>
    %dot_general3A_5 = tpu.matmul %get3A_1, %get3A_4, %dot_general3A {dimension_numbers = #tpu.dot_dimension_numbers<[1], [0], [0], [1], [0, 0, 1, 1], [], []>, transpose_lhs_hint = false} : vector<512x1024xf32>, vector<1024x512xf32>, vector<512x512xf32> -> vector<512x512xf32>
    %get3A_6 = arith.constant 0 : index
    %get3A_7 = arith.constant 0 : index
    %get3A_8 = vector.load %arg2[%get3A_6, %get3A_7] : memref<512x256xf32, #tpu.memory_space<vmem>>, vector<512x256xf32>
    %get3A_9 = arith.constant 0 : index
    %get3A_10 = arith.constant 0 : index
    %get3A_11 = vector.load %arg4[%get3A_9, %get3A_10] : memref<256x512xf32, #tpu.memory_space<vmem>>, vector<256x512xf32>
    %dot_general3A_12 = arith.constant dense<0.000000e+00> : vector<512x512xf32>
    %dot_general3A_13 = tpu.matmul %get3A_8, %get3A_11, %dot_general3A_12 {dimension_numbers = #tpu.dot_dimension_numbers<[1], [0], [0], [1], [0, 0, 1, 1], [], []>, transpose_lhs_hint = false} : vector<512x256xf32>, vector<256x512xf32>, vector<512x512xf32> -> vector<512x512xf32>
    %add3A = arith.addf %dot_general3A_5, %dot_general3A_13 : vector<512x512xf32>
    %get3A_14 = arith.constant 0 : index
    %get3A_15 = arith.constant 0 : index
    %get3A_16 = vector.load %arg5[%get3A_14, %get3A_15] : memref<1x512xf32, #tpu.memory_space<vmem>>, vector<1x512xf32>
    %add3A_17 = vector.broadcast %get3A_16 : vector<1x512xf32> to vector<512x512xf32>
    %add3A_18 = arith.addf %add3A, %add3A_17 : vector<512x512xf32>
    %mul3A = arith.constant 5.000000e-01 : f32
    %mul3A_19 = vector.broadcast %mul3A : f32 to vector<512x512xf32>
    %mul3A_20 = arith.mulf %mul3A_19, %add3A_18 : vector<512x512xf32>
    %div3A = arith.constant 1.41421354 : f32
    %div3A_21 = vector.broadcast %div3A : f32 to vector<512x512xf32>
    %div3A_22 = arith.divf %add3A_18, %div3A_21 : vector<512x512xf32>
    %erf3A = math.erf %div3A_22 : vector<512x512xf32>
    %add3A_23 = arith.constant 1.000000e+00 : f32
    %add3A_24 = vector.broadcast %add3A_23 : f32 to vector<512x512xf32>
    %add3A_25 = arith.addf %add3A_24, %erf3A : vector<512x512xf32>
    %mul3A_26 = arith.mulf %mul3A_20, %add3A_25 : vector<512x512xf32>
    %get3A_27 = arith.constant 0 : index
    %get3A_28 = arith.constant 0 : index
    %get3A_29 = vector.load %arg6[%get3A_27, %get3A_28] : memref<512x128xf32, #tpu.memory_space<vmem>>, vector<512x128xf32>
    %dot_general3A_30 = arith.constant dense<0.000000e+00> : vector<512x128xf32>
    %dot_general3A_31 = tpu.matmul %mul3A_26, %get3A_29, %dot_general3A_30 {dimension_numbers = #tpu.dot_dimension_numbers<[1], [0], [0], [1], [0, 0, 1, 1], [], []>, transpose_lhs_hint = false} : vector<512x512xf32>, vector<512x128xf32>, vector<512x128xf32> -> vector<512x128xf32>
    %get3A_32 = arith.constant 0 : index
    %get3A_33 = arith.constant 0 : index
    %get3A_34 = vector.load %arg7[%get3A_32, %get3A_33] : memref<1x128xf32, #tpu.memory_space<vmem>>, vector<1x128xf32>
    %add3A_35 = vector.broadcast %get3A_34 : vector<1x128xf32> to vector<512x128xf32>
    %add3A_36 = arith.addf %dot_general3A_31, %add3A_35 : vector<512x128xf32>
    %reduce_max3A = arith.constant dense<0xFF800000> : vector<512xf32>
    %reduce_max3A_37 = vector.multi_reduction <maximumf>, %add3A_36, %reduce_max3A [1] : vector<512x128xf32> to vector<512xf32>
    %broadcast_in_dim3A = vector.shape_cast %reduce_max3A_37 : vector<512xf32> to vector<512x1xf32>
    %sub3A = vector.broadcast %broadcast_in_dim3A : vector<512x1xf32> to vector<512x128xf32>
    %sub3A_38 = arith.subf %add3A_36, %sub3A : vector<512x128xf32>
    %exp3A = math.exp %sub3A_38 : vector<512x128xf32>
    %reduce_sum3A = arith.constant dense<0.000000e+00> : vector<512xf32>
    %reduce_sum3A_39 = vector.multi_reduction <add>, %exp3A, %reduce_sum3A [1] : vector<512x128xf32> to vector<512xf32>
    %broadcast_in_dim3A_40 = vector.shape_cast %reduce_sum3A_39 : vector<512xf32> to vector<512x1xf32>
    %div3A_41 = vector.broadcast %broadcast_in_dim3A_40 : vector<512x1xf32> to vector<512x128xf32>
    %div3A_42 = arith.divf %exp3A, %div3A_41 : vector<512x128xf32>
    %iota3A = tpu.iota {dimensions = array<i32: 1>} : vector<512x128xi32>
    %reduce_max3A_43 = arith.constant dense<0xFF800000> : vector<512xf32>
    %reduce_max3A_44 = vector.multi_reduction <maximumf>, %div3A_42, %reduce_max3A_43 [1] : vector<512x128xf32> to vector<512xf32>
    %broadcast_in_dim3A_45 = vector.shape_cast %reduce_max3A_44 : vector<512xf32> to vector<512x1xf32>
    %eq3A = vector.broadcast %broadcast_in_dim3A_45 : vector<512x1xf32> to vector<512x128xf32>
    %eq3A_46 = arith.cmpf oeq, %div3A_42, %eq3A : vector<512x128xf32>
    %jit3A = arith.constant 999 : i32
    %broadcast_in_dim3A_47 = vector.broadcast %jit3A : i32 to vector<512x128xi32>
    %select_n3A = arith.select %eq3A_46, %iota3A, %broadcast_in_dim3A_47 : vector<512x128xi1>, vector<512x128xi32>
    %reduce_min3A = arith.constant dense<2147483647> : vector<512xi32>
    %reduce_min3A_48 = vector.multi_reduction <minsi>, %select_n3A, %reduce_min3A [1] : vector<512x128xi32> to vector<512xi32>
    %broadcast_in_dim3A_49 = vector.shape_cast %reduce_min3A_48 : vector<512xi32> to vector<512x1xi32>
    %eq3A_50 = vector.broadcast %broadcast_in_dim3A_49 : vector<512x1xi32> to vector<512x128xi32>
    %eq3A_51 = arith.cmpi eq, %iota3A, %eq3A_50 : vector<512x128xi32>
    %jit3A_52 = arith.constant -1.000000e+00 : f32
    %broadcast_in_dim3A_53 = vector.broadcast %jit3A_52 : f32 to vector<512x128xf32>
    %select_n3A_54 = arith.select %eq3A_51, %broadcast_in_dim3A_53, %div3A_42 : vector<512x128xi1>, vector<512x128xf32>
    %reduce_max3A_55 = arith.constant dense<0xFF800000> : vector<512xf32>
    %reduce_max3A_56 = vector.multi_reduction <maximumf>, %select_n3A_54, %reduce_max3A_55 [1] : vector<512x128xf32> to vector<512xf32>
    %broadcast_in_dim3A_57 = vector.shape_cast %reduce_max3A_56 : vector<512xf32> to vector<512x1xf32>
    %eq3A_58 = vector.broadcast %broadcast_in_dim3A_57 : vector<512x1xf32> to vector<512x128xf32>
    %eq3A_59 = arith.cmpf oeq, %select_n3A_54, %eq3A_58 : vector<512x128xf32>
    %jit3A_60 = arith.constant 999 : i32
    %broadcast_in_dim3A_61 = vector.broadcast %jit3A_60 : i32 to vector<512x128xi32>
    %select_n3A_62 = arith.select %eq3A_59, %iota3A, %broadcast_in_dim3A_61 : vector<512x128xi1>, vector<512x128xi32>
    %reduce_min3A_63 = arith.constant dense<2147483647> : vector<512xi32>
    %reduce_min3A_64 = vector.multi_reduction <minsi>, %select_n3A_62, %reduce_min3A_63 [1] : vector<512x128xi32> to vector<512xi32>
    %broadcast_in_dim3A_65 = vector.shape_cast %reduce_min3A_64 : vector<512xi32> to vector<512x1xi32>
    %add3A_66 = arith.addf %broadcast_in_dim3A_45, %broadcast_in_dim3A_57 : vector<512x1xf32>
    %div3A_67 = arith.divf %broadcast_in_dim3A_45, %add3A_66 : vector<512x1xf32>
    %div3A_68 = arith.divf %broadcast_in_dim3A_57, %add3A_66 : vector<512x1xf32>
    %eq3A_69 = vector.broadcast %broadcast_in_dim3A_49 : vector<512x1xi32> to vector<512x128xi32>
    %eq3A_70 = arith.cmpi eq, %iota3A, %eq3A_69 : vector<512x128xi32>
    %convert_element_type3A = arith.extui %eq3A_70 : vector<512x128xi1> to vector<512x128xi32>
    %convert_element_type3A_71 = arith.sitofp %convert_element_type3A : vector<512x128xi32> to vector<512x128xf32>
    %eq3A_72 = vector.broadcast %broadcast_in_dim3A_65 : vector<512x1xi32> to vector<512x128xi32>
    %eq3A_73 = arith.cmpi eq, %iota3A, %eq3A_72 : vector<512x128xi32>
    %convert_element_type3A_74 = arith.extui %eq3A_73 : vector<512x128xi1> to vector<512x128xi32>
    %convert_element_type3A_75 = arith.sitofp %convert_element_type3A_74 : vector<512x128xi32> to vector<512x128xf32>
    %eq3A_76 = arith.constant 0 : i32
    %eq3A_77 = arith.cmpi eq, %arg0, %eq3A_76 : i32
    %convert_element_type3A_78 = arith.extui %eq3A_77 : i1 to i32
    %cond3A = arith.constant 0 : i32
    %cond3A_79 = arith.cmpi ne, %convert_element_type3A_78, %cond3A : i32
    scf.if %cond3A_79 {
      %broadcast_in_dim3A_181 = arith.constant 0.000000e+00 : f32
      %broadcast_in_dim3A_182 = vector.broadcast %broadcast_in_dim3A_181 : f32 to vector<8x128xf32>
      %swap3A_183 = arith.constant 0 : index
      %swap3A_184 = arith.constant 0 : index
      %swap3A_185 = vector.load %arg16[%swap3A_183, %swap3A_184] : memref<8x128xf32, #tpu.memory_space<vmem>>, vector<8x128xf32>
      tpu.vector_store %arg16[%swap3A_183, %swap3A_184], %broadcast_in_dim3A_182 {strides = array<i32>} : memref<8x128xf32, #tpu.memory_space<vmem>>, vector<8x128xf32>,
      %broadcast_in_dim3A_186 = arith.constant 0.000000e+00 : f32
      %broadcast_in_dim3A_187 = vector.broadcast %broadcast_in_dim3A_186 : f32 to vector<1x128xf32>
      %swap3A_188 = arith.constant 0 : index
      %swap3A_189 = arith.constant 0 : index
      %swap3A_190 = vector.load %arg17[%swap3A_188, %swap3A_189] : memref<1x128xf32, #tpu.memory_space<vmem>>, vector<1x128xf32>
      tpu.vector_store %arg17[%swap3A_188, %swap3A_189], %broadcast_in_dim3A_187 {strides = array<i32>} : memref<1x128xf32, #tpu.memory_space<vmem>>, vector<1x128xf32>,
    } else {
    }
    %get3A_80 = arith.constant 0 : index
    %get3A_81 = arith.constant 0 : index
    %get3A_82 = vector.load %arg17[%get3A_80, %get3A_81] : memref<1x128xf32, #tpu.memory_space<vmem>>, vector<1x128xf32>
    %get3A_83 = arith.constant 0 : index
    %get3A_84 = arith.constant 0 : index
    %get3A_85 = vector.load %arg12[%get3A_83, %get3A_84] : memref<512x512xf32, #tpu.memory_space<vmem>>, vector<512x512xf32>
    %dot_general3A_86 = arith.constant dense<0.000000e+00> : vector<512x128xf32>
    %dot_general3A_87 = tpu.matmul %get3A_85, %convert_element_type3A_71, %dot_general3A_86 {dimension_numbers = #tpu.dot_dimension_numbers<[1], [0], [0], [1], [0, 0, 1, 1], [], []>, transpose_lhs_hint = false} : vector<512x512xf32>, vector<512x128xf32>, vector<512x128xf32> -> vector<512x128xf32>
    %reduce_sum3A_88 = arith.constant dense<0.000000e+00> : vector<128xf32>
    %reduce_sum3A_89 = vector.multi_reduction <add>, %convert_element_type3A_71, %reduce_sum3A_88 [0] : vector<512x128xf32> to vector<128xf32>
    %broadcast_in_dim3A_90 = vector.shape_cast %reduce_sum3A_89 : vector<128xf32> to vector<1x128xf32>
    %get3A_91 = arith.constant 0 : index
    %get3A_92 = arith.constant 0 : index
    %get3A_93 = vector.load %arg12[%get3A_91, %get3A_92] : memref<512x512xf32, #tpu.memory_space<vmem>>, vector<512x512xf32>
    %dot_general3A_94 = arith.constant dense<0.000000e+00> : vector<512x128xf32>
    %dot_general3A_95 = tpu.matmul %get3A_93, %convert_element_type3A_75, %dot_general3A_94 {dimension_numbers = #tpu.dot_dimension_numbers<[1], [0], [0], [1], [0, 0, 1, 1], [], []>, transpose_lhs_hint = false} : vector<512x512xf32>, vector<512x128xf32>, vector<512x128xf32> -> vector<512x128xf32>
    %reduce_sum3A_96 = arith.constant dense<0.000000e+00> : vector<128xf32>
    %reduce_sum3A_97 = vector.multi_reduction <add>, %convert_element_type3A_75, %reduce_sum3A_96 [0] : vector<512x128xf32> to vector<128xf32>
    %broadcast_in_dim3A_98 = vector.shape_cast %reduce_sum3A_97 : vector<128xf32> to vector<1x128xf32>
    %add3A_99 = vector.broadcast %get3A_82 : vector<1x128xf32> to vector<512x128xf32>
    %add3A_100 = arith.addf %add3A_99, %dot_general3A_87 : vector<512x128xf32>
    %add3A_101 = arith.constant 1.000000e+00 : f32
    %add3A_102 = vector.broadcast %add3A_101 : f32 to vector<512x128xf32>
    %add3A_103 = arith.addf %add3A_100, %add3A_102 : vector<512x128xf32>
    %mul3A_104 = arith.mulf %convert_element_type3A_71, %add3A_103 : vector<512x128xf32>
    %swap3A = arith.constant 0 : index
    %swap3A_105 = arith.constant 0 : index
    %swap3A_106 = vector.load %arg13[%swap3A, %swap3A_105] : memref<512x128xf32, #tpu.memory_space<vmem>>, vector<512x128xf32>
    tpu.vector_store %arg13[%swap3A, %swap3A_105], %mul3A_104 {strides = array<i32>} : memref<512x128xf32, #tpu.memory_space<vmem>>, vector<512x128xf32>,
    %add3A_107 = arith.addf %get3A_82, %broadcast_in_dim3A_90 : vector<1x128xf32>
    %add3A_108 = vector.broadcast %add3A_107 : vector<1x128xf32> to vector<512x128xf32>
    %add3A_109 = arith.addf %add3A_108, %dot_general3A_95 : vector<512x128xf32>
    %add3A_110 = arith.constant 1.000000e+00 : f32
    %add3A_111 = vector.broadcast %add3A_110 : f32 to vector<512x128xf32>
    %add3A_112 = arith.addf %add3A_109, %add3A_111 : vector<512x128xf32>
    %mul3A_113 = arith.mulf %convert_element_type3A_75, %add3A_112 : vector<512x128xf32>
    %swap3A_114 = arith.constant 0 : index
    %swap3A_115 = arith.constant 0 : index
    %swap3A_116 = vector.load %arg14[%swap3A_114, %swap3A_115] : memref<512x128xf32, #tpu.memory_space<vmem>>, vector<512x128xf32>
    tpu.vector_store %arg14[%swap3A_114, %swap3A_115], %mul3A_113 {strides = array<i32>} : memref<512x128xf32, #tpu.memory_space<vmem>>, vector<512x128xf32>,
    %add3A_117 = arith.addf %get3A_82, %broadcast_in_dim3A_90 : vector<1x128xf32>
    %add3A_118 = arith.addf %add3A_117, %broadcast_in_dim3A_98 : vector<1x128xf32>
    %swap3A_119 = arith.constant 0 : index
    %swap3A_120 = arith.constant 0 : index
    %swap3A_121 = vector.load %arg17[%swap3A_119, %swap3A_120] : memref<1x128xf32, #tpu.memory_space<vmem>>, vector<1x128xf32>
    tpu.vector_store %arg17[%swap3A_119, %swap3A_120], %add3A_118 {strides = array<i32>} : memref<1x128xf32, #tpu.memory_space<vmem>>, vector<1x128xf32>,
    %broadcast_in_dim3A_122 = arith.constant 0.000000e+00 : f32
    %broadcast_in_dim3A_123 = vector.broadcast %broadcast_in_dim3A_122 : f32 to vector<512x126xf32>
    %concatenate3A = tpu.concatenate %div3A_67, %div3A_68, %broadcast_in_dim3A_123 in 1 : vector<512x1xf32>, vector<512x1xf32>, vector<512x126xf32> -> vector<512x128xf32>
    %swap3A_124 = arith.constant 0 : index
    %swap3A_125 = arith.constant 0 : index
    %swap3A_126 = vector.load %arg15[%swap3A_124, %swap3A_125] : memref<512x128xf32, #tpu.memory_space<vmem>>, vector<512x128xf32>
    tpu.vector_store %arg15[%swap3A_124, %swap3A_125], %concatenate3A {strides = array<i32>} : memref<512x128xf32, #tpu.memory_space<vmem>>, vector<512x128xf32>,
    %get3A_127 = arith.constant 0 : index
    %get3A_128 = arith.constant 0 : index
    %get3A_129 = vector.load %arg8[%get3A_127, %get3A_128] : memref<1024x256xf32, #tpu.memory_space<vmem>>, vector<1024x256xf32>
    %dot_general3A_130 = arith.constant dense<0.000000e+00> : vector<512x256xf32>
    %dot_general3A_131 = tpu.matmul %get3A_1, %get3A_129, %dot_general3A_130 {dimension_numbers = #tpu.dot_dimension_numbers<[1], [0], [0], [1], [0, 0, 1, 1], [], []>, transpose_lhs_hint = false} : vector<512x1024xf32>, vector<1024x256xf32>, vector<512x256xf32> -> vector<512x256xf32>
    %get3A_132 = arith.constant 0 : index
    %get3A_133 = arith.constant 0 : index
    %get3A_134 = vector.load %arg9[%get3A_132, %get3A_133] : memref<1x256xf32, #tpu.memory_space<vmem>>, vector<1x256xf32>
    %add3A_135 = vector.broadcast %get3A_134 : vector<1x256xf32> to vector<512x256xf32>
    %add3A_136 = arith.addf %dot_general3A_131, %add3A_135 : vector<512x256xf32>
    %mul3A_137 = arith.constant 5.000000e-01 : f32
    %mul3A_138 = vector.broadcast %mul3A_137 : f32 to vector<512x256xf32>
    %mul3A_139 = arith.mulf %mul3A_138, %add3A_136 : vector<512x256xf32>
    %div3A_140 = arith.constant 1.41421354 : f32
    %div3A_141 = vector.broadcast %div3A_140 : f32 to vector<512x256xf32>
    %div3A_142 = arith.divf %add3A_136, %div3A_141 : vector<512x256xf32>
    %erf3A_143 = math.erf %div3A_142 : vector<512x256xf32>
    %add3A_144 = arith.constant 1.000000e+00 : f32
    %add3A_145 = vector.broadcast %add3A_144 : f32 to vector<512x256xf32>
    %add3A_146 = arith.addf %add3A_145, %erf3A_143 : vector<512x256xf32>
    %mul3A_147 = arith.mulf %mul3A_139, %add3A_146 : vector<512x256xf32>
    %get3A_148 = arith.constant 0 : index
    %get3A_149 = arith.constant 0 : index
    %get3A_150 = vector.load %arg10[%get3A_148, %get3A_149] : memref<256x128xf32, #tpu.memory_space<vmem>>, vector<256x128xf32>
    %dot_general3A_151 = arith.constant dense<0.000000e+00> : vector<512x128xf32>
    %dot_general3A_152 = tpu.matmul %mul3A_147, %get3A_150, %dot_general3A_151 {dimension_numbers = #tpu.dot_dimension_numbers<[1], [0], [0], [1], [0, 0, 1, 1], [], []>, transpose_lhs_hint = false} : vector<512x256xf32>, vector<256x128xf32>, vector<512x128xf32> -> vector<512x128xf32>
    %get3A_153 = arith.constant 0 : index
    %get3A_154 = arith.constant 0 : index
    %get3A_155 = vector.load %arg11[%get3A_153, %get3A_154] : memref<1x128xf32, #tpu.memory_space<vmem>>, vector<1x128xf32>
    %add3A_156 = vector.broadcast %get3A_155 : vector<1x128xf32> to vector<512x128xf32>
    %add3A_157 = arith.addf %dot_general3A_152, %add3A_156 : vector<512x128xf32>
    %slice3A = vector.extract_strided_slice %add3A_157 {offsets = [0, 0], sizes = [512, 1], strides = [1, 1]} : vector<512x128xf32> to vector<512x1xf32>
    %logistic3A = arith.negf %slice3A : vector<512x1xf32>
    %logistic3A_158 = math.exp %logistic3A : vector<512x1xf32>
    %logistic3A_159 = arith.constant 1.000000e+00 : f32
    %logistic3A_160 = vector.broadcast %logistic3A_159 : f32 to vector<512x1xf32>
    %logistic3A_161 = arith.addf %logistic3A_160, %logistic3A_158 : vector<512x1xf32>
    %logistic3A_162 = arith.divf %logistic3A_160, %logistic3A_161 : vector<512x1xf32>
    %get3A_163 = arith.constant 2 : index
    %get3A_164 = arith.constant 0 : index
    %get3A_165 = vector.load %arg16[%get3A_163, %get3A_164] : memref<8x128xf32, #tpu.memory_space<vmem>>, vector<1x128xf32>
    %reduce_sum3A_166 = vector.shape_cast %logistic3A_162 : vector<512x1xf32> to vector<1x512x1xf32>
    %reduce_sum3A_167 = arith.constant dense<0.000000e+00> : vector<1xf32>
    %reduce_sum3A_168 = vector.multi_reduction <add>, %reduce_sum3A_166, %reduce_sum3A_167 [1, 2] : vector<1x512x1xf32> to vector<1xf32>
    %reduce_sum3A_169 = vector.shape_cast %reduce_sum3A_168 : vector<1xf32> to vector<1x1x1xf32>
    %reduce_sum3A_170 = vector.extract %reduce_sum3A_169[0, 0, 0] : f32 from vector<1x1x1xf32>
    %broadcast_in_dim3A_171 = vector.broadcast %reduce_sum3A_170 : f32 to vector<1x128xf32>
    %add3A_172 = arith.addf %get3A_165, %broadcast_in_dim3A_171 : vector<1x128xf32>
    %swap3A_173 = arith.constant 2 : index
    %swap3A_174 = arith.constant 0 : index
    %swap3A_175 = vector.load %arg16[%swap3A_173, %swap3A_174] : memref<8x128xf32, #tpu.memory_space<vmem>>, vector<1x128xf32>
    tpu.vector_store %arg16[%swap3A_173, %swap3A_174], %add3A_172 {strides = array<i32>} : memref<8x128xf32, #tpu.memory_space<vmem>>, vector<1x128xf32>,
    %eq3A_176 = arith.constant 7 : i32
    %eq3A_177 = arith.cmpi eq, %arg0, %eq3A_176 : i32
    %convert_element_type3A_178 = arith.extui %eq3A_177 : i1 to i32
    %cond3A_179 = arith.constant 0 : i32
    %cond3A_180 = arith.cmpi ne, %convert_element_type3A_178, %cond3A_179 : i32
    scf.if %cond3A_180 {
      %get3A_181 = arith.constant 0 : index
      %get3A_182 = arith.constant 0 : index
      %get3A_183 = vector.load %arg17[%get3A_181, %get3A_182] : memref<1x128xf32, #tpu.memory_space<vmem>>, vector<1x128xf32>
      %div3A_184 = arith.constant 8.192000e+03 : f32
      %div3A_185 = vector.broadcast %div3A_184 : f32 to vector<1x128xf32>
      %div3A_186 = arith.divf %get3A_183, %div3A_185 : vector<1x128xf32>
      %iota3A_187 = tpu.iota {dimensions = array<i32: 1>} : vector<1x128xi32>
      %lt3A = arith.constant 8 : i32
      %lt3A_188 = vector.broadcast %lt3A : i32 to vector<1x128xi32>
      %lt3A_189 = arith.cmpi slt, %iota3A_187, %lt3A_188 : vector<1x128xi32>
      %sub3A_190 = arith.constant 1.250000e-01 : f32
      %sub3A_191 = vector.broadcast %sub3A_190 : f32 to vector<1x128xf32>
      %sub3A_192 = arith.subf %div3A_186, %sub3A_191 : vector<1x128xf32>
      %jit3A_193 = arith.constant 0.000000e+00 : f32
      %broadcast_in_dim3A_194 = vector.broadcast %jit3A_193 : f32 to vector<1x128xf32>
      %select_n3A_195 = arith.select %lt3A_189, %sub3A_192, %broadcast_in_dim3A_194 : vector<1x128xi1>, vector<1x128xf32>
      %mul3A_196 = arith.mulf %select_n3A_195, %select_n3A_195 : vector<1x128xf32>
      %reduce_sum3A_197 = vector.shape_cast %mul3A_196 : vector<1x128xf32> to vector<1x1x128xf32>
      %reduce_sum3A_198 = arith.constant dense<0.000000e+00> : vector<1xf32>
      %reduce_sum3A_199 = vector.multi_reduction <add>, %reduce_sum3A_197, %reduce_sum3A_198 [1, 2] : vector<1x1x128xf32> to vector<1xf32>
      %reduce_sum3A_200 = vector.shape_cast %reduce_sum3A_199 : vector<1xf32> to vector<1x1x1xf32>
      %reduce_sum3A_201 = vector.extract %reduce_sum3A_200[0, 0, 0] : f32 from vector<1x1x1xf32>
      %mul3A_202 = arith.constant 0.00999999977 : f32
      %mul3A_203 = arith.mulf %mul3A_202, %reduce_sum3A_201 : f32
      %div3A_204 = arith.constant 8.000000e+00 : f32
      %div3A_205 = arith.divf %mul3A_203, %div3A_204 : f32
      %swap3A_206 = arith.constant 0 : index
      %swap3A_207 = arith.constant 0 : index
      %swap3A_208 = vector.load %arg16[%swap3A_206, %swap3A_207] : memref<8x128xf32, #tpu.memory_space<vmem>>, vector<1x128xf32>
      tpu.vector_store %arg16[%swap3A_206, %swap3A_207], %div3A_186 {strides = array<i32>} : memref<8x128xf32, #tpu.memory_space<vmem>>, vector<1x128xf32>,
      %broadcast_in_dim3A_209 = vector.broadcast %div3A_205 : f32 to vector<1x128xf32>
      %swap3A_210 = arith.constant 1 : index
      %swap3A_211 = arith.constant 0 : index
      %swap3A_212 = vector.load %arg16[%swap3A_210, %swap3A_211] : memref<8x128xf32, #tpu.memory_space<vmem>>, vector<1x128xf32>
      tpu.vector_store %arg16[%swap3A_210, %swap3A_211], %broadcast_in_dim3A_209 {strides = array<i32>} : memref<8x128xf32, #tpu.memory_space<vmem>>, vector<1x128xf32>,
      %get3A_213 = arith.constant 2 : index
      %get3A_214 = arith.constant 0 : index
      %get3A_215 = vector.load %arg16[%get3A_213, %get3A_214] : memref<8x128xf32, #tpu.memory_space<vmem>>, vector<1x128xf32>
      %div3A_216 = arith.constant 4.096000e+03 : f32
      %div3A_217 = vector.broadcast %div3A_216 : f32 to vector<1x128xf32>
      %div3A_218 = arith.divf %get3A_215, %div3A_217 : vector<1x128xf32>
      %swap3A_219 = arith.constant 2 : index
      %swap3A_220 = arith.constant 0 : index
      %swap3A_221 = vector.load %arg16[%swap3A_219, %swap3A_220] : memref<8x128xf32, #tpu.memory_space<vmem>>, vector<1x128xf32>
      tpu.vector_store %arg16[%swap3A_219, %swap3A_220], %div3A_218 {strides = array<i32>} : memref<8x128xf32, #tpu.memory_space<vmem>>, vector<1x128xf32>,
      %swap3A_222 = arith.constant 3 : index
      %swap3A_223 = arith.constant 0 : index
      %swap3A_224 = vector.load %arg16[%swap3A_222, %swap3A_223] : memref<8x128xf32, #tpu.memory_space<vmem>>, vector<1x128xf32>
      tpu.vector_store %arg16[%swap3A_222, %swap3A_223], %get3A_183 {strides = array<i32>} : memref<8x128xf32, #tpu.memory_space<vmem>>, vector<1x128xf32>,
    } else {
    }
    return
  }
  func.func @transform_0(%arg0: i32) -> (i32, i32) {
    %c0_i32 = arith.constant 0 : i32
    %c0_i32_0 = arith.constant 0 : i32
    return %arg0, %c0_i32 : i32, i32
  }
  func.func @transform_1(%arg0: i32) -> (i32, i32) {
    %c0_i32 = arith.constant 0 : i32
    %c0_i32_0 = arith.constant 0 : i32
    return %arg0, %c0_i32 : i32, i32
  }
  func.func @transform_2(%arg0: i32) -> (i32, i32) {
    %c0_i32 = arith.constant 0 : i32
    %c0_i32_0 = arith.constant 0 : i32
    %c0_i32_1 = arith.constant 0 : i32
    return %c0_i32, %c0_i32_0 : i32, i32
  }
  func.func @transform_3(%arg0: i32) -> (i32, i32) {
    %c0_i32 = arith.constant 0 : i32
    %c0_i32_0 = arith.constant 0 : i32
    %c0_i32_1 = arith.constant 0 : i32
    return %c0_i32, %c0_i32_0 : i32, i32
  }
  func.func @transform_4(%arg0: i32) -> (i32, i32) {
    %c0_i32 = arith.constant 0 : i32
    %c0_i32_0 = arith.constant 0 : i32
    %c0_i32_1 = arith.constant 0 : i32
    return %c0_i32, %c0_i32_0 : i32, i32
  }
  func.func @transform_5(%arg0: i32) -> (i32, i32) {
    %c0_i32 = arith.constant 0 : i32
    %c0_i32_0 = arith.constant 0 : i32
    %c0_i32_1 = arith.constant 0 : i32
    return %c0_i32, %c0_i32_0 : i32, i32
  }
  func.func @transform_6(%arg0: i32) -> (i32, i32) {
    %c0_i32 = arith.constant 0 : i32
    %c0_i32_0 = arith.constant 0 : i32
    %c0_i32_1 = arith.constant 0 : i32
    return %c0_i32, %c0_i32_0 : i32, i32
  }
  func.func @transform_7(%arg0: i32) -> (i32, i32) {
    %c0_i32 = arith.constant 0 : i32
    %c0_i32_0 = arith.constant 0 : i32
    %c0_i32_1 = arith.constant 0 : i32
    return %c0_i32, %c0_i32_0 : i32, i32
  }
  func.func @transform_8(%arg0: i32) -> (i32, i32) {
    %c0_i32 = arith.constant 0 : i32
    %c0_i32_0 = arith.constant 0 : i32
    %c0_i32_1 = arith.constant 0 : i32
    return %c0_i32, %c0_i32_0 : i32, i32
  }
  func.func @transform_9(%arg0: i32) -> (i32, i32) {
    %c0_i32 = arith.constant 0 : i32
    %c0_i32_0 = arith.constant 0 : i32
    %c0_i32_1 = arith.constant 0 : i32
    return %c0_i32, %c0_i32_0 : i32, i32
  }
  func.func @transform_10(%arg0: i32) -> (i32, i32) {
    %c0_i32 = arith.constant 0 : i32
    %c0_i32_0 = arith.constant 0 : i32
    %c0_i32_1 = arith.constant 0 : i32
    return %c0_i32, %c0_i32_0 : i32, i32
  }
  func.func @transform_11(%arg0: i32) -> (i32, i32) {
    %c0_i32 = arith.constant 0 : i32
    %c0_i32_0 = arith.constant 0 : i32
    %c0_i32_1 = arith.constant 0 : i32
    return %c0_i32, %c0_i32_0 : i32, i32
  }
  func.func @transform_12(%arg0: i32) -> (i32, i32) {
    %c0_i32 = arith.constant 0 : i32
    %c0_i32_0 = arith.constant 0 : i32
    return %arg0, %c0_i32 : i32, i32
  }
  func.func @transform_13(%arg0: i32) -> (i32, i32) {
    %c0_i32 = arith.constant 0 : i32
    %c0_i32_0 = arith.constant 0 : i32
    return %arg0, %c0_i32 : i32, i32
  }
  func.func @transform_14(%arg0: i32) -> (i32, i32) {
    %c0_i32 = arith.constant 0 : i32
    %c0_i32_0 = arith.constant 0 : i32
    return %arg0, %c0_i32 : i32, i32
  }
  func.func @transform_15(%arg0: i32) -> (i32, i32) {
    %c0_i32 = arith.constant 0 : i32
    %c0_i32_0 = arith.constant 0 : i32
    %c0_i32_1 = arith.constant 0 : i32
    return %c0_i32, %c0_i32_0 : i32, i32
  }
}

module attributes {stable_mosaic.version = 14 : i64} {
  func.func @_pos_body(%arg0: i32, %arg1: memref<512x128xf32, #tpu.memory_space<vmem>>, %arg2: memref<512x128xf32, #tpu.memory_space<vmem>>, %arg3: memref<1x128xf32, #tpu.memory_space<vmem>>, %arg4: memref<2x512xi32, #tpu.memory_space<vmem>>) attributes {dimension_semantics = [#tpu.dimension_semantics<arbitrary>], iteration_bounds = array<i64: 8>, scalar_prefetch = 0 : i64, scratch_operands = 0 : i64, tpu.core_type = #tpu.core_type<tc>, window_params = [{transform_indices = @transform_0, window_bounds = array<i64: 512, 128>}, {transform_indices = @transform_1, window_bounds = array<i64: 512, 128>}, {pipeline_mode = #tpu.pipeline_mode<synchronous>, transform_indices = @transform_2, window_bounds = array<i64: 1, 128>}, {transform_indices = @transform_3, window_bounds = array<i64: 2, 512>}]} {
    %get3A = arith.constant 0 : index
    %get3A_0 = arith.constant 0 : index
    %get3A_1 = vector.load %arg1[%get3A, %get3A_0] : memref<512x128xf32, #tpu.memory_space<vmem>>, vector<512x128xf32>
    %gt3A = arith.constant 0.000000e+00 : f32
    %gt3A_2 = vector.broadcast %gt3A : f32 to vector<512x128xf32>
    %gt3A_3 = arith.cmpf ogt, %get3A_1, %gt3A_2 : vector<512x128xf32>
    %sub3A = arith.constant 1.000000e+00 : f32
    %sub3A_4 = vector.broadcast %sub3A : f32 to vector<512x128xf32>
    %sub3A_5 = arith.subf %get3A_1, %sub3A_4 : vector<512x128xf32>
    %get3A_6 = arith.constant 0 : index
    %get3A_7 = arith.constant 0 : index
    %get3A_8 = vector.load %arg3[%get3A_6, %get3A_7] : memref<1x128xf32, #tpu.memory_space<vmem>>, vector<1x128xf32>
    %add3A = vector.broadcast %get3A_8 : vector<1x128xf32> to vector<512x128xf32>
    %add3A_9 = arith.addf %sub3A_5, %add3A : vector<512x128xf32>
    %jit3A = arith.constant 0.000000e+00 : f32
    %broadcast_in_dim3A = vector.broadcast %jit3A : f32 to vector<512x128xf32>
    %select_n3A = arith.select %gt3A_3, %add3A_9, %broadcast_in_dim3A : vector<512x128xi1>, vector<512x128xf32>
    %reduce_sum3A = arith.constant dense<0.000000e+00> : vector<512xf32>
    %reduce_sum3A_10 = vector.multi_reduction <add>, %select_n3A, %reduce_sum3A [1] : vector<512x128xf32> to vector<512xf32>
    %broadcast_in_dim3A_11 = vector.shape_cast %reduce_sum3A_10 : vector<512xf32> to vector<512x1xf32>
    %reshape3A = vector.shape_cast %broadcast_in_dim3A_11 : vector<512x1xf32> to vector<1x512xf32>
    %get3A_12 = arith.constant 0 : index
    %get3A_13 = arith.constant 0 : index
    %get3A_14 = vector.load %arg2[%get3A_12, %get3A_13] : memref<512x128xf32, #tpu.memory_space<vmem>>, vector<512x128xf32>
    %gt3A_15 = arith.constant 0.000000e+00 : f32
    %gt3A_16 = vector.broadcast %gt3A_15 : f32 to vector<512x128xf32>
    %gt3A_17 = arith.cmpf ogt, %get3A_14, %gt3A_16 : vector<512x128xf32>
    %sub3A_18 = arith.constant 1.000000e+00 : f32
    %sub3A_19 = vector.broadcast %sub3A_18 : f32 to vector<512x128xf32>
    %sub3A_20 = arith.subf %get3A_14, %sub3A_19 : vector<512x128xf32>
    %get3A_21 = arith.constant 0 : index
    %get3A_22 = arith.constant 0 : index
    %get3A_23 = vector.load %arg3[%get3A_21, %get3A_22] : memref<1x128xf32, #tpu.memory_space<vmem>>, vector<1x128xf32>
    %add3A_24 = vector.broadcast %get3A_23 : vector<1x128xf32> to vector<512x128xf32>
    %add3A_25 = arith.addf %sub3A_20, %add3A_24 : vector<512x128xf32>
    %jit3A_26 = arith.constant 0.000000e+00 : f32
    %broadcast_in_dim3A_27 = vector.broadcast %jit3A_26 : f32 to vector<512x128xf32>
    %select_n3A_28 = arith.select %gt3A_17, %add3A_25, %broadcast_in_dim3A_27 : vector<512x128xi1>, vector<512x128xf32>
    %reduce_sum3A_29 = arith.constant dense<0.000000e+00> : vector<512xf32>
    %reduce_sum3A_30 = vector.multi_reduction <add>, %select_n3A_28, %reduce_sum3A_29 [1] : vector<512x128xf32> to vector<512xf32>
    %broadcast_in_dim3A_31 = vector.shape_cast %reduce_sum3A_30 : vector<512xf32> to vector<512x1xf32>
    %reshape3A_32 = vector.shape_cast %broadcast_in_dim3A_31 : vector<512x1xf32> to vector<1x512xf32>
    %concatenate3A = tpu.concatenate %reshape3A, %reshape3A_32 in 0 : vector<1x512xf32>, vector<1x512xf32> -> vector<2x512xf32>
    %convert_element_type3A = arith.fptosi %concatenate3A : vector<2x512xf32> to vector<2x512xi32>
    %swap3A = arith.constant 0 : index
    %swap3A_33 = arith.constant 0 : index
    %swap3A_34 = vector.load %arg4[%swap3A, %swap3A_33] : memref<2x512xi32, #tpu.memory_space<vmem>>, vector<2x512xi32>
    tpu.vector_store %arg4[%swap3A, %swap3A_33], %convert_element_type3A {strides = array<i32>} : memref<2x512xi32, #tpu.memory_space<vmem>>, vector<2x512xi32>,
    return
  }
  func.func @transform_0(%arg0: i32) -> (i32, i32) {
    %c0_i32 = arith.constant 0 : i32
    %c0_i32_0 = arith.constant 0 : i32
    return %arg0, %c0_i32 : i32, i32
  }
  func.func @transform_1(%arg0: i32) -> (i32, i32) {
    %c0_i32 = arith.constant 0 : i32
    %c0_i32_0 = arith.constant 0 : i32
    return %arg0, %c0_i32 : i32, i32
  }
  func.func @transform_2(%arg0: i32) -> (i32, i32) {
    %c0_i32 = arith.constant 0 : i32
    %c0_i32_0 = arith.constant 0 : i32
    %c0_i32_1 = arith.constant 0 : i32
    return %c0_i32, %c0_i32_0 : i32, i32
  }
  func.func @transform_3(%arg0: i32) -> (i32, i32) {
    %c0_i32 = arith.constant 0 : i32
    %c0_i32_0 = arith.constant 0 : i32
    return %c0_i32, %arg0 : i32, i32
  }
}

module attributes {stable_mosaic.version = 14 : i64} {
  func.func @_k12_body(%arg0: i32, %arg1: i32, %arg2: memref<24xi32, #tpu.memory_space<smem>>, %arg3: memref<8xi32, #tpu.memory_space<smem>>, %arg4: memref<512x1024xf32, #tpu.memory_space<vmem>>, %arg5: memref<1024x1024xbf16, #tpu.memory_space<vmem>>, %arg6: memref<1x1024xf32, #tpu.memory_space<vmem>>, %arg7: memref<1024x1024xbf16, #tpu.memory_space<vmem>>, %arg8: memref<1x1024xf32, #tpu.memory_space<vmem>>, %arg9: memref<1x1024xf32, #tpu.memory_space<vmem>>, %arg10: memref<1x1x1024xf32, #tpu.memory_space<vmem>>, %arg11: memref<512x1024xf32, #tpu.memory_space<vmem>>, %arg12: memref<4x512x1024xf32, #tpu.memory_space<vmem>>, %arg13: memref<512x128xf32, #tpu.memory_space<vmem>>) attributes {dimension_semantics = [#tpu.dimension_semantics<arbitrary>, #tpu.dimension_semantics<arbitrary>], iteration_bounds = array<i64: 24, 8>, scalar_prefetch = 2 : i64, scratch_operands = 2 : i64, tpu.core_type = #tpu.core_type<tc>, window_params = [{transform_indices = @transform_0, window_bounds = array<i64: 512, 1024>}, {transform_indices = @transform_1, window_bounds = array<i64: 1024, 1024>}, {transform_indices = @transform_2, window_bounds = array<i64: 1, 1024>}, {transform_indices = @transform_3, window_bounds = array<i64: 1024, 1024>}, {transform_indices = @transform_4, window_bounds = array<i64: 1, 1024>}, {transform_indices = @transform_5, window_bounds = array<i64: 1, 1024>}, {transform_indices = @transform_6, window_bounds = array<i64: 1, 1, 1024>}, {transform_indices = @transform_7, window_bounds = array<i64: 512, 1024>}]} {
    %get3A = arith.index_cast %arg0 : i32 to index
    %get3A_0 = memref.load %arg2[%get3A] : memref<24xi32, #tpu.memory_space<smem>>
    %jit3A = arith.constant 2 : i32
    %div3A = arith.divsi %get3A_0, %jit3A : i32
    %sign3A = arith.constant 0 : i32
    %sign3A_1 = arith.cmpi sgt, %get3A_0, %sign3A : i32
    %sign3A_2 = arith.extui %sign3A_1 : i1 to i32
    %sign3A_3 = arith.constant 0 : i32
    %sign3A_4 = arith.cmpi slt, %get3A_0, %sign3A_3 : i32
    %sign3A_5 = arith.extui %sign3A_4 : i1 to i32
    %sign3A_6 = arith.subi %sign3A_2, %sign3A_5 : i32
    %sign3A_7 = arith.constant 0 : i32
    %sign3A_8 = arith.cmpi sgt, %jit3A, %sign3A_7 : i32
    %sign3A_9 = arith.extui %sign3A_8 : i1 to i32
    %sign3A_10 = arith.constant 0 : i32
    %sign3A_11 = arith.cmpi slt, %jit3A, %sign3A_10 : i32
    %sign3A_12 = arith.extui %sign3A_11 : i1 to i32
    %sign3A_13 = arith.subi %sign3A_9, %sign3A_12 : i32
    %ne3A = arith.cmpi ne, %sign3A_6, %sign3A_13 : i32
    %rem3A = arith.remsi %get3A_0, %jit3A : i32
    %ne3A_14 = arith.constant 0 : i32
    %ne3A_15 = arith.cmpi ne, %rem3A, %ne3A_14 : i32
    %and3A = arith.andi %ne3A, %ne3A_15 : i1
    %sub3A = arith.constant 1 : i32
    %sub3A_16 = arith.subi %div3A, %sub3A : i32
    %select_n3A = arith.select %and3A, %sub3A_16, %div3A : i32
    %lt3A = arith.constant 4 : i32
    %lt3A_17 = arith.cmpi slt, %arg1, %lt3A : i32
    %sub3A_18 = arith.constant 4 : i32
    %sub3A_19 = arith.subi %arg1, %sub3A_18 : i32
    %select_n3A_20 = arith.select %lt3A_17, %arg1, %sub3A_19 : i32
    %add3A = arith.constant 1 : i32
    %add3A_21 = arith.addi %get3A_0, %add3A : i32
    %mul3A = arith.constant 512 : i32
    %mul3A_22 = arith.muli %add3A_21, %mul3A : i32
    %convert_element_type3A = arith.sitofp %mul3A_22 : i32 to f32
    %eq3A = arith.constant 0 : i32
    %eq3A_23 = arith.cmpi eq, %arg1, %eq3A : i32
    %convert_element_type3A_24 = arith.extui %eq3A_23 : i1 to i32
    %cond3A = arith.constant 0 : i32
    %cond3A_25 = arith.cmpi ne, %convert_element_type3A_24, %cond3A : i32
    scf.if %cond3A_25 {
      %broadcast_in_dim3A = arith.constant 0.000000e+00 : f32
      %broadcast_in_dim3A_43 = vector.broadcast %broadcast_in_dim3A : f32 to vector<512x128xf32>
      %swap3A = arith.constant 0 : index
      %swap3A_44 = arith.constant 0 : index
      %swap3A_45 = vector.load %arg13[%swap3A, %swap3A_44] : memref<512x128xf32, #tpu.memory_space<vmem>>, vector<512x128xf32>
      tpu.vector_store %arg13[%swap3A, %swap3A_44], %broadcast_in_dim3A_43 {strides = array<i32>} : memref<512x128xf32, #tpu.memory_space<vmem>>, vector<512x128xf32>,
    } else {
    }
    %lt3A_26 = arith.constant 4 : i32
    %lt3A_27 = arith.cmpi slt, %arg1, %lt3A_26 : i32
    %le3A = arith.cmpi sle, %arg1, %select_n3A : i32
    %and3A_28 = arith.andi %lt3A_27, %le3A : i1
    %convert_element_type3A_29 = arith.extui %and3A_28 : i1 to i32
    %cond3A_30 = arith.constant 0 : i32
    %cond3A_31 = arith.cmpi ne, %convert_element_type3A_29, %cond3A_30 : i32
    scf.if %cond3A_31 {
      %get3A_43 = arith.constant 0 : index
      %get3A_44 = arith.constant 0 : index
      %get3A_45 = vector.load %arg4[%get3A_43, %get3A_44] : memref<512x1024xf32, #tpu.memory_space<vmem>>, vector<512x1024xf32>
      %convert_element_type3A_46 = arith.truncf %get3A_45 : vector<512x1024xf32> to vector<512x1024xbf16>
      %get3A_47 = arith.constant 0 : index
      %get3A_48 = arith.constant 0 : index
      %get3A_49 = vector.load %arg5[%get3A_47, %get3A_48] : memref<1024x1024xbf16, #tpu.memory_space<vmem>>, vector<1024x1024xbf16>
      %dot_general3A = arith.constant dense<0.000000e+00> : vector<512x1024xf32>
      %dot_general3A_50 = tpu.matmul %convert_element_type3A_46, %get3A_49, %dot_general3A {dimension_numbers = #tpu.dot_dimension_numbers<[1], [0], [0], [1], [0, 0, 1, 1], [], []>, transpose_lhs_hint = false} : vector<512x1024xbf16>, vector<1024x1024xbf16>, vector<512x1024xf32> -> vector<512x1024xf32>
      %get3A_51 = arith.constant 0 : index
      %get3A_52 = arith.constant 0 : index
      %get3A_53 = vector.load %arg6[%get3A_51, %get3A_52] : memref<1x1024xf32, #tpu.memory_space<vmem>>, vector<1x1024xf32>
      %add3A_54 = vector.broadcast %get3A_53 : vector<1x1024xf32> to vector<512x1024xf32>
      %add3A_55 = arith.addf %dot_general3A_50, %add3A_54 : vector<512x1024xf32>
      %swap3A = arith.index_cast %arg1 : i32 to index
      %swap3A_56 = arith.constant 0 : index
      %swap3A_57 = arith.constant 0 : index
      %swap3A_58 = vector.load %arg12[%swap3A, %swap3A_56, %swap3A_57] : memref<4x512x1024xf32, #tpu.memory_space<vmem>>, vector<1x512x1024xf32>
      %swap3A_59 = vector.shape_cast %swap3A_58 : vector<1x512x1024xf32> to vector<512x1024xf32>
      %swap3A_60 = vector.shape_cast %add3A_55 : vector<512x1024xf32> to vector<1x512x1024xf32>
      tpu.vector_store %arg12[%swap3A, %swap3A_56, %swap3A_57], %swap3A_60 {strides = array<i32>} : memref<4x512x1024xf32, #tpu.memory_space<vmem>>, vector<1x512x1024xf32>,
      %reduce_sum3A = arith.constant dense<0.000000e+00> : vector<512xf32>
      %reduce_sum3A_61 = vector.multi_reduction <add>, %add3A_55, %reduce_sum3A [1] : vector<512x1024xf32> to vector<512xf32>
      %broadcast_in_dim3A = vector.shape_cast %reduce_sum3A_61 : vector<512xf32> to vector<512x1xf32>
      %mul3A_62 = arith.mulf %add3A_55, %add3A_55 : vector<512x1024xf32>
      %reduce_sum3A_63 = arith.constant dense<0.000000e+00> : vector<512xf32>
      %reduce_sum3A_64 = vector.multi_reduction <add>, %mul3A_62, %reduce_sum3A_63 [1] : vector<512x1024xf32> to vector<512xf32>
      %broadcast_in_dim3A_65 = vector.shape_cast %reduce_sum3A_64 : vector<512xf32> to vector<512x1xf32>
      %broadcast_in_dim3A_66 = arith.constant 0.000000e+00 : f32
      %broadcast_in_dim3A_67 = vector.broadcast %broadcast_in_dim3A_66 : f32 to vector<512x126xf32>
      %get3A_68 = arith.constant 0 : index
      %get3A_69 = arith.constant 0 : index
      %get3A_70 = vector.load %arg13[%get3A_68, %get3A_69] : memref<512x128xf32, #tpu.memory_space<vmem>>, vector<512x128xf32>
      %concatenate3A = tpu.concatenate %broadcast_in_dim3A, %broadcast_in_dim3A_65, %broadcast_in_dim3A_67 in 1 : vector<512x1xf32>, vector<512x1xf32>, vector<512x126xf32> -> vector<512x128xf32>
      %add3A_71 = arith.addf %get3A_70, %concatenate3A : vector<512x128xf32>
      %swap3A_72 = arith.constant 0 : index
      %swap3A_73 = arith.constant 0 : index
      %swap3A_74 = vector.load %arg13[%swap3A_72, %swap3A_73] : memref<512x128xf32, #tpu.memory_space<vmem>>, vector<512x128xf32>
      tpu.vector_store %arg13[%swap3A_72, %swap3A_73], %add3A_71 {strides = array<i32>} : memref<512x128xf32, #tpu.memory_space<vmem>>, vector<512x128xf32>,
    } else {
    }
    %eq3A_32 = arith.constant 4 : i32
    %eq3A_33 = arith.cmpi eq, %arg1, %eq3A_32 : i32
    %convert_element_type3A_34 = arith.extui %eq3A_33 : i1 to i32
    %cond3A_35 = arith.constant 0 : i32
    %cond3A_36 = arith.cmpi ne, %convert_element_type3A_34, %cond3A_35 : i32
    scf.if %cond3A_36 {
      %get3A_43 = arith.constant 0 : index
      %get3A_44 = arith.constant 0 : index
      %get3A_45 = arith.constant 0 : index
      %get3A_46 = vector.load %arg10[%get3A_43, %get3A_44, %get3A_45] : memref<1x1x1024xf32, #tpu.memory_space<vmem>>, vector<1x1x1024xf32>
      %get3A_47 = vector.shape_cast %get3A_46 : vector<1x1x1024xf32> to vector<1x1024xf32>
      %broadcast_in_dim3A = vector.shape_cast %get3A_47 : vector<1x1024xf32> to vector<1x1024xf32>
      %broadcast_in_dim3A_48 = vector.broadcast %broadcast_in_dim3A : vector<1x1024xf32> to vector<512x1024xf32>
      %swap3A = arith.constant 0 : index
      %swap3A_49 = arith.constant 0 : index
      %swap3A_50 = vector.load %arg11[%swap3A, %swap3A_49] : memref<512x1024xf32, #tpu.memory_space<vmem>>, vector<512x1024xf32>
      tpu.vector_store %arg11[%swap3A, %swap3A_49], %broadcast_in_dim3A_48 {strides = array<i32>} : memref<512x1024xf32, #tpu.memory_space<vmem>>, vector<512x1024xf32>,
    } else {
    }
    %ge3A = arith.constant 4 : i32
    %ge3A_37 = arith.cmpi sge, %arg1, %ge3A : i32
    %le3A_38 = arith.cmpi sle, %select_n3A_20, %select_n3A : i32
    %and3A_39 = arith.andi %ge3A_37, %le3A_38 : i1
    %convert_element_type3A_40 = arith.extui %and3A_39 : i1 to i32
    %cond3A_41 = arith.constant 0 : i32
    %cond3A_42 = arith.cmpi ne, %convert_element_type3A_40, %cond3A_41 : i32
    scf.if %cond3A_42 {
      %get3A_43 = arith.constant 0 : index
      %get3A_44 = arith.constant 0 : index
      %get3A_45 = vector.load %arg13[%get3A_43, %get3A_44] : memref<512x128xf32, #tpu.memory_space<vmem>>, vector<512x128xf32>
      %slice3A = vector.extract_strided_slice %get3A_45 {offsets = [0, 0], sizes = [512, 1], strides = [1, 1]} : vector<512x128xf32> to vector<512x1xf32>
      %div3A_46 = vector.broadcast %convert_element_type3A : f32 to vector<512x1xf32>
      %div3A_47 = arith.divf %slice3A, %div3A_46 : vector<512x1xf32>
      %slice3A_48 = vector.extract_strided_slice %get3A_45 {offsets = [0, 1], sizes = [512, 1], strides = [1, 1]} : vector<512x128xf32> to vector<512x1xf32>
      %div3A_49 = vector.broadcast %convert_element_type3A : f32 to vector<512x1xf32>
      %div3A_50 = arith.divf %slice3A_48, %div3A_49 : vector<512x1xf32>
      %mul3A_51 = arith.mulf %div3A_47, %div3A_47 : vector<512x1xf32>
      %sub3A_52 = arith.subf %div3A_50, %mul3A_51 : vector<512x1xf32>
      %add3A_53 = arith.constant 9.99999974E-6 : f32
      %add3A_54 = vector.broadcast %add3A_53 : f32 to vector<512x1xf32>
      %add3A_55 = arith.addf %sub3A_52, %add3A_54 : vector<512x1xf32>
      %rsqrt3A = math.rsqrt %add3A_55 : vector<512x1xf32>
      %get3A_56 = arith.index_cast %select_n3A_20 : i32 to index
      %get3A_57 = arith.constant 0 : index
      %get3A_58 = arith.constant 0 : index
      %get3A_59 = vector.load %arg12[%get3A_56, %get3A_57, %get3A_58] : memref<4x512x1024xf32, #tpu.memory_space<vmem>>, vector<1x512x1024xf32>
      %get3A_60 = vector.shape_cast %get3A_59 : vector<1x512x1024xf32> to vector<512x1024xf32>
      %sub3A_61 = vector.broadcast %div3A_47 : vector<512x1xf32> to vector<512x1024xf32>
      %sub3A_62 = arith.subf %get3A_60, %sub3A_61 : vector<512x1024xf32>
      %mul3A_63 = vector.broadcast %rsqrt3A : vector<512x1xf32> to vector<512x1024xf32>
      %mul3A_64 = arith.mulf %sub3A_62, %mul3A_63 : vector<512x1024xf32>
      %get3A_65 = arith.constant 0 : index
      %get3A_66 = arith.constant 0 : index
      %get3A_67 = vector.load %arg8[%get3A_65, %get3A_66] : memref<1x1024xf32, #tpu.memory_space<vmem>>, vector<1x1024xf32>
      %mul3A_68 = vector.broadcast %get3A_67 : vector<1x1024xf32> to vector<512x1024xf32>
      %mul3A_69 = arith.mulf %mul3A_64, %mul3A_68 : vector<512x1024xf32>
      %get3A_70 = arith.constant 0 : index
      %get3A_71 = arith.constant 0 : index
      %get3A_72 = vector.load %arg9[%get3A_70, %get3A_71] : memref<1x1024xf32, #tpu.memory_space<vmem>>, vector<1x1024xf32>
      %add3A_73 = vector.broadcast %get3A_72 : vector<1x1024xf32> to vector<512x1024xf32>
      %add3A_74 = arith.addf %mul3A_69, %add3A_73 : vector<512x1024xf32>
      %get3A_75 = arith.constant 0 : index
      %get3A_76 = arith.constant 0 : index
      %get3A_77 = vector.load %arg11[%get3A_75, %get3A_76] : memref<512x1024xf32, #tpu.memory_space<vmem>>, vector<512x1024xf32>
      %mul3A_78 = arith.constant 5.000000e-01 : f32
      %mul3A_79 = vector.broadcast %mul3A_78 : f32 to vector<512x1024xf32>
      %mul3A_80 = arith.mulf %mul3A_79, %add3A_74 : vector<512x1024xf32>
      %div3A_81 = arith.constant 1.41421354 : f32
      %div3A_82 = vector.broadcast %div3A_81 : f32 to vector<512x1024xf32>
      %div3A_83 = arith.divf %add3A_74, %div3A_82 : vector<512x1024xf32>
      %erf3A = math.erf %div3A_83 : vector<512x1024xf32>
      %add3A_84 = arith.constant 1.000000e+00 : f32
      %add3A_85 = vector.broadcast %add3A_84 : f32 to vector<512x1024xf32>
      %add3A_86 = arith.addf %add3A_85, %erf3A : vector<512x1024xf32>
      %mul3A_87 = arith.mulf %mul3A_80, %add3A_86 : vector<512x1024xf32>
      %convert_element_type3A_88 = arith.truncf %mul3A_87 : vector<512x1024xf32> to vector<512x1024xbf16>
      %get3A_89 = arith.constant 0 : index
      %get3A_90 = arith.constant 0 : index
      %get3A_91 = vector.load %arg7[%get3A_89, %get3A_90] : memref<1024x1024xbf16, #tpu.memory_space<vmem>>, vector<1024x1024xbf16>
      %dot_general3A = arith.constant dense<0.000000e+00> : vector<512x1024xf32>
      %dot_general3A_92 = tpu.matmul %convert_element_type3A_88, %get3A_91, %dot_general3A {dimension_numbers = #tpu.dot_dimension_numbers<[1], [0], [0], [1], [0, 0, 1, 1], [], []>, transpose_lhs_hint = false} : vector<512x1024xbf16>, vector<1024x1024xbf16>, vector<512x1024xf32> -> vector<512x1024xf32>
      %add3A_93 = arith.addf %get3A_77, %dot_general3A_92 : vector<512x1024xf32>
      %swap3A = arith.constant 0 : index
      %swap3A_94 = arith.constant 0 : index
      %swap3A_95 = vector.load %arg11[%swap3A, %swap3A_94] : memref<512x1024xf32, #tpu.memory_space<vmem>>, vector<512x1024xf32>
      tpu.vector_store %arg11[%swap3A, %swap3A_94], %add3A_93 {strides = array<i32>} : memref<512x1024xf32, #tpu.memory_space<vmem>>, vector<512x1024xf32>,
    } else {
    }
    return
  }
  func.func @transform_0(%arg0: i32, %arg1: i32, %arg2: memref<24xi32, #tpu.memory_space<smem>>, %arg3: memref<8xi32, #tpu.memory_space<smem>>) -> (i32, i32) {
    %c0_i32 = arith.constant 0 : i32
    %c0_i32_0 = arith.constant 0 : i32
    return %arg0, %c0_i32 : i32, i32
  }
  func.func @transform_1(%arg0: i32, %arg1: i32, %arg2: memref<24xi32, #tpu.memory_space<smem>>, %arg3: memref<8xi32, #tpu.memory_space<smem>>) -> (i32, i32) {
    %get3A = arith.index_cast %arg0 : i32 to index
    %get3A_0 = memref.load %arg2[%get3A] : memref<24xi32, #tpu.memory_space<smem>>
    %get3A_1 = arith.index_cast %get3A_0 : i32 to index
    %get3A_2 = memref.load %arg3[%get3A_1] : memref<8xi32, #tpu.memory_space<smem>>
    %lt3A = arith.constant 4 : i32
    %lt3A_3 = arith.cmpi slt, %arg1, %lt3A : i32
    %jit3A = arith.constant 2 : i32
    %div3A = arith.divsi %get3A_0, %jit3A : i32
    %sign3A = arith.constant 0 : i32
    %sign3A_4 = arith.cmpi sgt, %get3A_0, %sign3A : i32
    %sign3A_5 = arith.extui %sign3A_4 : i1 to i32
    %sign3A_6 = arith.constant 0 : i32
    %sign3A_7 = arith.cmpi slt, %get3A_0, %sign3A_6 : i32
    %sign3A_8 = arith.extui %sign3A_7 : i1 to i32
    %sign3A_9 = arith.subi %sign3A_5, %sign3A_8 : i32
    %sign3A_10 = arith.constant 0 : i32
    %sign3A_11 = arith.cmpi sgt, %jit3A, %sign3A_10 : i32
    %sign3A_12 = arith.extui %sign3A_11 : i1 to i32
    %sign3A_13 = arith.constant 0 : i32
    %sign3A_14 = arith.cmpi slt, %jit3A, %sign3A_13 : i32
    %sign3A_15 = arith.extui %sign3A_14 : i1 to i32
    %sign3A_16 = arith.subi %sign3A_12, %sign3A_15 : i32
    %ne3A = arith.cmpi ne, %sign3A_9, %sign3A_16 : i32
    %rem3A = arith.remsi %get3A_0, %jit3A : i32
    %ne3A_17 = arith.constant 0 : i32
    %ne3A_18 = arith.cmpi ne, %rem3A, %ne3A_17 : i32
    %and3A = arith.andi %ne3A, %ne3A_18 : i1
    %sub3A = arith.constant 1 : i32
    %sub3A_19 = arith.subi %div3A, %sub3A : i32
    %select_n3A = arith.select %and3A, %sub3A_19, %div3A : i32
    %min3A = arith.minsi %arg1, %select_n3A : i32
    %jit3A_20 = arith.constant 2 : i32
    %div3A_21 = arith.divsi %get3A_0, %jit3A_20 : i32
    %sign3A_22 = arith.constant 0 : i32
    %sign3A_23 = arith.cmpi sgt, %get3A_0, %sign3A_22 : i32
    %sign3A_24 = arith.extui %sign3A_23 : i1 to i32
    %sign3A_25 = arith.constant 0 : i32
    %sign3A_26 = arith.cmpi slt, %get3A_0, %sign3A_25 : i32
    %sign3A_27 = arith.extui %sign3A_26 : i1 to i32
    %sign3A_28 = arith.subi %sign3A_24, %sign3A_27 : i32
    %sign3A_29 = arith.constant 0 : i32
    %sign3A_30 = arith.cmpi sgt, %jit3A_20, %sign3A_29 : i32
    %sign3A_31 = arith.extui %sign3A_30 : i1 to i32
    %sign3A_32 = arith.constant 0 : i32
    %sign3A_33 = arith.cmpi slt, %jit3A_20, %sign3A_32 : i32
    %sign3A_34 = arith.extui %sign3A_33 : i1 to i32
    %sign3A_35 = arith.subi %sign3A_31, %sign3A_34 : i32
    %ne3A_36 = arith.cmpi ne, %sign3A_28, %sign3A_35 : i32
    %rem3A_37 = arith.remsi %get3A_0, %jit3A_20 : i32
    %ne3A_38 = arith.constant 0 : i32
    %ne3A_39 = arith.cmpi ne, %rem3A_37, %ne3A_38 : i32
    %and3A_40 = arith.andi %ne3A_36, %ne3A_39 : i1
    %sub3A_41 = arith.constant 1 : i32
    %sub3A_42 = arith.subi %div3A_21, %sub3A_41 : i32
    %select_n3A_43 = arith.select %and3A_40, %sub3A_42, %div3A_21 : i32
    %select_n3A_44 = arith.select %lt3A_3, %min3A, %select_n3A_43 : i32
    %add3A = arith.addi %get3A_2, %select_n3A_44 : i32
    %c0_i32 = arith.constant 0 : i32
    %c0_i32_45 = arith.constant 0 : i32
    return %c0_i32, %add3A : i32, i32
  }
  func.func @transform_2(%arg0: i32, %arg1: i32, %arg2: memref<24xi32, #tpu.memory_space<smem>>, %arg3: memref<8xi32, #tpu.memory_space<smem>>) -> (i32, i32) {
    %get3A = arith.index_cast %arg0 : i32 to index
    %get3A_0 = memref.load %arg2[%get3A] : memref<24xi32, #tpu.memory_space<smem>>
    %get3A_1 = arith.index_cast %get3A_0 : i32 to index
    %get3A_2 = memref.load %arg3[%get3A_1] : memref<8xi32, #tpu.memory_space<smem>>
    %lt3A = arith.constant 4 : i32
    %lt3A_3 = arith.cmpi slt, %arg1, %lt3A : i32
    %jit3A = arith.constant 2 : i32
    %div3A = arith.divsi %get3A_0, %jit3A : i32
    %sign3A = arith.constant 0 : i32
    %sign3A_4 = arith.cmpi sgt, %get3A_0, %sign3A : i32
    %sign3A_5 = arith.extui %sign3A_4 : i1 to i32
    %sign3A_6 = arith.constant 0 : i32
    %sign3A_7 = arith.cmpi slt, %get3A_0, %sign3A_6 : i32
    %sign3A_8 = arith.extui %sign3A_7 : i1 to i32
    %sign3A_9 = arith.subi %sign3A_5, %sign3A_8 : i32
    %sign3A_10 = arith.constant 0 : i32
    %sign3A_11 = arith.cmpi sgt, %jit3A, %sign3A_10 : i32
    %sign3A_12 = arith.extui %sign3A_11 : i1 to i32
    %sign3A_13 = arith.constant 0 : i32
    %sign3A_14 = arith.cmpi slt, %jit3A, %sign3A_13 : i32
    %sign3A_15 = arith.extui %sign3A_14 : i1 to i32
    %sign3A_16 = arith.subi %sign3A_12, %sign3A_15 : i32
    %ne3A = arith.cmpi ne, %sign3A_9, %sign3A_16 : i32
    %rem3A = arith.remsi %get3A_0, %jit3A : i32
    %ne3A_17 = arith.constant 0 : i32
    %ne3A_18 = arith.cmpi ne, %rem3A, %ne3A_17 : i32
    %and3A = arith.andi %ne3A, %ne3A_18 : i1
    %sub3A = arith.constant 1 : i32
    %sub3A_19 = arith.subi %div3A, %sub3A : i32
    %select_n3A = arith.select %and3A, %sub3A_19, %div3A : i32
    %min3A = arith.minsi %arg1, %select_n3A : i32
    %jit3A_20 = arith.constant 2 : i32
    %div3A_21 = arith.divsi %get3A_0, %jit3A_20 : i32
    %sign3A_22 = arith.constant 0 : i32
    %sign3A_23 = arith.cmpi sgt, %get3A_0, %sign3A_22 : i32
    %sign3A_24 = arith.extui %sign3A_23 : i1 to i32
    %sign3A_25 = arith.constant 0 : i32
    %sign3A_26 = arith.cmpi slt, %get3A_0, %sign3A_25 : i32
    %sign3A_27 = arith.extui %sign3A_26 : i1 to i32
    %sign3A_28 = arith.subi %sign3A_24, %sign3A_27 : i32
    %sign3A_29 = arith.constant 0 : i32
    %sign3A_30 = arith.cmpi sgt, %jit3A_20, %sign3A_29 : i32
    %sign3A_31 = arith.extui %sign3A_30 : i1 to i32
    %sign3A_32 = arith.constant 0 : i32
    %sign3A_33 = arith.cmpi slt, %jit3A_20, %sign3A_32 : i32
    %sign3A_34 = arith.extui %sign3A_33 : i1 to i32
    %sign3A_35 = arith.subi %sign3A_31, %sign3A_34 : i32
    %ne3A_36 = arith.cmpi ne, %sign3A_28, %sign3A_35 : i32
    %rem3A_37 = arith.remsi %get3A_0, %jit3A_20 : i32
    %ne3A_38 = arith.constant 0 : i32
    %ne3A_39 = arith.cmpi ne, %rem3A_37, %ne3A_38 : i32
    %and3A_40 = arith.andi %ne3A_36, %ne3A_39 : i1
    %sub3A_41 = arith.constant 1 : i32
    %sub3A_42 = arith.subi %div3A_21, %sub3A_41 : i32
    %select_n3A_43 = arith.select %and3A_40, %sub3A_42, %div3A_21 : i32
    %select_n3A_44 = arith.select %lt3A_3, %min3A, %select_n3A_43 : i32
    %add3A = arith.addi %get3A_2, %select_n3A_44 : i32
    %c0_i32 = arith.constant 0 : i32
    %c0_i32_45 = arith.constant 0 : i32
    return %c0_i32, %add3A : i32, i32
  }
  func.func @transform_3(%arg0: i32, %arg1: i32, %arg2: memref<24xi32, #tpu.memory_space<smem>>, %arg3: memref<8xi32, #tpu.memory_space<smem>>) -> (i32, i32) {
    %get3A = arith.index_cast %arg0 : i32 to index
    %get3A_0 = memref.load %arg2[%get3A] : memref<24xi32, #tpu.memory_space<smem>>
    %get3A_1 = arith.index_cast %get3A_0 : i32 to index
    %get3A_2 = memref.load %arg3[%get3A_1] : memref<8xi32, #tpu.memory_space<smem>>
    %lt3A = arith.constant 4 : i32
    %lt3A_3 = arith.cmpi slt, %arg1, %lt3A : i32
    %sub3A = arith.constant 4 : i32
    %sub3A_4 = arith.subi %arg1, %sub3A : i32
    %jit3A = arith.constant 2 : i32
    %div3A = arith.divsi %get3A_0, %jit3A : i32
    %sign3A = arith.constant 0 : i32
    %sign3A_5 = arith.cmpi sgt, %get3A_0, %sign3A : i32
    %sign3A_6 = arith.extui %sign3A_5 : i1 to i32
    %sign3A_7 = arith.constant 0 : i32
    %sign3A_8 = arith.cmpi slt, %get3A_0, %sign3A_7 : i32
    %sign3A_9 = arith.extui %sign3A_8 : i1 to i32
    %sign3A_10 = arith.subi %sign3A_6, %sign3A_9 : i32
    %sign3A_11 = arith.constant 0 : i32
    %sign3A_12 = arith.cmpi sgt, %jit3A, %sign3A_11 : i32
    %sign3A_13 = arith.extui %sign3A_12 : i1 to i32
    %sign3A_14 = arith.constant 0 : i32
    %sign3A_15 = arith.cmpi slt, %jit3A, %sign3A_14 : i32
    %sign3A_16 = arith.extui %sign3A_15 : i1 to i32
    %sign3A_17 = arith.subi %sign3A_13, %sign3A_16 : i32
    %ne3A = arith.cmpi ne, %sign3A_10, %sign3A_17 : i32
    %rem3A = arith.remsi %get3A_0, %jit3A : i32
    %ne3A_18 = arith.constant 0 : i32
    %ne3A_19 = arith.cmpi ne, %rem3A, %ne3A_18 : i32
    %and3A = arith.andi %ne3A, %ne3A_19 : i1
    %sub3A_20 = arith.constant 1 : i32
    %sub3A_21 = arith.subi %div3A, %sub3A_20 : i32
    %select_n3A = arith.select %and3A, %sub3A_21, %div3A : i32
    %min3A = arith.minsi %sub3A_4, %select_n3A : i32
    %jit3A_22 = arith.constant 0 : i32
    %select_n3A_23 = arith.select %lt3A_3, %jit3A_22, %min3A : i32
    %add3A = arith.addi %get3A_2, %select_n3A_23 : i32
    %c0_i32 = arith.constant 0 : i32
    %c0_i32_24 = arith.constant 0 : i32
    return %add3A, %c0_i32 : i32, i32
  }
  func.func @transform_4(%arg0: i32, %arg1: i32, %arg2: memref<24xi32, #tpu.memory_space<smem>>, %arg3: memref<8xi32, #tpu.memory_space<smem>>) -> (i32, i32) {
    %get3A = arith.index_cast %arg0 : i32 to index
    %get3A_0 = memref.load %arg2[%get3A] : memref<24xi32, #tpu.memory_space<smem>>
    %get3A_1 = arith.index_cast %get3A_0 : i32 to index
    %get3A_2 = memref.load %arg3[%get3A_1] : memref<8xi32, #tpu.memory_space<smem>>
    %lt3A = arith.constant 4 : i32
    %lt3A_3 = arith.cmpi slt, %arg1, %lt3A : i32
    %sub3A = arith.constant 4 : i32
    %sub3A_4 = arith.subi %arg1, %sub3A : i32
    %jit3A = arith.constant 2 : i32
    %div3A = arith.divsi %get3A_0, %jit3A : i32
    %sign3A = arith.constant 0 : i32
    %sign3A_5 = arith.cmpi sgt, %get3A_0, %sign3A : i32
    %sign3A_6 = arith.extui %sign3A_5 : i1 to i32
    %sign3A_7 = arith.constant 0 : i32
    %sign3A_8 = arith.cmpi slt, %get3A_0, %sign3A_7 : i32
    %sign3A_9 = arith.extui %sign3A_8 : i1 to i32
    %sign3A_10 = arith.subi %sign3A_6, %sign3A_9 : i32
    %sign3A_11 = arith.constant 0 : i32
    %sign3A_12 = arith.cmpi sgt, %jit3A, %sign3A_11 : i32
    %sign3A_13 = arith.extui %sign3A_12 : i1 to i32
    %sign3A_14 = arith.constant 0 : i32
    %sign3A_15 = arith.cmpi slt, %jit3A, %sign3A_14 : i32
    %sign3A_16 = arith.extui %sign3A_15 : i1 to i32
    %sign3A_17 = arith.subi %sign3A_13, %sign3A_16 : i32
    %ne3A = arith.cmpi ne, %sign3A_10, %sign3A_17 : i32
    %rem3A = arith.remsi %get3A_0, %jit3A : i32
    %ne3A_18 = arith.constant 0 : i32
    %ne3A_19 = arith.cmpi ne, %rem3A, %ne3A_18 : i32
    %and3A = arith.andi %ne3A, %ne3A_19 : i1
    %sub3A_20 = arith.constant 1 : i32
    %sub3A_21 = arith.subi %div3A, %sub3A_20 : i32
    %select_n3A = arith.select %and3A, %sub3A_21, %div3A : i32
    %min3A = arith.minsi %sub3A_4, %select_n3A : i32
    %jit3A_22 = arith.constant 0 : i32
    %select_n3A_23 = arith.select %lt3A_3, %jit3A_22, %min3A : i32
    %add3A = arith.addi %get3A_2, %select_n3A_23 : i32
    %c0_i32 = arith.constant 0 : i32
    %c0_i32_24 = arith.constant 0 : i32
    return %c0_i32, %add3A : i32, i32
  }
  func.func @transform_5(%arg0: i32, %arg1: i32, %arg2: memref<24xi32, #tpu.memory_space<smem>>, %arg3: memref<8xi32, #tpu.memory_space<smem>>) -> (i32, i32) {
    %get3A = arith.index_cast %arg0 : i32 to index
    %get3A_0 = memref.load %arg2[%get3A] : memref<24xi32, #tpu.memory_space<smem>>
    %get3A_1 = arith.index_cast %get3A_0 : i32 to index
    %get3A_2 = memref.load %arg3[%get3A_1] : memref<8xi32, #tpu.memory_space<smem>>
    %lt3A = arith.constant 4 : i32
    %lt3A_3 = arith.cmpi slt, %arg1, %lt3A : i32
    %sub3A = arith.constant 4 : i32
    %sub3A_4 = arith.subi %arg1, %sub3A : i32
    %jit3A = arith.constant 2 : i32
    %div3A = arith.divsi %get3A_0, %jit3A : i32
    %sign3A = arith.constant 0 : i32
    %sign3A_5 = arith.cmpi sgt, %get3A_0, %sign3A : i32
    %sign3A_6 = arith.extui %sign3A_5 : i1 to i32
    %sign3A_7 = arith.constant 0 : i32
    %sign3A_8 = arith.cmpi slt, %get3A_0, %sign3A_7 : i32
    %sign3A_9 = arith.extui %sign3A_8 : i1 to i32
    %sign3A_10 = arith.subi %sign3A_6, %sign3A_9 : i32
    %sign3A_11 = arith.constant 0 : i32
    %sign3A_12 = arith.cmpi sgt, %jit3A, %sign3A_11 : i32
    %sign3A_13 = arith.extui %sign3A_12 : i1 to i32
    %sign3A_14 = arith.constant 0 : i32
    %sign3A_15 = arith.cmpi slt, %jit3A, %sign3A_14 : i32
    %sign3A_16 = arith.extui %sign3A_15 : i1 to i32
    %sign3A_17 = arith.subi %sign3A_13, %sign3A_16 : i32
    %ne3A = arith.cmpi ne, %sign3A_10, %sign3A_17 : i32
    %rem3A = arith.remsi %get3A_0, %jit3A : i32
    %ne3A_18 = arith.constant 0 : i32
    %ne3A_19 = arith.cmpi ne, %rem3A, %ne3A_18 : i32
    %and3A = arith.andi %ne3A, %ne3A_19 : i1
    %sub3A_20 = arith.constant 1 : i32
    %sub3A_21 = arith.subi %div3A, %sub3A_20 : i32
    %select_n3A = arith.select %and3A, %sub3A_21, %div3A : i32
    %min3A = arith.minsi %sub3A_4, %select_n3A : i32
    %jit3A_22 = arith.constant 0 : i32
    %select_n3A_23 = arith.select %lt3A_3, %jit3A_22, %min3A : i32
    %add3A = arith.addi %get3A_2, %select_n3A_23 : i32
    %c0_i32 = arith.constant 0 : i32
    %c0_i32_24 = arith.constant 0 : i32
    return %c0_i32, %add3A : i32, i32
  }
  func.func @transform_6(%arg0: i32, %arg1: i32, %arg2: memref<24xi32, #tpu.memory_space<smem>>, %arg3: memref<8xi32, #tpu.memory_space<smem>>) -> (i32, i32, i32) {
    %get3A = arith.index_cast %arg0 : i32 to index
    %get3A_0 = memref.load %arg2[%get3A] : memref<24xi32, #tpu.memory_space<smem>>
    %c0_i32 = arith.constant 0 : i32
    %c0_i32_1 = arith.constant 0 : i32
    %c0_i32_2 = arith.constant 0 : i32
    return %get3A_0, %c0_i32, %c0_i32_1 : i32, i32, i32
  }
  func.func @transform_7(%arg0: i32, %arg1: i32, %arg2: memref<24xi32, #tpu.memory_space<smem>>, %arg3: memref<8xi32, #tpu.memory_space<smem>>) -> (i32, i32) {
    %c0_i32 = arith.constant 0 : i32
    %c0_i32_0 = arith.constant 0 : i32
    return %arg0, %c0_i32 : i32, i32
  }
}

module attributes {stable_mosaic.version = 14 : i64} {
  func.func @_wsum_body(%arg0: i32, %arg1: memref<512x1024xf32, #tpu.memory_space<vmem>>, %arg2: memref<512x1024xf32, #tpu.memory_space<vmem>>, %arg3: memref<512x128xf32, #tpu.memory_space<vmem>>, %arg4: memref<512x1024xf32, #tpu.memory_space<vmem>>) attributes {dimension_semantics = [#tpu.dimension_semantics<arbitrary>], iteration_bounds = array<i64: 8>, scalar_prefetch = 0 : i64, scratch_operands = 0 : i64, tpu.core_type = #tpu.core_type<tc>, window_params = [{transform_indices = @transform_0, window_bounds = array<i64: 512, 1024>}, {transform_indices = @transform_1, window_bounds = array<i64: 512, 1024>}, {transform_indices = @transform_2, window_bounds = array<i64: 512, 128>}, {transform_indices = @transform_3, window_bounds = array<i64: 512, 1024>}]} {
    %get3A = arith.constant 0 : index
    %get3A_0 = arith.constant 0 : index
    %get3A_1 = vector.load %arg1[%get3A, %get3A_0] : memref<512x1024xf32, #tpu.memory_space<vmem>>, vector<512x1024xf32>
    %get3A_2 = arith.constant 0 : index
    %get3A_3 = arith.constant 0 : index
    %get3A_4 = vector.load %arg3[%get3A_2, %get3A_3] : memref<512x128xf32, #tpu.memory_space<vmem>>, vector<512x1xf32>
    %mul3A = vector.broadcast %get3A_4 : vector<512x1xf32> to vector<512x1024xf32>
    %mul3A_5 = arith.mulf %get3A_1, %mul3A : vector<512x1024xf32>
    %get3A_6 = arith.constant 0 : index
    %get3A_7 = arith.constant 0 : index
    %get3A_8 = vector.load %arg2[%get3A_6, %get3A_7] : memref<512x1024xf32, #tpu.memory_space<vmem>>, vector<512x1024xf32>
    %get3A_9 = arith.constant 0 : index
    %get3A_10 = arith.constant 1 : index
    %get3A_11 = vector.load %arg3[%get3A_9, %get3A_10] : memref<512x128xf32, #tpu.memory_space<vmem>>, vector<512x1xf32>
    %mul3A_12 = vector.broadcast %get3A_11 : vector<512x1xf32> to vector<512x1024xf32>
    %mul3A_13 = arith.mulf %get3A_8, %mul3A_12 : vector<512x1024xf32>
    %add3A = arith.addf %mul3A_5, %mul3A_13 : vector<512x1024xf32>
    %swap3A = arith.constant 0 : index
    %swap3A_14 = arith.constant 0 : index
    %swap3A_15 = vector.load %arg4[%swap3A, %swap3A_14] : memref<512x1024xf32, #tpu.memory_space<vmem>>, vector<512x1024xf32>
    tpu.vector_store %arg4[%swap3A, %swap3A_14], %add3A {strides = array<i32>} : memref<512x1024xf32, #tpu.memory_space<vmem>>, vector<512x1024xf32>,
    return
  }
  func.func @transform_0(%arg0: i32) -> (i32, i32) {
    %c0_i32 = arith.constant 0 : i32
    %c0_i32_0 = arith.constant 0 : i32
    return %arg0, %c0_i32 : i32, i32
  }
  func.func @transform_1(%arg0: i32) -> (i32, i32) {
    %add3A = arith.constant 8 : i32
    %add3A_0 = arith.addi %arg0, %add3A : i32
    %c0_i32 = arith.constant 0 : i32
    %c0_i32_1 = arith.constant 0 : i32
    return %add3A_0, %c0_i32 : i32, i32
  }
  func.func @transform_2(%arg0: i32) -> (i32, i32) {
    %c0_i32 = arith.constant 0 : i32
    %c0_i32_0 = arith.constant 0 : i32
    return %arg0, %c0_i32 : i32, i32
  }
  func.func @transform_3(%arg0: i32) -> (i32, i32) {
    %c0_i32 = arith.constant 0 : i32
    %c0_i32_0 = arith.constant 0 : i32
    return %arg0, %c0_i32 : i32, i32
  }
}

</mosaic_0001>

<sc_bundles>
// kernel: kernel.11.cloned.1.call-start
scs
__scs_entry_jumppad:
0x0: {  	(pc) =	sbr.rel $0x88, $3  }
0x1: {  	(tag) =	ssettag $0x0;
	lr =	simm.s32 $0x1  }
0x2: {  	[smem:$0x3F67] =	sst lr;
	_ =	strace $0xD0000000  }
0x3: {  	_ = 	snop  }
0x4: {  	_ = 	snop  }
0x5: {  	_ = 	snop  }
0x6: {  	_ = 	snop  }
0x7: {  	_ = 	snop  }
__scs_overlays_trampoline_lowered:
0x8: {  	[smem:$0x3F76] =	sst s0  }
0x9: {  	[smem:$0x3F77] =	sst s1  }
0xa: {  	[smem:$0x3F78] =	sst s2  }
0xb: {  	[smem:$0x3F79] =	sst s3  }
0xc: {  	[smem:$0x3F7A] =	sst s4  }
0xd: {  	[smem:$0x3F7B] =	sst s5  }
0xe: {  	[smem:$0x3F7C] =	sst s6  }
0xf: {  	[smem:$0x3F7D] =	sst s7  }
0x10: {  	[smem:$0x3F7E] =	sst s8  }
0x11: {  	[smem:$0x3F7F] =	sst s9;
	s0 =	simm.s32 @!p0 $0x0  }
0x12: {  	s1 =	sld [smem:$0x3F65];
	s0 =	simm.s32 @p0 $0x1  }
0x13: {  	[smem:$0x3F80] =	sst s0;
	s0 =	simm.s32 @!p1 $0x0  }
0x14: {  	s2 =	sld [smem:$0x3F64];
	s0 =	simm.s32 @p1 $0x1  }
0x15: {  	[smem:$0x3F81] =	sst s0;
	s0 =	simm.s32 @!p2 $0x0  }
0x16: {  	s3 =	sld [smem:$0x3FDB];
	s0 =	simm.s32 @p2 $0x1  }
0x17: {  	s4 =	simm.s32 $0x1BF5;
	[smem:$0x3F83] =	sst s0  }
0x18: {  	s0 =	sld [smem:$0x3F66];
	_ =	swait.ge [sflag:s4], $0x0  }
0x19: {  	s7 =	sld [smem:$0x3F67]  }
0x1a: {  	s8 =	sadd.s32 $0xFFFFE003, lr  }
0x1b: {  	s9 =	sadd.s32 $0xFFFFFEF7, lr;
	s5 =	simm.s32 $0xFFFFFFFF;
	p2 =	slt.u32 s8, $0xFFFFF086  }
0x1c: {  	p1 =	slt.u32 s9, $0xF7A;
	s5 =	simm.s32 @!p2 $0x0  }
0x1d: {  	s5 =	simm.s32 @p1 $0x1;
	p0 =	seq.s32 s7, s2  }
0x1e: {  	s7 =	smul.u32 @!p0 $0xF7A, s2;
	p2 =	seq.s32 @!p0 s5, $0x0  }
0x1f: {  	s9 =	smul.u32 $0xF7A, s1;
	s8 =	simm.s32 @!p0 $0x1BF5;
	p2 =	por !p2, p0  }
0x20: {  	[sflag:s8] =	ssyncset.s32 @!p0 $0xFFFFF086;
	s6 =	sadd.s32 @!p0 s3, s7;
	s7 =	simm.s32 @!p0 $0x108  }
0x21: {  	s3 =	sadd.s32 s3, s9;
	s6 =	sadd.s32 @!p0 $0x88, s6;
	s7 =	simm.s32 @p2 $0x1082  }
0x22: {  	[simem:s7], [sflag:s8] =	dma.local @!p0 [hbm:s6], $0xF7A  }
0x23: {  	s9 =	sor.u32 $0xD0000000, s2;
	s6 =	simm.s32 $0x108;
	_ =	swait.ge @!p0 [sflag:s8], $0x0  }
0x24: {  	s3 =	sadd.s32 $0x88, s3;
	s6 =	simm.s32 @!p1 $0x1082;
	[sflag:s4] =	ssyncset.s32 $0xFFFFF086  }
0x25: {  	[simem:s6], [sflag:s4] =	dma.local [hbm:s3], $0xF7A  }
0x26: {  	[smem:$0x3F67] =	sst s1;
	(tag) =	ssettag s2;
	_ =	strace s9  }
0x27: {  	s1 =	sld [smem:$0x3F77]  }
0x28: {  	s2 =	sld [smem:$0x3F78]  }
0x29: {  	s4 =	sld [smem:$0x3F7A]  }
0x2a: {  	p0 =	seq.s32 s5, $0x0;
	s5 =	sld [smem:$0x3F7B]  }
0x2b: {  	s6 =	sld [smem:$0x3F7C]  }
0x2c: {  	s7 =	sld [smem:$0x3F7D]  }
0x2d: {  	s3 =	simm.s32 $0x108;
	s8 =	sld [smem:$0x3F7E]  }
0x2e: {  	s3 =	simm.s32 @!p0 $0x1082;
	s9 =	sld [smem:$0x3F7F]  }
0x2f: {  	lr =	sadd.s32 s0, s3;
	s0 =	sld [smem:$0x3F76]  }
0x30: {  	s3 =	sld [smem:$0x3F79]  }
0x31: {  	[smem:$0x3F82] =	sst s10  }
0x32: {  	s10 =	sld [smem:$0x3F80];
	_ =	sdelay $0x3  }
0x33: {  	p0 =	seq.s32 s10, $0x1;
	s10 =	sld [smem:$0x3F82];
	_ =	sdelay $0x3  }
0x34: {  	[smem:$0x3F82] =	sst s10  }
0x35: {  	s10 =	sld [smem:$0x3F81];
	_ =	sdelay $0x3  }
0x36: {  	p1 =	seq.s32 s10, $0x1;
	s10 =	sld [smem:$0x3F82];
	_ =	sdelay $0x3  }
0x37: {  	[smem:$0x3F82] =	sst s10  }
0x38: {  	s10 =	sld [smem:$0x3F83]  }
0x39: {  	_ = 	snop;
	(pc) =	sbr.ind lr, $3  }
0x3a: {  	_ = 	snop  }
0x3b: {  	_ = 	snop  }
0x3c: {  	p2 =	seq.s32 s10, $0x1;
	s10 =	sld [smem:$0x3F82]  }
0x3d: {  	_ =	shalt  }
0x3e: {  	_ =	shalt  }
0x3f: {  	_ =	shalt  }
0x40: {  	_ =	shalt  }
0x41: {  	_ =	shalt  }
0x42: {  	_ =	shalt  }
0x43: {  	_ =	shalt  }
0x44: {  	_ =	shalt  }
0x45: {  	_ =	shalt  }
0x46: {  	_ =	shalt  }
0x47: {  	_ =	shalt  }
0x48: {  	_ =	shalt  }
0x49: {  	_ =	shalt  }
0x4a: {  	_ =	shalt  }
0x4b: {  	_ =	shalt  }
0x4c: {  	_ =	shalt  }
0x4d: {  	_ =	shalt  }
0x4e: {  	_ =	shalt  }
0x4f: {  	_ =	shalt  }
0x50: {  	_ =	shalt  }
0x51: {  	_ =	shalt  }
0x52: {  	_ =	shalt  }
0x53: {  	_ =	shalt  }
0x54: {  	_ =	shalt  }
0x55: {  	_ =	shalt  }
0x56: {  	_ =	shalt  }
0x57: {  	_ =	shalt  }
0x58: {  	_ =	shalt  }
0x59: {  	_ =	shalt  }
0x5a: {  	_ =	shalt  }
0x5b: {  	_ =	shalt  }
0x5c: {  	_ =	shalt  }
0x5d: {  	_ =	shalt  }
0x5e: {  	_ =	shalt  }
0x5f: {  	_ =	shalt  }
0x60: {  	_ =	shalt  }
0x61: {  	_ =	shalt  }
0x62: {  	_ =	shalt  }
0x63: {  	_ =	shalt  }
0x64: {  	_ =	shalt  }
0x65: {  	_ =	shalt  }
0x66: {  	_ =	shalt  }
0x67: {  	_ =	shalt  }
0x68: {  	_ =	shalt  }
0x69: {  	_ =	shalt  }
0x6a: {  	_ =	shalt  }
0x6b: {  	_ =	shalt  }
0x6c: {  	_ =	shalt  }
0x6d: {  	_ =	shalt  }
0x6e: {  	_ =	shalt  }
0x6f: {  	_ =	shalt  }
0x70: {  	_ =	shalt  }
0x71: {  	_ =	shalt  }
0x72: {  	_ =	shalt  }
0x73: {  	_ =	shalt  }
0x74: {  	_ =	shalt  }
0x75: {  	_ =	shalt  }
0x76: {  	_ =	shalt  }
0x77: {  	_ =	shalt  }
0x78: {  	_ =	shalt  }
0x79: {  	_ =	shalt  }
0x7a: {  	_ =	shalt  }
0x7b: {  	_ =	shalt  }
0x7c: {  	_ =	shalt  }
0x7d: {  	_ =	shalt  }
0x7e: {  	_ =	shalt  }
0x7f: {  	_ =	shalt  }
0x80: {  	_ =	shalt  }
0x81: {  	_ =	shalt  }
0x82: {  	_ =	shalt  }
0x83: {  	_ =	shalt  }
0x84: {  	_ =	shalt  }
0x85: {  	_ =	shalt  }
0x86: {  	_ =	shalt  }
0x87: {  	_ =	shalt  }
.Lfunc_end0:
.L_simem_size_0:
called_computation.1_lowered:
.L_overlay_start_0:
0x88: {  	s2 =	sld [smem:$0x3FD9]  }
0x89: {  	s3 =	sld [smem:$0x3FFE];
	_ =	sdelay $0x1  }
0x8a: {  	s1 =	srdreg.scid  }
0x8b: {  	s0 =	sand.u32 $0x1, s1  }
0x8c: {  	s16 =	sshll.u32 s0, $0xA;
	s2 =	sadd.s32 s3, s2  }
0x8d: {  	s2 =	sadd.s32 s2, s16  }
0x8e: {  	[smem:$0x3F8E] =	sst s2  }
0x8f: {  	_ = 	snop  }
0x90: {  	(tm) =	ssettm $0x1  }
0x91: {  	s17 =	sld [smem:$0x3FFB];
	_ =	sdelay $0x3  }
0x92: {  	_ =	strace s17  }
0x93: {  	s2 =	sld [smem:$0x3FFC];
	_ =	sdelay $0x3  }
0x94: {  	_ =	strace s2  }
0x95: {  	s2 =	sld [smem:$0x3FFD];
	_ =	sdelay $0x3  }
0x96: {  	_ =	strace s2  }
0x97: {  	_ =	strace $0x8FFFFFFF  }
0x98: {  	s18 =	sld [smem:$0x3FDB];
	_ =	sdelay $0x1  }
0x99: {  	s19 =	simm.s32 $_scs_section_size  }
0x9a: {  	s4 =	simm.s32 $_size__tile_overlayer_lowered;
	s5 =	simm.s32 $_tile_overlayer_lowered  }
0x9b: {  	s22 =	simm.s32 $0x1BFF;
	s21 =	sshll.u32 s5, $0x1;
	s2 =	sadd.s32 s19, s18  }
0x9c: {  	s6 =	simm.s32 $0x0;
	s20 =	sshll.u32 s4, $0x1;
	s4 =	sadd.s32 s21, s2  }
0x9d: {  	[timem:s6], [sflag:s22] =	dma.local [hbm:s4], s20  }
0x9e: {  	_ =	swait.ge [sflag:s22], s20  }
0x9f: {  	s3 =	ssub.s32 $0x0, s20;
	[sflag:s22] =	ssyncset.done $0x0  }
0xa0: {  	[sflag:s22] =	ssyncadd.s32 s3;
	_ =	sdelay $0x1  }
0xa1: {  	s23 =	simm.s32 $0x1B8B  }
0xa2: {  	_ =	swait.ge [sflag:s23], $0x1  }
0xa3: {  	[sflag:s23] =	ssyncset.done $0x0  }
0xa4: {  	s25 =	simm.s32 $0x1B8E;
	s24 =	sld [smem:$0x3FFE];
	[sflag:s23] =	ssyncadd.s32 $0xFFFFFFFF  }
0xa5: {  	s26 =	simm.s32 $execute0_lowered;
	[smem:$0x3FD2] =	sst s25  }
0xa6: {  	s4 =	sshll.u32 s26, $0x1;
	_ =	strace $0x80000049;
	[dreg:$0x1] =	wrdreg $0xFFFFFFFF  }
0xa7: {  	s28 =	simm.s32 $_size_execute0_lowered;
	s2 =	sadd.s32 s2, s4;
	[dreg:$0x0] =	wrdreg $0x0  }
0xa8: {  	s4 =	sshll.u32 s28, $0x1;
	[dreg:$0x2] =	wrdreg s2  }
0xa9: {  	[dreg:$0x3] =	wrdreg s4  }
0xaa: {  	[dreg:$0x4] =	wrdreg $0xC0  }
0xab: {  	_ =	task [dreg:s6], $0x5FFFF  }
0xac: {  	[dreg:$0x1] =	wrdreg $0xFFFFFFFF  }
0xad: {  	[dreg:$0x0] =	wrdreg $0x60  }
0xae: {  	[dreg:$0x2] =	wrdreg s24  }
0xaf: {  	[dreg:$0x3] =	wrdreg $0x9  }
0xb0: {  	_ =	task.clear_ibuf [dreg:s6], $0x4FFFF;
	_ =	strace $0x90000049  }
0xb1: {  	s29 =	simm.s32 $0x9;
	_ =	strace $0x8000004B  }
0xb2: {  	_ =	swait.ge [sflag:s29], $0x1  }
0xb3: {  	[sflag:s29] =	ssyncadd.s32 $0xFFFFFFFF  }
0xb4: {  	_ =	strace $0x9000004B  }
0xb5: {  	_ =	sfence  }
0xb6: {  	s30 =	sld [smem:$0x0];
	_ =	sdelay $0x2  }
0xb7: {  	s31 =	sshll.u32 s1, $0xD;
	s1 =	sshrl.u32 s1, $0x2  }
0xb8: {  	s3 =	sand.u32 $0x4000, s31;
	s1 =	sadd.s32 s1, s30  }
0xb9: {  	s0 =	sor.u32 s3, s0;
	s1 =	sshll.u32 s1, $0x11  }
0xba: {  	s0 =	sor.u32 s1, s0  }
0xbb: {  	s0 =	sadd.s32 $0x8F2B, s0  }
0xbc: {  	[sflag:s0] =	ssyncadd.remote.s32 $0x1  }
0xbd: {  	_ =	sfence.sel $0xFFFF  }
0xbe: {  	[dreg:$0x0] =	wrdreg $0xFFFFFFFF;
	(pc) =	sbr.abs _section_cstart, $3  }
0xbf: {  	[dreg:$0x1] =	wrdreg $0xFFFFFFFF  }
0xc0: {  	_ =	task.clear_ibuf [dreg:s6], $0x2FFFF;
	_ =	strace $0x9FFFFFFF  }
0xc1: {  	(tm) =	ssettm $0x7FFFFFFF  }
tec
execute0_lowered:
.L_overlay_start_1:
0x0: {  	(tag) =	ssettag $0x1  }
0x1: {  	s1 =	srdreg.scid  }
0x2: {  	s0 =	rddreg [dreg:$0x0];
	s5 =	stileid.u32;
	s2 =	simm.s32 $0x0  }
0x3: {  	s13 =	simm.s32 $0x80;
	s6 =	simm.s32 $0x1000;
	s19 =	simm.s32 $0x1  }
0x4: {  	s4 =	sand.u32 $0x1, s1;
	[smem:$0x7FF] =	sst s2;
	s23 =	sand.u32 $0x1, s5  }
0x5: {  	s24 =	sshll.u32 s5, $0x8;
	s1 =	sshll.u32 s1, $0x8;
	s7 =	sadd.s32 $0x8400, s0  }
0x6: {  	s8 =	sadd.s32 $0x8800, s0;
	s11 =	sadd.s32 $0x8408, s0;
	s3 =	sor.u32 s4, s5  }
0x7: {  	p1 =	seq.s32 s4, $0x1;
	_ =	strace $0x8000004A;
	p2 =	seq.s32 s23, $0x1  }
0x8: {  	s1 =	sand.u32 $0x100, s1;
	s4 =	ssub.s32 $0x2, s4;
	p0 =	seq.s32 s3, $0x0  }
0x9: {  	s3 =	sand.u32 $0xE00, s24;
	s9 =	sshrl.u32 s4, $0x1;
	p0 =	por !p0, !p1  }
0xa: {  	s1 =	sor.u32 s1, s3;
	s3 =	sadd.s32 $0x408800, s0;
	s9 =	ssub.s32 s4, s9  }
0xb: {  	p1 =	por !p0, !p0;
	p0 =	por !p2, !p2;
	s25 =	sshll.u32 s1, $0x1  }
0xc: {  	s12 =	sor.u32 $0x80, s1;
	s9 =	smax.u32 s9, $0x1;
	p0 =	por @!p1 p2, p2  }
0xd: {  	s28 =	sshll.u32 s12, $0x1;
	s13 =	simm.s32 @!p0 $0x0;
	s6 =	simm.s32 @!p0 $0x0  }
0xe: {  	s5 =	sor.u32 s25, s13;
	s26 =	sor.u32 s1, s6;
	s1 =	sor.u32 $0xC0, s1  }
0xf: {  	s30 =	sor.u32 s12, s6;
	s10 =	sshrl.u32 s5, $0x3;
	s4 =	sshll.u32 s26, $0x7  }
0x10: {  	s29 =	sshll.u32 s1, $0x1;
	s31 =	sshll.u32 s30, $0x7;
	s5 =	sadd.s32 s7, s10  }
0x11: {  	s1 =	sor.u32 s1, s6;
	s10 =	sadd.s32 s10, s11;
	[dreg:$0x2] =	wrdreg s5  }
0x12: {  	s4 =	sadd.s32 s8, s4;
	s1 =	sshll.u32 s1, $0x7;
	[dreg:$0x3] =	wrdreg s10  }
0x13: {  	s5 =	sadd.s32 $0x408900, s0;
	[dreg:$0x9] =	wrdreg s4;
	s4 =	sadd.s32 $0x2000, s4  }
0x14: {  	s10 =	sor.u32 s13, s28;
	s1 =	sadd.s32 s8, s1;
	[dreg:$0x4] =	wrdreg s4  }
0x15: {  	s10 =	sshrl.u32 s10, $0x3;
	s4 =	sand.u32 $0x1F00, s29;
	[dreg:$0x8] =	wrdreg s1  }
0x16: {  	s1 =	simm.s32 $0x80;
	s7 =	sadd.s32 s7, s10;
	s4 =	sor.u32 s13, s4  }
0x17: {  	v2 =	vlaneseq.u32;
	[dreg:$0x5] =	wrdreg s7;
	s7 =	sadd.s32 s8, s31;
	s4 =	sshrl.u32 s4, $0x3  }
0x18: {  	vm0 =	vmmov $0xffff;
	v1 =	vshrl.u32 v2, $0x3;
	s10 =	simm.s32 $0x2;
	[dreg:$0x6] =	wrdreg s7;
	s4 =	sadd.s32 s4, s11  }
0x19: {  	v0 =	vand.u32 $0x7, v2;
	v2 =	vor.u32 $0x8, v2;
	v1 =	vmul.u32 $0x8, v1;
	s8 =	sadd.s32 $0x408B00, s0;
	s7 =	sadd.s32 $0x408A00, s0;
	[dreg:$0x7] =	wrdreg s4  }
.LBB2_1:
0x1a: {  	s20 =	rddreg [dreg:$0x2]  }
0x1b: {  	[tilespmem:s2], [sflag:$0x2] =	stream.linear.gather [hbm4b:s20+s2], $0x40, $0x38;
	[tilespmem:$0x10080] =	vst v63  }
0x1c: {  	_ =	swait.ge [sflag:s10], $0x40  }
0x1d: {  	[sflag:s10] =	ssyncset.done $0x0  }
0x1e: {  	[sflag:s10] =	ssyncadd.s32 $0xFFFFFFC0  }
0x1f: {  	v3 =	vld [tilespmem:$0x0];
	_ =	sdelay $0x4  }
0x20: {  	v4 =	vshll.u32 v3, $0x3  }
0x21: {  	v3 =	vand.u32 $0x7, v3;
	v4 =	vand.u32 $0xFFFFFFC0, v4  }
0x22: {  	v3 =	vor.u32 v3, v4  }
0x23: {  	v4 =	vperm.xlane v3, v0;
	_ =	sdelay $0x1  }
0x24: {  	v4 =	vadd.s32 v1, v4;
	_ =	sdelay $0x4  }
0x25: {  	[tilespmem:s1], [sflag:$0x1] =	stream.indirect_vreg.gather [hbm4b:s3+s2], $0x80, v4, vm0, $0xb8;
	[tilespmem:$0x10080] =	vst v63  }
0x26: {  	s0 =	simm.s32 $0x880;
	v3 =	vperm.xlane v3, v2  }
0x27: {  	[tilespmem:s0], [sflag:$0x1] =	stream.indirect_vreg.gather [hbm4b:s5+s2], $0x80, v4, vm0, $0xb8;
	[tilespmem:$0x10080] =	vst v63  }
0x28: {  	s15 =	simm.s32 $0x1080;
	v3 =	vadd.s32 v1, v3  }
0x29: {  	[tilespmem:s15], [sflag:$0x1] =	stream.indirect_vreg.gather [hbm4b:s7+s2], $0x80, v4, vm0, $0xb8;
	[tilespmem:$0x10080] =	vst v63  }
0x2a: {  	s16 =	simm.s32 $0x1880  }
0x2b: {  	[tilespmem:s16], [sflag:$0x1] =	stream.indirect_vreg.gather [hbm4b:s8+s2], $0x80, v4, vm0, $0xb8;
	[tilespmem:$0x10080] =	vst v63  }
0x2c: {  	s17 =	simm.s32 $0x2080  }
0x2d: {  	[tilespmem:s17], [sflag:$0x1] =	stream.indirect_vreg.gather [hbm4b:s3+s2], $0x80, v3, vm0, $0xb8;
	[tilespmem:$0x10080] =	vst v63  }
0x2e: {  	s18 =	simm.s32 $0x2880  }
0x2f: {  	[tilespmem:s18], [sflag:$0x1] =	stream.indirect_vreg.gather [hbm4b:s5+s2], $0x80, v3, vm0, $0xb8;
	[tilespmem:$0x10080] =	vst v63  }
0x30: {  	s20 =	simm.s32 $0x3080  }
0x31: {  	[tilespmem:s20], [sflag:$0x1] =	stream.indirect_vreg.gather [hbm4b:s7+s2], $0x80, v3, vm0, $0xb8;
	[tilespmem:$0x10080] =	vst v63  }
0x32: {  	s21 =	simm.s32 $0x3880  }
0x33: {  	[tilespmem:s21], [sflag:$0x1] =	stream.indirect_vreg.gather [hbm4b:s8+s2], $0x80, v3, vm0, $0xb8;
	[tilespmem:$0x10080] =	vst v63  }
0x34: {  	v3 =	vld [tilespmem:$0x10];
	_ =	sdelay $0x4  }
0x35: {  	v49 =	vshll.u32 v3, $0x3  }
0x36: {  	v3 =	vand.u32 $0x7, v3;
	v4 =	vand.u32 $0xFFFFFFC0, v49  }
0x37: {  	v3 =	vor.u32 v3, v4  }
0x38: {  	v4 =	vperm.xlane v3, v0;
	_ =	sdelay $0x1  }
0x39: {  	v4 =	vadd.s32 v1, v4;
	_ =	sdelay $0x3  }
0x3a: {  	s22 =	simm.s32 $0x4080  }
0x3b: {  	[tilespmem:s22], [sflag:$0x1] =	stream.indirect_vreg.gather [hbm4b:s3+s2], $0x80, v4, vm0, $0xb8;
	[tilespmem:$0x10080] =	vst v63  }
0x3c: {  	s23 =	simm.s32 $0x4880;
	v3 =	vperm.xlane v3, v2  }
0x3d: {  	[tilespmem:s23], [sflag:$0x1] =	stream.indirect_vreg.gather [hbm4b:s5+s2], $0x80, v4, vm0, $0xb8;
	[tilespmem:$0x10080] =	vst v63  }
0x3e: {  	s24 =	simm.s32 $0x5080;
	v3 =	vadd.s32 v1, v3  }
0x3f: {  	[tilespmem:s24], [sflag:$0x1] =	stream.indirect_vreg.gather [hbm4b:s7+s2], $0x80, v4, vm0, $0xb8;
	[tilespmem:$0x10080] =	vst v63  }
0x40: {  	s25 =	simm.s32 $0x5880  }
0x41: {  	[tilespmem:s25], [sflag:$0x1] =	stream.indirect_vreg.gather [hbm4b:s8+s2], $0x80, v4, vm0, $0xb8;
	[tilespmem:$0x10080] =	vst v63  }
0x42: {  	s26 =	simm.s32 $0x6080  }
0x43: {  	[tilespmem:s26], [sflag:$0x1] =	stream.indirect_vreg.gather [hbm4b:s3+s2], $0x80, v3, vm0, $0xb8;
	[tilespmem:$0x10080] =	vst v63  }
0x44: {  	s29 =	simm.s32 $0x6880  }
0x45: {  	[tilespmem:s29], [sflag:$0x1] =	stream.indirect_vreg.gather [hbm4b:s5+s2], $0x80, v3, vm0, $0xb8;
	[tilespmem:$0x10080] =	vst v63  }
0x46: {  	s30 =	simm.s32 $0x7080  }
0x47: {  	[tilespmem:s30], [sflag:$0x1] =	stream.indirect_vreg.gather [hbm4b:s7+s2], $0x80, v3, vm0, $0xb8;
	[tilespmem:$0x10080] =	vst v63  }
0x48: {  	s4 =	simm.s32 $0x7880  }
0x49: {  	[tilespmem:s4], [sflag:$0x1] =	stream.indirect_vreg.gather [hbm4b:s8+s2], $0x80, v3, vm0, $0xb8;
	[tilespmem:$0x10080] =	vst v63  }
0x4a: {  	v3 =	vld [tilespmem:$0x20];
	_ =	sdelay $0x4  }
0x4b: {  	v50 =	vshll.u32 v3, $0x3  }
0x4c: {  	v3 =	vand.u32 $0x7, v3;
	v4 =	vand.u32 $0xFFFFFFC0, v50  }
0x4d: {  	v3 =	vor.u32 v3, v4  }
0x4e: {  	v4 =	vperm.xlane v3, v0;
	_ =	sdelay $0x1  }
0x4f: {  	v4 =	vadd.s32 v1, v4;
	_ =	sdelay $0x3  }
0x50: {  	s6 =	simm.s32 $0x8080  }
0x51: {  	[tilespmem:s6], [sflag:$0x1] =	stream.indirect_vreg.gather [hbm4b:s3+s2], $0x80, v4, vm0, $0xb8;
	[tilespmem:$0x10080] =	vst v63  }
0x52: {  	s11 =	simm.s32 $0x8880;
	v3 =	vperm.xlane v3, v2  }
0x53: {  	[tilespmem:s11], [sflag:$0x1] =	stream.indirect_vreg.gather [hbm4b:s5+s2], $0x80, v4, vm0, $0xb8;
	[tilespmem:$0x10080] =	vst v63  }
0x54: {  	s12 =	simm.s32 $0x9080;
	v3 =	vadd.s32 v1, v3  }
0x55: {  	[tilespmem:s12], [sflag:$0x1] =	stream.indirect_vreg.gather [hbm4b:s7+s2], $0x80, v4, vm0, $0xb8;
	[tilespmem:$0x10080] =	vst v63  }
0x56: {  	s20 =	simm.s32 $0x9880  }
0x57: {  	[tilespmem:s20], [sflag:$0x1] =	stream.indirect_vreg.gather [hbm4b:s8+s2], $0x80, v4, vm0, $0xb8;
	[tilespmem:$0x10080] =	vst v63  }
0x58: {  	s22 =	simm.s32 $0xA080  }
0x59: {  	[tilespmem:s22], [sflag:$0x1] =	stream.indirect_vreg.gather [hbm4b:s3+s2], $0x80, v3, vm0, $0xb8;
	[tilespmem:$0x10080] =	vst v63  }
0x5a: {  	s23 =	simm.s32 $0xA880  }
0x5b: {  	[tilespmem:s23], [sflag:$0x1] =	stream.indirect_vreg.gather [hbm4b:s5+s2], $0x80, v3, vm0, $0xb8;
	[tilespmem:$0x10080] =	vst v63  }
0x5c: {  	s24 =	simm.s32 $0xB080  }
0x5d: {  	[tilespmem:s24], [sflag:$0x1] =	stream.indirect_vreg.gather [hbm4b:s7+s2], $0x80, v3, vm0, $0xb8;
	[tilespmem:$0x10080] =	vst v63  }
0x5e: {  	s25 =	simm.s32 $0xB880  }
0x5f: {  	[tilespmem:s25], [sflag:$0x1] =	stream.indirect_vreg.gather [hbm4b:s8+s2], $0x80, v3, vm0, $0xb8;
	[tilespmem:$0x10080] =	vst v63  }
0x60: {  	v3 =	vld [tilespmem:$0x30];
	_ =	sdelay $0x4  }
0x61: {  	v51 =	vshll.u32 v3, $0x3  }
0x62: {  	v3 =	vand.u32 $0x7, v3;
	v4 =	vand.u32 $0xFFFFFFC0, v51  }
0x63: {  	v3 =	vor.u32 v3, v4  }
0x64: {  	v4 =	vperm.xlane v3, v0;
	_ =	sdelay $0x1  }
0x65: {  	v4 =	vadd.s32 v1, v4;
	_ =	sdelay $0x3  }
0x66: {  	s26 =	simm.s32 $0xC080  }
0x67: {  	[tilespmem:s26], [sflag:$0x1] =	stream.indirect_vreg.gather [hbm4b:s3+s2], $0x80, v4, vm0, $0xb8;
	[tilespmem:$0x10080] =	vst v63  }
0x68: {  	s29 =	simm.s32 $0xC880;
	v3 =	vperm.xlane v3, v2  }
0x69: {  	[tilespmem:s29], [sflag:$0x1] =	stream.indirect_vreg.gather [hbm4b:s5+s2], $0x80, v4, vm0, $0xb8;
	[tilespmem:$0x10080] =	vst v63  }
0x6a: {  	s30 =	simm.s32 $0xD080;
	v3 =	vadd.s32 v1, v3  }
0x6b: {  	[tilespmem:s30], [sflag:$0x1] =	stream.indirect_vreg.gather [hbm4b:s7+s2], $0x80, v4, vm0, $0xb8;
	[tilespmem:$0x10080] =	vst v63  }
0x6c: {  	s4 =	simm.s32 $0xD880  }
0x6d: {  	[tilespmem:s4], [sflag:$0x1] =	stream.indirect_vreg.gather [hbm4b:s8+s2], $0x80, v4, vm0, $0xb8;
	[tilespmem:$0x10080] =	vst v63  }
0x6e: {  	s6 =	simm.s32 $0xE080  }
0x6f: {  	[tilespmem:s6], [sflag:$0x1] =	stream.indirect_vreg.gather [hbm4b:s3+s2], $0x80, v3, vm0, $0xb8;
	[tilespmem:$0x10080] =	vst v63  }
0x70: {  	s11 =	simm.s32 $0xE880  }
0x71: {  	[tilespmem:s11], [sflag:$0x1] =	stream.indirect_vreg.gather [hbm4b:s5+s2], $0x80, v3, vm0, $0xb8;
	[tilespmem:$0x10080] =	vst v63  }
0x72: {  	s12 =	simm.s32 $0xF080  }
0x73: {  	[tilespmem:s12], [sflag:$0x1] =	stream.indirect_vreg.gather [hbm4b:s7+s2], $0x80, v3, vm0, $0xb8;
	[tilespmem:$0x10080] =	vst v63  }
0x74: {  	s26 =	simm.s32 $0xF880  }
0x75: {  	[tilespmem:s26], [sflag:$0x1] =	stream.indirect_vreg.gather [hbm4b:s8+s2], $0x80, v3, vm0, $0xb8;
	[tilespmem:$0x10080] =	vst v63  }
0x76: {  	_ =	swait.ge [sflag:s19], $0x10000  }
0x77: {  	[sflag:s19] =	ssyncset.done $0x0  }
0x78: {  	s29 =	rddreg [dreg:$0x9];
	[sflag:s19] =	ssyncadd.s32 $0xFFFF0000  }
0x79: {  	[hbm4b:s29+s2] =	stream.linear.scatter [tilespmem:s1], [sflag:$0x2], $0x10000, $0x38;
	[tilespmem:$0x10080] =	vst v63  }
0x7a: {  	_ =	swait.ge [sflag:s10], $0x10000  }
0x7b: {  	[sflag:s10] =	ssyncset.done $0x0  }
0x7c: {  	s30 =	rddreg [dreg:$0x3];
	[sflag:s10] =	ssyncadd.s32 $0xFFFF0000  }
0x7d: {  	[tilespmem:s2], [sflag:$0x2] =	stream.linear.gather [hbm4b:s30+s2], $0x40, $0x38;
	[tilespmem:$0x10080] =	vst v63  }
0x7e: {  	_ =	swait.ge [sflag:s10], $0x40  }
0x7f: {  	[sflag:s10] =	ssyncset.done $0x0  }
0x80: {  	[sflag:s10] =	ssyncadd.s32 $0xFFFFFFC0  }
0x81: {  	v3 =	vld [tilespmem:$0x0];
	_ =	sdelay $0x4  }
0x82: {  	v52 =	vshll.u32 v3, $0x3  }
0x83: {  	v3 =	vand.u32 $0x7, v3;
	v4 =	vand.u32 $0xFFFFFFC0, v52  }
0x84: {  	v3 =	vor.u32 v3, v4  }
0x85: {  	v4 =	vperm.xlane v3, v0;
	_ =	sdelay $0x1  }
0x86: {  	v4 =	vadd.s32 v1, v4;
	_ =	sdelay $0x4  }
0x87: {  	[tilespmem:s1], [sflag:$0x1] =	stream.indirect_vreg.gather [hbm4b:s3+s2], $0x80, v4, vm0, $0xb8;
	[tilespmem:$0x10080] =	vst v63  }
0x88: {  	s28 =	simm.s32 $0x880;
	v3 =	vperm.xlane v3, v2  }
0x89: {  	[tilespmem:s28], [sflag:$0x1] =	stream.indirect_vreg.gather [hbm4b:s5+s2], $0x80, v4, vm0, $0xb8;
	[tilespmem:$0x10080] =	vst v63  }
0x8a: {  	s13 =	simm.s32 $0x1080;
	v3 =	vadd.s32 v1, v3  }
0x8b: {  	[tilespmem:s13], [sflag:$0x1] =	stream.indirect_vreg.gather [hbm4b:s7+s2], $0x80, v4, vm0, $0xb8;
	[tilespmem:$0x10080] =	vst v63  }
0x8c: {  	s14 =	simm.s32 $0x1880  }
0x8d: {  	[tilespmem:s14], [sflag:$0x1] =	stream.indirect_vreg.gather [hbm4b:s8+s2], $0x80, v4, vm0, $0xb8;
	[tilespmem:$0x10080] =	vst v63  }
0x8e: {  	s15 =	simm.s32 $0x2080  }
0x8f: {  	[tilespmem:s15], [sflag:$0x1] =	stream.indirect_vreg.gather [hbm4b:s3+s2], $0x80, v3, vm0, $0xb8;
	[tilespmem:$0x10080] =	vst v63  }
0x90: {  	s16 =	simm.s32 $0x2880  }
0x91: {  	[tilespmem:s16], [sflag:$0x1] =	stream.indirect_vreg.gather [hbm4b:s5+s2], $0x80, v3, vm0, $0xb8;
	[tilespmem:$0x10080] =	vst v63  }
0x92: {  	s17 =	simm.s32 $0x3080  }
0x93: {  	[tilespmem:s17], [sflag:$0x1] =	stream.indirect_vreg.gather [hbm4b:s7+s2], $0x80, v3, vm0, $0xb8;
	[tilespmem:$0x10080] =	vst v63  }
0x94: {  	s29 =	simm.s32 $0x3880  }
0x95: {  	[tilespmem:s29], [sflag:$0x1] =	stream.indirect_vreg.gather [hbm4b:s8+s2], $0x80, v3, vm0, $0xb8;
	[tilespmem:$0x10080] =	vst v63  }
0x96: {  	v3 =	vld [tilespmem:$0x10];
	_ =	sdelay $0x4  }
0x97: {  	v53 =	vshll.u32 v3, $0x3  }
0x98: {  	v3 =	vand.u32 $0x7, v3;
	v4 =	vand.u32 $0xFFFFFFC0, v53  }
0x99: {  	v3 =	vor.u32 v3, v4  }
0x9a: {  	v4 =	vperm.xlane v3, v0;
	_ =	sdelay $0x1  }
0x9b: {  	v4 =	vadd.s32 v1, v4;
	_ =	sdelay $0x3  }
0x9c: {  	s30 =	simm.s32 $0x4080  }
0x9d: {  	[tilespmem:s30], [sflag:$0x1] =	stream.indirect_vreg.gather [hbm4b:s3+s2], $0x80, v4, vm0, $0xb8;
	[tilespmem:$0x10080] =	vst v63  }
0x9e: {  	s31 =	simm.s32 $0x4880;
	v3 =	vperm.xlane v3, v2  }
0x9f: {  	[tilespmem:s31], [sflag:$0x1] =	stream.indirect_vreg.gather [hbm4b:s5+s2], $0x80, v4, vm0, $0xb8;
	[tilespmem:$0x10080] =	vst v63  }
0xa0: {  	v3 =	vadd.s32 v1, v3;
	s31 =	simm.s32 $0x5080  }
0xa1: {  	[tilespmem:s31], [sflag:$0x1] =	stream.indirect_vreg.gather [hbm4b:s7+s2], $0x80, v4, vm0, $0xb8;
	[tilespmem:$0x10080] =	vst v63  }
0xa2: {  	s13 =	simm.s32 $0x5880  }
0xa3: {  	[tilespmem:s13], [sflag:$0x1] =	stream.indirect_vreg.gather [hbm4b:s8+s2], $0x80, v4, vm0, $0xb8;
	[tilespmem:$0x10080] =	vst v63  }
0xa4: {  	s14 =	simm.s32 $0x6080  }
0xa5: {  	[tilespmem:s14], [sflag:$0x1] =	stream.indirect_vreg.gather [hbm4b:s3+s2], $0x80, v3, vm0, $0xb8;
	[tilespmem:$0x10080] =	vst v63  }
0xa6: {  	s15 =	simm.s32 $0x6880  }
0xa7: {  	[tilespmem:s15], [sflag:$0x1] =	stream.indirect_vreg.gather [hbm4b:s5+s2], $0x80, v3, vm0, $0xb8;
	[tilespmem:$0x10080] =	vst v63  }
0xa8: {  	s16 =	simm.s32 $0x7080  }
0xa9: {  	[tilespmem:s16], [sflag:$0x1] =	stream.indirect_vreg.gather [hbm4b:s7+s2], $0x80, v3, vm0, $0xb8;
	[tilespmem:$0x10080] =	vst v63  }
0xaa: {  	s18 =	simm.s32 $0x7880  }
0xab: {  	[tilespmem:s18], [sflag:$0x1] =	stream.indirect_vreg.gather [hbm4b:s8+s2], $0x80, v3, vm0, $0xb8;
	[tilespmem:$0x10080] =	vst v63  }
0xac: {  	v3 =	vld [tilespmem:$0x20];
	_ =	sdelay $0x4  }
0xad: {  	v54 =	vshll.u32 v3, $0x3  }
0xae: {  	v3 =	vand.u32 $0x7, v3;
	v4 =	vand.u32 $0xFFFFFFC0, v54  }
0xaf: {  	v3 =	vor.u32 v3, v4  }
0xb0: {  	v4 =	vperm.xlane v3, v0;
	_ =	sdelay $0x1  }
0xb1: {  	v4 =	vadd.s32 v1, v4;
	_ =	sdelay $0x3  }
0xb2: {  	s21 =	simm.s32 $0x8080  }
0xb3: {  	[tilespmem:s21], [sflag:$0x1] =	stream.indirect_vreg.gather [hbm4b:s3+s2], $0x80, v4, vm0, $0xb8;
	[tilespmem:$0x10080] =	vst v63  }
0xb4: {  	s28 =	simm.s32 $0x8880;
	v3 =	vperm.xlane v3, v2  }
0xb5: {  	[tilespmem:s28], [sflag:$0x1] =	stream.indirect_vreg.gather [hbm4b:s5+s2], $0x80, v4, vm0, $0xb8;
	[tilespmem:$0x10080] =	vst v63  }
0xb6: {  	s17 =	simm.s32 $0x9080;
	v3 =	vadd.s32 v1, v3  }
0xb7: {  	[tilespmem:s17], [sflag:$0x1] =	stream.indirect_vreg.gather [hbm4b:s7+s2], $0x80, v4, vm0, $0xb8;
	[tilespmem:$0x10080] =	vst v63  }
0xb8: {  	s18 =	simm.s32 $0x9880  }
0xb9: {  	[tilespmem:s18], [sflag:$0x1] =	stream.indirect_vreg.gather [hbm4b:s8+s2], $0x80, v4, vm0, $0xb8;
	[tilespmem:$0x10080] =	vst v63  }
0xba: {  	s21 =	simm.s32 $0xA080  }
0xbb: {  	[tilespmem:s21], [sflag:$0x1] =	stream.indirect_vreg.gather [hbm4b:s3+s2], $0x80, v3, vm0, $0xb8;
	[tilespmem:$0x10080] =	vst v63  }
0xbc: {  	s22 =	simm.s32 $0xA880  }
0xbd: {  	[tilespmem:s22], [sflag:$0x1] =	stream.indirect_vreg.gather [hbm4b:s5+s2], $0x80, v3, vm0, $0xb8;
	[tilespmem:$0x10080] =	vst v63  }
0xbe: {  	s0 =	simm.s32 $0xB080  }
0xbf: {  	[tilespmem:s0], [sflag:$0x1] =	stream.indirect_vreg.gather [hbm4b:s7+s2], $0x80, v3, vm0, $0xb8;
	[tilespmem:$0x10080] =	vst v63  }
0xc0: {  	s23 =	simm.s32 $0xB880  }
0xc1: {  	[tilespmem:s23], [sflag:$0x1] =	stream.indirect_vreg.gather [hbm4b:s8+s2], $0x80, v3, vm0, $0xb8;
	[tilespmem:$0x10080] =	vst v63  }
0xc2: {  	v3 =	vld [tilespmem:$0x30];
	_ =	sdelay $0x4  }
0xc3: {  	v55 =	vshll.u32 v3, $0x3  }
0xc4: {  	v3 =	vand.u32 $0x7, v3;
	v4 =	vand.u32 $0xFFFFFFC0, v55  }
0xc5: {  	v3 =	vor.u32 v3, v4  }
0xc6: {  	v4 =	vperm.xlane v3, v0;
	_ =	sdelay $0x1  }
0xc7: {  	v4 =	vadd.s32 v1, v4;
	_ =	sdelay $0x3  }
0xc8: {  	s24 =	simm.s32 $0xC080  }
0xc9: {  	[tilespmem:s24], [sflag:$0x1] =	stream.indirect_vreg.gather [hbm4b:s3+s2], $0x80, v4, vm0, $0xb8;
	[tilespmem:$0x10080] =	vst v63  }
0xca: {  	s25 =	simm.s32 $0xC880;
	v3 =	vperm.xlane v3, v2  }
0xcb: {  	[tilespmem:s25], [sflag:$0x1] =	stream.indirect_vreg.gather [hbm4b:s5+s2], $0x80, v4, vm0, $0xb8;
	[tilespmem:$0x10080] =	vst v63  }
0xcc: {  	v3 =	vadd.s32 v1, v3;
	s25 =	simm.s32 $0xD080  }
0xcd: {  	[tilespmem:s25], [sflag:$0x1] =	stream.indirect_vreg.gather [hbm4b:s7+s2], $0x80, v4, vm0, $0xb8;
	[tilespmem:$0x10080] =	vst v63  }
0xce: {  	s4 =	simm.s32 $0xD880  }
0xcf: {  	[tilespmem:s4], [sflag:$0x1] =	stream.indirect_vreg.gather [hbm4b:s8+s2], $0x80, v4, vm0, $0xb8;
	[tilespmem:$0x10080] =	vst v63  }
0xd0: {  	s6 =	simm.s32 $0xE080  }
0xd1: {  	[tilespmem:s6], [sflag:$0x1] =	stream.indirect_vreg.gather [hbm4b:s3+s2], $0x80, v3, vm0, $0xb8;
	[tilespmem:$0x10080] =	vst v63  }
0xd2: {  	s11 =	simm.s32 $0xE880  }
0xd3: {  	[tilespmem:s11], [sflag:$0x1] =	stream.indirect_vreg.gather [hbm4b:s5+s2], $0x80, v3, vm0, $0xb8;
	[tilespmem:$0x10080] =	vst v63  }
0xd4: {  	s12 =	simm.s32 $0xF080  }
0xd5: {  	[tilespmem:s12], [sflag:$0x1] =	stream.indirect_vreg.gather [hbm4b:s7+s2], $0x80, v3, vm0, $0xb8;
	[tilespmem:$0x10080] =	vst v63  }
0xd6: {  	s26 =	simm.s32 $0xF880  }
0xd7: {  	[tilespmem:s26], [sflag:$0x1] =	stream.indirect_vreg.gather [hbm4b:s8+s2], $0x80, v3, vm0, $0xb8;
	[tilespmem:$0x10080] =	vst v63  }
0xd8: {  	_ =	swait.ge [sflag:s19], $0x10000  }
0xd9: {  	[sflag:s19] =	ssyncset.done $0x0  }
0xda: {  	s26 =	rddreg [dreg:$0x4];
	[sflag:s19] =	ssyncadd.s32 $0xFFFF0000  }
0xdb: {  	[hbm4b:s26+s2] =	stream.linear.scatter [tilespmem:s1], [sflag:$0x2], $0x10000, $0x38;
	[tilespmem:$0x10080] =	vst v63  }
0xdc: {  	_ =	swait.ge [sflag:s10], $0x10000  }
0xdd: {  	[sflag:s10] =	ssyncset.done $0x0  }
0xde: {  	s12 =	rddreg [dreg:$0x5];
	[sflag:s10] =	ssyncadd.s32 $0xFFFF0000  }
0xdf: {  	[tilespmem:s2], [sflag:$0x2] =	stream.linear.gather [hbm4b:s12+s2], $0x40, $0x38;
	[tilespmem:$0x10080] =	vst v63  }
0xe0: {  	_ =	swait.ge [sflag:s10], $0x40  }
0xe1: {  	[sflag:s10] =	ssyncset.done $0x0  }
0xe2: {  	[sflag:s10] =	ssyncadd.s32 $0xFFFFFFC0  }
0xe3: {  	v3 =	vld [tilespmem:$0x0];
	_ =	sdelay $0x4  }
0xe4: {  	v56 =	vshll.u32 v3, $0x3  }
0xe5: {  	v3 =	vand.u32 $0x7, v3;
	v4 =	vand.u32 $0xFFFFFFC0, v56  }
0xe6: {  	v3 =	vor.u32 v3, v4  }
0xe7: {  	v4 =	vperm.xlane v3, v0;
	_ =	sdelay $0x1  }
0xe8: {  	v4 =	vadd.s32 v1, v4;
	_ =	sdelay $0x4  }
0xe9: {  	[tilespmem:s1], [sflag:$0x1] =	stream.indirect_vreg.gather [hbm4b:s3+s2], $0x80, v4, vm0, $0xb8;
	[tilespmem:$0x10080] =	vst v63  }
0xea: {  	s24 =	simm.s32 $0x880;
	v3 =	vperm.xlane v3, v2  }
0xeb: {  	[tilespmem:s24], [sflag:$0x1] =	stream.indirect_vreg.gather [hbm4b:s5+s2], $0x80, v4, vm0, $0xb8;
	[tilespmem:$0x10080] =	vst v63  }
0xec: {  	s25 =	simm.s32 $0x1080;
	v3 =	vadd.s32 v1, v3  }
0xed: {  	[tilespmem:s25], [sflag:$0x1] =	stream.indirect_vreg.gather [hbm4b:s7+s2], $0x80, v4, vm0, $0xb8;
	[tilespmem:$0x10080] =	vst v63  }
0xee: {  	s26 =	simm.s32 $0x1880  }
0xef: {  	[tilespmem:s26], [sflag:$0x1] =	stream.indirect_vreg.gather [hbm4b:s8+s2], $0x80, v4, vm0, $0xb8;
	[tilespmem:$0x10080] =	vst v63  }
0xf0: {  	s20 =	simm.s32 $0x2080  }
0xf1: {  	[tilespmem:s20], [sflag:$0x1] =	stream.indirect_vreg.gather [hbm4b:s3+s2], $0x80, v3, vm0, $0xb8;
	[tilespmem:$0x10080] =	vst v63  }
0xf2: {  	s26 =	simm.s32 $0x2880  }
0xf3: {  	[tilespmem:s26], [sflag:$0x1] =	stream.indirect_vreg.gather [hbm4b:s5+s2], $0x80, v3, vm0, $0xb8;
	[tilespmem:$0x10080] =	vst v63  }
0xf4: {  	s20 =	simm.s32 $0x3080  }
0xf5: {  	[tilespmem:s20], [sflag:$0x1] =	stream.indirect_vreg.gather [hbm4b:s7+s2], $0x80, v3, vm0, $0xb8;
	[tilespmem:$0x10080] =	vst v63  }
0xf6: {  	_ = 	snop  }
0xf7: {  	[tilespmem:s29], [sflag:$0x1] =	stream.indirect_vreg.gather [hbm4b:s8+s2], $0x80, v3, vm0, $0xb8;
	[tilespmem:$0x10080] =	vst v63  }
0xf8: {  	v3 =	vld [tilespmem:$0x10];
	_ =	sdelay $0x4  }
0xf9: {  	v57 =	vshll.u32 v3, $0x3  }
0xfa: {  	v3 =	vand.u32 $0x7, v3;
	v4 =	vand.u32 $0xFFFFFFC0, v57  }
0xfb: {  	v3 =	vor.u32 v3, v4  }
0xfc: {  	v4 =	vperm.xlane v3, v0;
	_ =	sdelay $0x1  }
0xfd: {  	v4 =	vadd.s32 v1, v4;
	_ =	sdelay $0x4  }
0xfe: {  	[tilespmem:s30], [sflag:$0x1] =	stream.indirect_vreg.gather [hbm4b:s3+s2], $0x80, v4, vm0, $0xb8;
	[tilespmem:$0x10080] =	vst v63  }
0xff: {  	s26 =	simm.s32 $0x4880;
	v3 =	vperm.xlane v3, v2  }
0x100: {  	[tilespmem:s26], [sflag:$0x1] =	stream.indirect_vreg.gather [hbm4b:s5+s2], $0x80, v4, vm0, $0xb8;
	[tilespmem:$0x10080] =	vst v63  }
0x101: {  	v3 =	vadd.s32 v1, v3  }
0x102: {  	[tilespmem:s31], [sflag:$0x1] =	stream.indirect_vreg.gather [hbm4b:s7+s2], $0x80, v4, vm0, $0xb8;
	[tilespmem:$0x10080] =	vst v63  }
0x103: {  	_ = 	snop  }
0x104: {  	[tilespmem:s13], [sflag:$0x1] =	stream.indirect_vreg.gather [hbm4b:s8+s2], $0x80, v4, vm0, $0xb8;
	[tilespmem:$0x10080] =	vst v63  }
0x105: {  	_ = 	snop  }
0x106: {  	[tilespmem:s14], [sflag:$0x1] =	stream.indirect_vreg.gather [hbm4b:s3+s2], $0x80, v3, vm0, $0xb8;
	[tilespmem:$0x10080] =	vst v63  }
0x107: {  	_ = 	snop  }
0x108: {  	[tilespmem:s15], [sflag:$0x1] =	stream.indirect_vreg.gather [hbm4b:s5+s2], $0x80, v3, vm0, $0xb8;
	[tilespmem:$0x10080] =	vst v63  }
0x109: {  	_ = 	snop  }
0x10a: {  	[tilespmem:s16], [sflag:$0x1] =	stream.indirect_vreg.gather [hbm4b:s7+s2], $0x80, v3, vm0, $0xb8;
	[tilespmem:$0x10080] =	vst v63  }
0x10b: {  	s20 =	simm.s32 $0x7880  }
0x10c: {  	[tilespmem:s20], [sflag:$0x1] =	stream.indirect_vreg.gather [hbm4b:s8+s2], $0x80, v3, vm0, $0xb8;
	[tilespmem:$0x10080] =	vst v63  }
0x10d: {  	v3 =	vld [tilespmem:$0x20];
	_ =	sdelay $0x4  }
0x10e: {  	v58 =	vshll.u32 v3, $0x3  }
0x10f: {  	v3 =	vand.u32 $0x7, v3;
	v4 =	vand.u32 $0xFFFFFFC0, v58  }
0x110: {  	v3 =	vor.u32 v3, v4  }
0x111: {  	v4 =	vperm.xlane v3, v0;
	_ =	sdelay $0x1  }
0x112: {  	v4 =	vadd.s32 v1, v4;
	_ =	sdelay $0x3  }
0x113: {  	s26 =	simm.s32 $0x8080  }
0x114: {  	[tilespmem:s26], [sflag:$0x1] =	stream.indirect_vreg.gather [hbm4b:s3+s2], $0x80, v4, vm0, $0xb8;
	[tilespmem:$0x10080] =	vst v63  }
0x115: {  	v3 =	vperm.xlane v3, v2  }
0x116: {  	[tilespmem:s28], [sflag:$0x1] =	stream.indirect_vreg.gather [hbm4b:s5+s2], $0x80, v4, vm0, $0xb8;
	[tilespmem:$0x10080] =	vst v63  }
0x117: {  	v3 =	vadd.s32 v1, v3  }
0x118: {  	[tilespmem:s17], [sflag:$0x1] =	stream.indirect_vreg.gather [hbm4b:s7+s2], $0x80, v4, vm0, $0xb8;
	[tilespmem:$0x10080] =	vst v63  }
0x119: {  	_ = 	snop  }
0x11a: {  	[tilespmem:s18], [sflag:$0x1] =	stream.indirect_vreg.gather [hbm4b:s8+s2], $0x80, v4, vm0, $0xb8;
	[tilespmem:$0x10080] =	vst v63  }
0x11b: {  	_ = 	snop  }
0x11c: {  	[tilespmem:s21], [sflag:$0x1] =	stream.indirect_vreg.gather [hbm4b:s3+s2], $0x80, v3, vm0, $0xb8;
	[tilespmem:$0x10080] =	vst v63  }
0x11d: {  	s28 =	simm.s32 $0xA880  }
0x11e: {  	[tilespmem:s28], [sflag:$0x1] =	stream.indirect_vreg.gather [hbm4b:s5+s2], $0x80, v3, vm0, $0xb8;
	[tilespmem:$0x10080] =	vst v63  }
0x11f: {  	s0 =	simm.s32 $0xB080  }
0x120: {  	[tilespmem:s0], [sflag:$0x1] =	stream.indirect_vreg.gather [hbm4b:s7+s2], $0x80, v3, vm0, $0xb8;
	[tilespmem:$0x10080] =	vst v63  }
0x121: {  	s20 =	simm.s32 $0xB880  }
0x122: {  	[tilespmem:s20], [sflag:$0x1] =	stream.indirect_vreg.gather [hbm4b:s8+s2], $0x80, v3, vm0, $0xb8;
	[tilespmem:$0x10080] =	vst v63  }
0x123: {  	v3 =	vld [tilespmem:$0x30];
	_ =	sdelay $0x4  }
0x124: {  	v59 =	vshll.u32 v3, $0x3  }
0x125: {  	v3 =	vand.u32 $0x7, v3;
	v4 =	vand.u32 $0xFFFFFFC0, v59  }
0x126: {  	v3 =	vor.u32 v3, v4  }
0x127: {  	v4 =	vperm.xlane v3, v0;
	_ =	sdelay $0x1  }
0x128: {  	v4 =	vadd.s32 v1, v4;
	_ =	sdelay $0x3  }
0x129: {  	s20 =	simm.s32 $0xC080  }
0x12a: {  	[tilespmem:s20], [sflag:$0x1] =	stream.indirect_vreg.gather [hbm4b:s3+s2], $0x80, v4, vm0, $0xb8;
	[tilespmem:$0x10080] =	vst v63  }
0x12b: {  	v3 =	vperm.xlane v3, v2;
	s20 =	simm.s32 $0xC880  }
0x12c: {  	[tilespmem:s20], [sflag:$0x1] =	stream.indirect_vreg.gather [hbm4b:s5+s2], $0x80, v4, vm0, $0xb8;
	[tilespmem:$0x10080] =	vst v63  }
0x12d: {  	s22 =	simm.s32 $0xD080;
	v3 =	vadd.s32 v1, v3  }
0x12e: {  	[tilespmem:s22], [sflag:$0x1] =	stream.indirect_vreg.gather [hbm4b:s7+s2], $0x80, v4, vm0, $0xb8;
	[tilespmem:$0x10080] =	vst v63  }
0x12f: {  	s4 =	simm.s32 $0xD880  }
0x130: {  	[tilespmem:s4], [sflag:$0x1] =	stream.indirect_vreg.gather [hbm4b:s8+s2], $0x80, v4, vm0, $0xb8;
	[tilespmem:$0x10080] =	vst v63  }
0x131: {  	s6 =	simm.s32 $0xE080  }
0x132: {  	[tilespmem:s6], [sflag:$0x1] =	stream.indirect_vreg.gather [hbm4b:s3+s2], $0x80, v3, vm0, $0xb8;
	[tilespmem:$0x10080] =	vst v63  }
0x133: {  	s11 =	simm.s32 $0xE880  }
0x134: {  	[tilespmem:s11], [sflag:$0x1] =	stream.indirect_vreg.gather [hbm4b:s5+s2], $0x80, v3, vm0, $0xb8;
	[tilespmem:$0x10080] =	vst v63  }
0x135: {  	s23 =	simm.s32 $0xF080  }
0x136: {  	[tilespmem:s23], [sflag:$0x1] =	stream.indirect_vreg.gather [hbm4b:s7+s2], $0x80, v3, vm0, $0xb8;
	[tilespmem:$0x10080] =	vst v63  }
0x137: {  	s23 =	simm.s32 $0xF880  }
0x138: {  	[tilespmem:s23], [sflag:$0x1] =	stream.indirect_vreg.gather [hbm4b:s8+s2], $0x80, v3, vm0, $0xb8;
	[tilespmem:$0x10080] =	vst v63  }
0x139: {  	_ =	swait.ge [sflag:s19], $0x10000  }
0x13a: {  	[sflag:s19] =	ssyncset.done $0x0  }
0x13b: {  	s20 =	rddreg [dreg:$0x6];
	[sflag:s19] =	ssyncadd.s32 $0xFFFF0000  }
0x13c: {  	[hbm4b:s20+s2] =	stream.linear.scatter [tilespmem:s1], [sflag:$0x2], $0x10000, $0x38;
	[tilespmem:$0x10080] =	vst v63  }
0x13d: {  	_ =	swait.ge [sflag:s10], $0x10000  }
0x13e: {  	[sflag:s10] =	ssyncset.done $0x0  }
0x13f: {  	s20 =	rddreg [dreg:$0x7];
	[sflag:s10] =	ssyncadd.s32 $0xFFFF0000  }
0x140: {  	[tilespmem:s2], [sflag:$0x2] =	stream.linear.gather [hbm4b:s20+s2], $0x40, $0x38;
	[tilespmem:$0x10080] =	vst v63  }
0x141: {  	_ =	swait.ge [sflag:s10], $0x40  }
0x142: {  	[sflag:s10] =	ssyncset.done $0x0  }
0x143: {  	[sflag:s10] =	ssyncadd.s32 $0xFFFFFFC0  }
0x144: {  	v3 =	vld [tilespmem:$0x0];
	_ =	sdelay $0x4  }
0x145: {  	v60 =	vshll.u32 v3, $0x3  }
0x146: {  	v3 =	vand.u32 $0x7, v3;
	v4 =	vand.u32 $0xFFFFFFC0, v60  }
0x147: {  	v3 =	vor.u32 v3, v4  }
0x148: {  	v4 =	vperm.xlane v3, v0;
	_ =	sdelay $0x1  }
0x149: {  	v4 =	vadd.s32 v1, v4;
	_ =	sdelay $0x4  }
0x14a: {  	[tilespmem:s1], [sflag:$0x1] =	stream.indirect_vreg.gather [hbm4b:s3+s2], $0x80, v4, vm0, $0xb8;
	[tilespmem:$0x10080] =	vst v63  }
0x14b: {  	s20 =	simm.s32 $0x880;
	v3 =	vperm.xlane v3, v2  }
0x14c: {  	[tilespmem:s20], [sflag:$0x1] =	stream.indirect_vreg.gather [hbm4b:s5+s2], $0x80, v4, vm0, $0xb8;
	[tilespmem:$0x10080] =	vst v63  }
0x14d: {  	s24 =	simm.s32 $0x1080;
	v3 =	vadd.s32 v1, v3  }
0x14e: {  	[tilespmem:s24], [sflag:$0x1] =	stream.indirect_vreg.gather [hbm4b:s7+s2], $0x80, v4, vm0, $0xb8;
	[tilespmem:$0x10080] =	vst v63  }
0x14f: {  	s25 =	simm.s32 $0x1880  }
0x150: {  	[tilespmem:s25], [sflag:$0x1] =	stream.indirect_vreg.gather [hbm4b:s8+s2], $0x80, v4, vm0, $0xb8;
	[tilespmem:$0x10080] =	vst v63  }
0x151: {  	s25 =	simm.s32 $0x2080  }
0x152: {  	[tilespmem:s25], [sflag:$0x1] =	stream.indirect_vreg.gather [hbm4b:s3+s2], $0x80, v3, vm0, $0xb8;
	[tilespmem:$0x10080] =	vst v63  }
0x153: {  	s24 =	simm.s32 $0x2880  }
0x154: {  	[tilespmem:s24], [sflag:$0x1] =	stream.indirect_vreg.gather [hbm4b:s5+s2], $0x80, v3, vm0, $0xb8;
	[tilespmem:$0x10080] =	vst v63  }
0x155: {  	s25 =	simm.s32 $0x3080  }
0x156: {  	[tilespmem:s25], [sflag:$0x1] =	stream.indirect_vreg.gather [hbm4b:s7+s2], $0x80, v3, vm0, $0xb8;
	[tilespmem:$0x10080] =	vst v63  }
0x157: {  	s29 =	simm.s32 $0x3880  }
0x158: {  	[tilespmem:s29], [sflag:$0x1] =	stream.indirect_vreg.gather [hbm4b:s8+s2], $0x80, v3, vm0, $0xb8;
	[tilespmem:$0x10080] =	vst v63  }
0x159: {  	v3 =	vld [tilespmem:$0x10];
	_ =	sdelay $0x4  }
0x15a: {  	v61 =	vshll.u32 v3, $0x3  }
0x15b: {  	v3 =	vand.u32 $0x7, v3;
	v4 =	vand.u32 $0xFFFFFFC0, v61  }
0x15c: {  	v3 =	vor.u32 v3, v4  }
0x15d: {  	v4 =	vperm.xlane v3, v0;
	_ =	sdelay $0x1  }
0x15e: {  	v4 =	vadd.s32 v1, v4;
	_ =	sdelay $0x3  }
0x15f: {  	s30 =	simm.s32 $0x4080  }
0x160: {  	[tilespmem:s30], [sflag:$0x1] =	stream.indirect_vreg.gather [hbm4b:s3+s2], $0x80, v4, vm0, $0xb8;
	[tilespmem:$0x10080] =	vst v63  }
0x161: {  	v3 =	vperm.xlane v3, v2;
	s30 =	simm.s32 $0x4880  }
0x162: {  	[tilespmem:s30], [sflag:$0x1] =	stream.indirect_vreg.gather [hbm4b:s5+s2], $0x80, v4, vm0, $0xb8;
	[tilespmem:$0x10080] =	vst v63  }
0x163: {  	s31 =	simm.s32 $0x5080;
	v3 =	vadd.s32 v1, v3  }
0x164: {  	[tilespmem:s31], [sflag:$0x1] =	stream.indirect_vreg.gather [hbm4b:s7+s2], $0x80, v4, vm0, $0xb8;
	[tilespmem:$0x10080] =	vst v63  }
0x165: {  	s12 =	simm.s32 $0x5880  }
0x166: {  	[tilespmem:s12], [sflag:$0x1] =	stream.indirect_vreg.gather [hbm4b:s8+s2], $0x80, v4, vm0, $0xb8;
	[tilespmem:$0x10080] =	vst v63  }
0x167: {  	s13 =	simm.s32 $0x6080  }
0x168: {  	[tilespmem:s13], [sflag:$0x1] =	stream.indirect_vreg.gather [hbm4b:s3+s2], $0x80, v3, vm0, $0xb8;
	[tilespmem:$0x10080] =	vst v63  }
0x169: {  	s14 =	simm.s32 $0x6880  }
0x16a: {  	[tilespmem:s14], [sflag:$0x1] =	stream.indirect_vreg.gather [hbm4b:s5+s2], $0x80, v3, vm0, $0xb8;
	[tilespmem:$0x10080] =	vst v63  }
0x16b: {  	s15 =	simm.s32 $0x7080  }
0x16c: {  	[tilespmem:s15], [sflag:$0x1] =	stream.indirect_vreg.gather [hbm4b:s7+s2], $0x80, v3, vm0, $0xb8;
	[tilespmem:$0x10080] =	vst v63  }
0x16d: {  	s24 =	simm.s32 $0x7880  }
0x16e: {  	[tilespmem:s24], [sflag:$0x1] =	stream.indirect_vreg.gather [hbm4b:s8+s2], $0x80, v3, vm0, $0xb8;
	[tilespmem:$0x10080] =	vst v63  }
0x16f: {  	v3 =	vld [tilespmem:$0x20];
	_ =	sdelay $0x4  }
0x170: {  	v62 =	vshll.u32 v3, $0x3  }
0x171: {  	v3 =	vand.u32 $0x7, v3;
	v4 =	vand.u32 $0xFFFFFFC0, v62  }
0x172: {  	v3 =	vor.u32 v3, v4  }
0x173: {  	v4 =	vperm.xlane v3, v0;
	_ =	sdelay $0x1  }
0x174: {  	v4 =	vadd.s32 v1, v4;
	_ =	sdelay $0x3  }
0x175: {  	s25 =	simm.s32 $0x8080  }
0x176: {  	[tilespmem:s25], [sflag:$0x1] =	stream.indirect_vreg.gather [hbm4b:s3+s2], $0x80, v4, vm0, $0xb8;
	[tilespmem:$0x10080] =	vst v63  }
0x177: {  	s26 =	simm.s32 $0x8880;
	v3 =	vperm.xlane v3, v2  }
0x178: {  	[tilespmem:s26], [sflag:$0x1] =	stream.indirect_vreg.gather [hbm4b:s5+s2], $0x80, v4, vm0, $0xb8;
	[tilespmem:$0x10080] =	vst v63  }
0x179: {  	s16 =	simm.s32 $0x9080;
	v3 =	vadd.s32 v1, v3  }
0x17a: {  	[tilespmem:s16], [sflag:$0x1] =	stream.indirect_vreg.gather [hbm4b:s7+s2], $0x80, v4, vm0, $0xb8;
	[tilespmem:$0x10080] =	vst v63  }
0x17b: {  	s17 =	simm.s32 $0x9880  }
0x17c: {  	[tilespmem:s17], [sflag:$0x1] =	stream.indirect_vreg.gather [hbm4b:s8+s2], $0x80, v4, vm0, $0xb8;
	[tilespmem:$0x10080] =	vst v63  }
0x17d: {  	s18 =	simm.s32 $0xA080  }
0x17e: {  	[tilespmem:s18], [sflag:$0x1] =	stream.indirect_vreg.gather [hbm4b:s3+s2], $0x80, v3, vm0, $0xb8;
	[tilespmem:$0x10080] =	vst v63  }
0x17f: {  	s28 =	simm.s32 $0xA880  }
0x180: {  	[tilespmem:s28], [sflag:$0x1] =	stream.indirect_vreg.gather [hbm4b:s5+s2], $0x80, v3, vm0, $0xb8;
	[tilespmem:$0x10080] =	vst v63  }
0x181: {  	s21 =	simm.s32 $0xB080  }
0x182: {  	[tilespmem:s21], [sflag:$0x1] =	stream.indirect_vreg.gather [hbm4b:s7+s2], $0x80, v3, vm0, $0xb8;
	[tilespmem:$0x10080] =	vst v63  }
0x183: {  	s28 =	simm.s32 $0xB880  }
0x184: {  	[tilespmem:s28], [sflag:$0x1] =	stream.indirect_vreg.gather [hbm4b:s8+s2], $0x80, v3, vm0, $0xb8;
	[tilespmem:$0x10080] =	vst v63  }
0x185: {  	v3 =	vld [tilespmem:$0x30];
	_ =	sdelay $0x4  }
0x186: {  	v63 =	vshll.u32 v3, $0x3  }
0x187: {  	v3 =	vand.u32 $0x7, v3;
	v4 =	vand.u32 $0xFFFFFFC0, v63  }
0x188: {  	v3 =	vor.u32 v3, v4  }
0x189: {  	v4 =	vperm.xlane v3, v0;
	_ =	sdelay $0x1  }
0x18a: {  	v4 =	vadd.s32 v1, v4;
	_ =	sdelay $0x3  }
0x18b: {  	s29 =	simm.s32 $0xC080  }
0x18c: {  	[tilespmem:s29], [sflag:$0x1] =	stream.indirect_vreg.gather [hbm4b:s3+s2], $0x80, v4, vm0, $0xb8;
	[tilespmem:$0x10080] =	vst v63  }
0x18d: {  	s30 =	simm.s32 $0xC880;
	v3 =	vperm.xlane v3, v2  }
0x18e: {  	[tilespmem:s30], [sflag:$0x1] =	stream.indirect_vreg.gather [hbm4b:s5+s2], $0x80, v4, vm0, $0xb8;
	[tilespmem:$0x10080] =	vst v63  }
0x18f: {  	s0 =	simm.s32 $0xD080;
	v3 =	vadd.s32 v1, v3  }
0x190: {  	[tilespmem:s0], [sflag:$0x1] =	stream.indirect_vreg.gather [hbm4b:s7+s2], $0x80, v4, vm0, $0xb8;
	[tilespmem:$0x10080] =	vst v63  }
0x191: {  	s22 =	simm.s32 $0xD880  }
0x192: {  	[tilespmem:s22], [sflag:$0x1] =	stream.indirect_vreg.gather [hbm4b:s8+s2], $0x80, v4, vm0, $0xb8;
	[tilespmem:$0x10080] =	vst v63  }
0x193: {  	s4 =	simm.s32 $0xE080  }
0x194: {  	[tilespmem:s4], [sflag:$0x1] =	stream.indirect_vreg.gather [hbm4b:s3+s2], $0x80, v3, vm0, $0xb8;
	[tilespmem:$0x10080] =	vst v63  }
0x195: {  	s6 =	simm.s32 $0xE880  }
0x196: {  	[tilespmem:s6], [sflag:$0x1] =	stream.indirect_vreg.gather [hbm4b:s5+s2], $0x80, v3, vm0, $0xb8;
	[tilespmem:$0x10080] =	vst v63  }
0x197: {  	s11 =	simm.s32 $0xF080  }
0x198: {  	[tilespmem:s11], [sflag:$0x1] =	stream.indirect_vreg.gather [hbm4b:s7+s2], $0x80, v3, vm0, $0xb8;
	[tilespmem:$0x10080] =	vst v63  }
0x199: {  	s23 =	simm.s32 $0xF880  }
0x19a: {  	[tilespmem:s23], [sflag:$0x1] =	stream.indirect_vreg.gather [hbm4b:s8+s2], $0x80, v3, vm0, $0xb8;
	[tilespmem:$0x10080] =	vst v63  }
0x19b: {  	_ =	swait.ge [sflag:s19], $0x10000  }
0x19c: {  	p0 =	sne.s32 s9, $0x1;
	[sflag:s19] =	ssyncset.done $0x0  }
.Ltmp0:
0x19d: {  	s31 =	rddreg [dreg:$0x8];
	[sflag:s19] =	ssyncadd.s32 $0xFFFF0000;
	(pc) =	sbr.rel @p0 .LBB2_1-.Ltmp0, $4  }
0x19e: {  	[hbm4b:s31+s2] =	stream.linear.scatter [tilespmem:s1], [sflag:$0x2], $0x10000, $0x38;
	[tilespmem:$0x10080] =	vst v63  }
0x19f: {  	_ =	swait.ge [sflag:s10], $0x10000  }
0x1a0: {  	[sflag:s10] =	ssyncset.done $0x0  }
0x1a1: {  	s9 =	sadd.s32 $0xFFFFFFFF, s9;
	[sflag:s10] =	ssyncadd.s32 $0xFFFF0000  }
0x1a2: {  	_ =	sfence.sel $0x180000  }
0x1a3: {  	[bflag:$0x0] =	sbarrier.arrive $0xFFFF  }
0x1a4: {  	_ =	strace $0x9000004A  }
0x1a5: {  	s0 =	stileid.u32;
	[bflag:$0x2] =	sbarrier.arrive $0xFFFF  }
0x1a6: {  	p0 =	sne.s32 s0, $0x0;
	s0 =	rddreg [dreg:$0x1]  }
0x1a7: {  	s0 =	sadd.s32 @!p0 $0x100000, s0  }
0x1a8: {  	[sflag:s0] =	ssyncadd.tile.s32 @!p0 $0x1;
	_ =	shalt  }
.Lfunc_end2:
_tile_overlayer_lowered:
.L_overlay_start_2:
0x1a9: {  	(tag) =	ssettag $0x2  }
0x1aa: {  	s0 =	rddreg [dreg:$0x0];
	s2 =	stileid.u32  }
0x1ab: {  	s1 =	rddreg [dreg:$0x1];
	p0 =	sne.s32 s2, $0x0  }
0x1ac: {  	s3 =	rddreg [dreg:$0x2];
	[bflag:$0x3] =	sbarrier.arrive $0xFFFF;
	s2 =	simm.s32 @!p0 $0x1C02  }
0x1ad: {  	[timem:s3], [sflag:s2] =	dma.local @!p0 [hbm:s0], s1  }
0x1ae: {  	s0 =	simm.s32 @!p0 $0x2  }
0x1af: {  	_ =	swait.ge @!p0 [sflag:s0], s1  }
0x1b0: {  	s1 =	ssub.s32 @!p0 $0x0, s1;
	[sflag:s0] =	ssyncset.done @!p0 $0x0  }
0x1b1: {  	[sflag:s0] =	ssyncadd.s32 @!p0 s1  }
0x1b2: {  	[bflag:$0x3] =	sbarrier.arrive $0xFFFF  }
0x1b3: {  	_ =	shalt  }

// kernel: kernel.8.cloned.1.call-start
scs
__scs_entry_jumppad:
0x0: {  	(pc) =	sbr.rel $0x88, $3  }
0x1: {  	(tag) =	ssettag $0x0;
	lr =	simm.s32 $0x1  }
0x2: {  	[smem:$0x3F67] =	sst lr;
	_ =	strace $0xD0000000  }
0x3: {  	_ = 	snop  }
0x4: {  	_ = 	snop  }
0x5: {  	_ = 	snop  }
0x6: {  	_ = 	snop  }
0x7: {  	_ = 	snop  }
__scs_overlays_trampoline_lowered:
0x8: {  	[smem:$0x3F76] =	sst s0  }
0x9: {  	[smem:$0x3F77] =	sst s1  }
0xa: {  	[smem:$0x3F78] =	sst s2  }
0xb: {  	[smem:$0x3F79] =	sst s3  }
0xc: {  	[smem:$0x3F7A] =	sst s4  }
0xd: {  	[smem:$0x3F7B] =	sst s5  }
0xe: {  	[smem:$0x3F7C] =	sst s6  }
0xf: {  	[smem:$0x3F7D] =	sst s7  }
0x10: {  	[smem:$0x3F7E] =	sst s8  }
0x11: {  	[smem:$0x3F7F] =	sst s9;
	s0 =	simm.s32 @!p0 $0x0  }
0x12: {  	s1 =	sld [smem:$0x3F65];
	s0 =	simm.s32 @p0 $0x1  }
0x13: {  	[smem:$0x3F80] =	sst s0;
	s0 =	simm.s32 @!p1 $0x0  }
0x14: {  	s2 =	sld [smem:$0x3F64];
	s0 =	simm.s32 @p1 $0x1  }
0x15: {  	[smem:$0x3F81] =	sst s0;
	s0 =	simm.s32 @!p2 $0x0  }
0x16: {  	s3 =	sld [smem:$0x3FDB];
	s0 =	simm.s32 @p2 $0x1  }
0x17: {  	s4 =	simm.s32 $0x1BF5;
	[smem:$0x3F83] =	sst s0  }
0x18: {  	s0 =	sld [smem:$0x3F66];
	_ =	swait.ge [sflag:s4], $0x0  }
0x19: {  	s7 =	sld [smem:$0x3F67]  }
0x1a: {  	s8 =	sadd.s32 $0xFFFFE003, lr  }
0x1b: {  	s9 =	sadd.s32 $0xFFFFFEF7, lr;
	s5 =	simm.s32 $0xFFFFFFFF;
	p2 =	slt.u32 s8, $0xFFFFF086  }
0x1c: {  	p1 =	slt.u32 s9, $0xF7A;
	s5 =	simm.s32 @!p2 $0x0  }
0x1d: {  	s5 =	simm.s32 @p1 $0x1;
	p0 =	seq.s32 s7, s2  }
0x1e: {  	s7 =	smul.u32 @!p0 $0xF7A, s2;
	p2 =	seq.s32 @!p0 s5, $0x0  }
0x1f: {  	s9 =	smul.u32 $0xF7A, s1;
	s8 =	simm.s32 @!p0 $0x1BF5;
	p2 =	por !p2, p0  }
0x20: {  	[sflag:s8] =	ssyncset.s32 @!p0 $0xFFFFF086;
	s6 =	sadd.s32 @!p0 s3, s7;
	s7 =	simm.s32 @!p0 $0x108  }
0x21: {  	s3 =	sadd.s32 s3, s9;
	s6 =	sadd.s32 @!p0 $0x88, s6;
	s7 =	simm.s32 @p2 $0x1082  }
0x22: {  	[simem:s7], [sflag:s8] =	dma.local @!p0 [hbm:s6], $0xF7A  }
0x23: {  	s9 =	sor.u32 $0xD0000000, s2;
	s6 =	simm.s32 $0x108;
	_ =	swait.ge @!p0 [sflag:s8], $0x0  }
0x24: {  	s3 =	sadd.s32 $0x88, s3;
	s6 =	simm.s32 @!p1 $0x1082;
	[sflag:s4] =	ssyncset.s32 $0xFFFFF086  }
0x25: {  	[simem:s6], [sflag:s4] =	dma.local [hbm:s3], $0xF7A  }
0x26: {  	[smem:$0x3F67] =	sst s1;
	(tag) =	ssettag s2;
	_ =	strace s9  }
0x27: {  	s1 =	sld [smem:$0x3F77]  }
0x28: {  	s2 =	sld [smem:$0x3F78]  }
0x29: {  	s4 =	sld [smem:$0x3F7A]  }
0x2a: {  	p0 =	seq.s32 s5, $0x0;
	s5 =	sld [smem:$0x3F7B]  }
0x2b: {  	s6 =	sld [smem:$0x3F7C]  }
0x2c: {  	s7 =	sld [smem:$0x3F7D]  }
0x2d: {  	s3 =	simm.s32 $0x108;
	s8 =	sld [smem:$0x3F7E]  }
0x2e: {  	s3 =	simm.s32 @!p0 $0x1082;
	s9 =	sld [smem:$0x3F7F]  }
0x2f: {  	lr =	sadd.s32 s0, s3;
	s0 =	sld [smem:$0x3F76]  }
0x30: {  	s3 =	sld [smem:$0x3F79]  }
0x31: {  	[smem:$0x3F82] =	sst s10  }
0x32: {  	s10 =	sld [smem:$0x3F80];
	_ =	sdelay $0x3  }
0x33: {  	p0 =	seq.s32 s10, $0x1;
	s10 =	sld [smem:$0x3F82];
	_ =	sdelay $0x3  }
0x34: {  	[smem:$0x3F82] =	sst s10  }
0x35: {  	s10 =	sld [smem:$0x3F81];
	_ =	sdelay $0x3  }
0x36: {  	p1 =	seq.s32 s10, $0x1;
	s10 =	sld [smem:$0x3F82];
	_ =	sdelay $0x3  }
0x37: {  	[smem:$0x3F82] =	sst s10  }
0x38: {  	s10 =	sld [smem:$0x3F83]  }
0x39: {  	_ = 	snop;
	(pc) =	sbr.ind lr, $3  }
0x3a: {  	_ = 	snop  }
0x3b: {  	_ = 	snop  }
0x3c: {  	p2 =	seq.s32 s10, $0x1;
	s10 =	sld [smem:$0x3F82]  }
0x3d: {  	_ =	shalt  }
0x3e: {  	_ =	shalt  }
0x3f: {  	_ =	shalt  }
0x40: {  	_ =	shalt  }
0x41: {  	_ =	shalt  }
0x42: {  	_ =	shalt  }
0x43: {  	_ =	shalt  }
0x44: {  	_ =	shalt  }
0x45: {  	_ =	shalt  }
0x46: {  	_ =	shalt  }
0x47: {  	_ =	shalt  }
0x48: {  	_ =	shalt  }
0x49: {  	_ =	shalt  }
0x4a: {  	_ =	shalt  }
0x4b: {  	_ =	shalt  }
0x4c: {  	_ =	shalt  }
0x4d: {  	_ =	shalt  }
0x4e: {  	_ =	shalt  }
0x4f: {  	_ =	shalt  }
0x50: {  	_ =	shalt  }
0x51: {  	_ =	shalt  }
0x52: {  	_ =	shalt  }
0x53: {  	_ =	shalt  }
0x54: {  	_ =	shalt  }
0x55: {  	_ =	shalt  }
0x56: {  	_ =	shalt  }
0x57: {  	_ =	shalt  }
0x58: {  	_ =	shalt  }
0x59: {  	_ =	shalt  }
0x5a: {  	_ =	shalt  }
0x5b: {  	_ =	shalt  }
0x5c: {  	_ =	shalt  }
0x5d: {  	_ =	shalt  }
0x5e: {  	_ =	shalt  }
0x5f: {  	_ =	shalt  }
0x60: {  	_ =	shalt  }
0x61: {  	_ =	shalt  }
0x62: {  	_ =	shalt  }
0x63: {  	_ =	shalt  }
0x64: {  	_ =	shalt  }
0x65: {  	_ =	shalt  }
0x66: {  	_ =	shalt  }
0x67: {  	_ =	shalt  }
0x68: {  	_ =	shalt  }
0x69: {  	_ =	shalt  }
0x6a: {  	_ =	shalt  }
0x6b: {  	_ =	shalt  }
0x6c: {  	_ =	shalt  }
0x6d: {  	_ =	shalt  }
0x6e: {  	_ =	shalt  }
0x6f: {  	_ =	shalt  }
0x70: {  	_ =	shalt  }
0x71: {  	_ =	shalt  }
0x72: {  	_ =	shalt  }
0x73: {  	_ =	shalt  }
0x74: {  	_ =	shalt  }
0x75: {  	_ =	shalt  }
0x76: {  	_ =	shalt  }
0x77: {  	_ =	shalt  }
0x78: {  	_ =	shalt  }
0x79: {  	_ =	shalt  }
0x7a: {  	_ =	shalt  }
0x7b: {  	_ =	shalt  }
0x7c: {  	_ =	shalt  }
0x7d: {  	_ =	shalt  }
0x7e: {  	_ =	shalt  }
0x7f: {  	_ =	shalt  }
0x80: {  	_ =	shalt  }
0x81: {  	_ =	shalt  }
0x82: {  	_ =	shalt  }
0x83: {  	_ =	shalt  }
0x84: {  	_ =	shalt  }
0x85: {  	_ =	shalt  }
0x86: {  	_ =	shalt  }
0x87: {  	_ =	shalt  }
.Lfunc_end0:
.L_simem_size_0:
called_computation_lowered:
.L_overlay_start_0:
0x88: {  	s2 =	sld [smem:$0x3FD9]  }
0x89: {  	s3 =	sld [smem:$0x3FFE];
	_ =	sdelay $0x1  }
0x8a: {  	s1 =	srdreg.scid  }
0x8b: {  	s0 =	sand.u32 $0x1, s1  }
0x8c: {  	s17 =	sshll.u32 s0, $0xA;
	s2 =	sadd.s32 s3, s2  }
0x8d: {  	s2 =	sadd.s32 s2, s17  }
0x8e: {  	[smem:$0x3F8E] =	sst s2  }
0x8f: {  	_ = 	snop  }
0x90: {  	s2 =	sld [smem:$0x3FC9];
	(tm) =	ssettm $0x1  }
0x91: {  	s18 =	sld [smem:$0x3FFB];
	_ =	sdelay $0x3  }
0x92: {  	_ =	strace s18  }
0x93: {  	s3 =	sld [smem:$0x3FFC];
	_ =	sdelay $0x3  }
0x94: {  	_ =	strace s3  }
0x95: {  	s3 =	sld [smem:$0x3FFD];
	_ =	sdelay $0x3  }
0x96: {  	_ =	strace s3  }
0x97: {  	_ =	strace $0x8FFFFFFF  }
0x98: {  	s19 =	sld [smem:$0x3FDB];
	_ =	sdelay $0x1  }
0x99: {  	s4 =	simm.s32 $_scs_section_size  }
0x9a: {  	s5 =	simm.s32 $_size__tile_overlayer_lowered;
	s6 =	simm.s32 $_tile_overlayer_lowered  }
0x9b: {  	s22 =	simm.s32 $0x1BFF;
	s21 =	sshll.u32 s6, $0x1;
	s3 =	sadd.s32 s4, s19  }
0x9c: {  	s7 =	simm.s32 $0x0;
	s20 =	sshll.u32 s5, $0x1;
	s5 =	sadd.s32 s21, s3  }
0x9d: {  	[timem:s7], [sflag:s22] =	dma.local [hbm:s5], s20  }
0x9e: {  	_ =	swait.ge [sflag:s22], s20  }
0x9f: {  	s4 =	ssub.s32 $0x0, s20;
	[sflag:s22] =	ssyncset.done $0x0  }
0xa0: {  	[sflag:s22] =	ssyncadd.s32 s4;
	_ =	sdelay $0x1  }
0xa1: {  	s23 =	simm.s32 $0x1B8B  }
0xa2: {  	_ =	swait.ge [sflag:s23], $0x1  }
0xa3: {  	[sflag:s23] =	ssyncset.done $0x0  }
0xa4: {  	s25 =	simm.s32 $0x1B8E;
	s24 =	sld [smem:$0x3FFE];
	[sflag:s23] =	ssyncadd.s32 $0xFFFFFFFF  }
0xa5: {  	s26 =	simm.s32 $execute0_lowered;
	[smem:$0x3FD2] =	sst s25  }
0xa6: {  	s5 =	sshll.u32 s26, $0x1;
	_ =	strace $0x80000046;
	[dreg:$0x1] =	wrdreg $0xFFFFFFFF  }
0xa7: {  	s28 =	simm.s32 $_size_execute0_lowered;
	s3 =	sadd.s32 s3, s5;
	[dreg:$0x0] =	wrdreg $0x0  }
0xa8: {  	s5 =	sshll.u32 s28, $0x1;
	[dreg:$0x2] =	wrdreg s3  }
0xa9: {  	[dreg:$0x3] =	wrdreg s5  }
0xaa: {  	[dreg:$0x4] =	wrdreg $0xC0  }
0xab: {  	_ =	task [dreg:s7], $0x5FFFF  }
0xac: {  	[dreg:$0x1] =	wrdreg $0xFFFFFFFF  }
0xad: {  	[dreg:$0x0] =	wrdreg $0x60  }
0xae: {  	[dreg:$0x2] =	wrdreg s2  }
0xaf: {  	[dreg:$0x3] =	wrdreg s24  }
0xb0: {  	[dreg:$0x4] =	wrdreg $0x9  }
0xb1: {  	_ =	task.clear_ibuf [dreg:s7], $0x5FFFF;
	_ =	strace $0x90000046  }
0xb2: {  	s29 =	simm.s32 $0x9;
	_ =	strace $0x80000048  }
0xb3: {  	_ =	swait.ge [sflag:s29], $0x1  }
0xb4: {  	[sflag:s29] =	ssyncadd.s32 $0xFFFFFFFF  }
0xb5: {  	_ =	strace $0x90000048  }
0xb6: {  	_ =	sfence  }
0xb7: {  	s30 =	sld [smem:$0x0];
	_ =	sdelay $0x2  }
0xb8: {  	s31 =	sshll.u32 s1, $0xD;
	s1 =	sshrl.u32 s1, $0x2  }
0xb9: {  	s3 =	sand.u32 $0x4000, s31;
	s1 =	sadd.s32 s1, s30  }
0xba: {  	s0 =	sor.u32 s3, s0;
	s1 =	sshll.u32 s1, $0x11  }
0xbb: {  	s0 =	sor.u32 s1, s0  }
0xbc: {  	s0 =	sadd.s32 $0x8F2B, s0  }
0xbd: {  	[sflag:s0] =	ssyncadd.remote.s32 $0x1  }
0xbe: {  	_ =	sfence.sel $0xFFFF  }
0xbf: {  	[dreg:$0x0] =	wrdreg $0xFFFFFFFF;
	(pc) =	sbr.abs _section_cstart, $3  }
0xc0: {  	[dreg:$0x1] =	wrdreg $0xFFFFFFFF  }
0xc1: {  	_ =	task.clear_ibuf [dreg:s7], $0x2FFFF;
	_ =	strace $0x9FFFFFFF  }
0xc2: {  	(tm) =	ssettm $0x7FFFFFFF  }
0xc3: {  	_ =	shalt  }
tec
execute0_lowered:
.L_overlay_start_1:
0x0: {  	(tag) =	ssettag $0x1  }
0x1: {  	s0 =	rddreg [dreg:$0x0];
	s1 =	srdreg.scid  }
0x2: {  	s13 =	rddreg [dreg:$0x1];
	s6 =	stileid.u32  }
0x3: {  	s2 =	simm.s32 $0x0;
	s7 =	simm.s32 $0x80;
	s3 =	sand.u32 $0x1, s1  }
0x4: {  	[smem:$0x7FF] =	sst s2;
	s18 =	sand.u32 $0x1, s6;
	s19 =	sshll.u32 s6, $0x8  }
0x5: {  	s1 =	sshll.u32 s1, $0x8;
	s8 =	sadd.s32 $0x8400, s13;
	s25 =	sadd.s32 $0x8408, s13  }
0x6: {  	s4 =	sor.u32 s3, s6;
	p1 =	seq.s32 s3, $0x1;
	_ =	strace $0x80000047  }
0x7: {  	s1 =	sand.u32 $0x100, s1;
	s20 =	ssub.s32 $0x2, s3;
	s3 =	sadd.s32 $0x8800, s13  }
0x8: {  	s6 =	sadd.s32 $0x8900, s13;
	p0 =	seq.s32 s4, $0x0;
	s4 =	sand.u32 $0xE00, s19  }
0x9: {  	s22 =	sshrl.u32 s20, $0x1;
	s19 =	simm.s32 $0x1;
	p0 =	por !p0, !p1  }
0xa: {  	p1 =	seq.s32 s18, $0x1;
	s1 =	sor.u32 s1, s4;
	s10 =	ssub.s32 s20, s22  }
0xb: {  	p0 =	por !p0, !p0;
	p2 =	por !p1, !p1;
	s21 =	sshll.u32 s1, $0x1  }
0xc: {  	s24 =	sshll.u32 s1, $0x7;
	s5 =	sor.u32 $0x80, s1;
	s1 =	sor.u32 $0xC0, s1  }
0xd: {  	p2 =	por @!p0 p1, p1;
	s11 =	sadd.s32 s0, s24;
	s26 =	sshll.u32 s5, $0x1  }
0xe: {  	s12 =	sshll.u32 s1, $0x1;
	s29 =	sshll.u32 s5, $0x7;
	s1 =	sshll.u32 s1, $0x7  }
0xf: {  	s7 =	simm.s32 @!p2 $0x0;
	[dreg:$0xa] =	wrdreg s11;
	s11 =	sadd.s32 $0x2000, s11  }
0x10: {  	s28 =	sand.u32 $0x1F00, s12;
	s30 =	sadd.s32 s0, s29;
	s9 =	sor.u32 s21, s7  }
0x11: {  	s0 =	sadd.s32 s0, s1;
	[dreg:$0x5] =	wrdreg s11;
	s9 =	sshrl.u32 s9, $0x3  }
0x12: {  	[dreg:$0x7] =	wrdreg s30;
	s23 =	sadd.s32 s8, s9;
	s9 =	sadd.s32 s9, s25  }
0x13: {  	[dreg:$0x4] =	wrdreg s9;
	s9 =	sor.u32 s7, s26;
	s7 =	sor.u32 s7, s28  }
0x14: {  	[dreg:$0x9] =	wrdreg s0;
	s9 =	sshrl.u32 s9, $0x3;
	s7 =	sshrl.u32 s7, $0x3  }
0x15: {  	v2 =	vlaneseq.u32;
	[dreg:$0x3] =	wrdreg s23;
	s8 =	sadd.s32 s8, s9;
	s31 =	sadd.s32 s7, s25  }
0x16: {  	vm0 =	vmmov $0xffff;
	v1 =	vshrl.u32 v2, $0x3;
	s7 =	sadd.s32 $0x8A00, s13;
	s9 =	smax.u32 s10, $0x1;
	[dreg:$0x6] =	wrdreg s8  }
0x17: {  	v0 =	vand.u32 $0x7, v2;
	v2 =	vor.u32 $0x8, v2;
	v1 =	vmul.u32 $0x8, v1;
	s10 =	simm.s32 $0x2;
	[dreg:$0x8] =	wrdreg s31;
	s8 =	sadd.s32 $0x8B00, s13  }
.LBB2_1:
0x18: {  	s20 =	rddreg [dreg:$0x3]  }
0x19: {  	[tilespmem:s2], [sflag:$0x2] =	stream.linear.gather [hbm4b:s20+s2], $0x40, $0x38;
	[tilespmem:$0x10080] =	vst v63  }
0x1a: {  	_ =	swait.ge [sflag:s10], $0x40  }
0x1b: {  	[sflag:s10] =	ssyncset.done $0x0  }
0x1c: {  	s1 =	simm.s32 $0x80;
	s15 =	rddreg [dreg:$0xa];
	[sflag:s10] =	ssyncadd.s32 $0xFFFFFFC0  }
0x1d: {  	[tilespmem:s1], [sflag:$0x2] =	stream.linear.gather [hbm4b:s15+s2], $0x10000, $0x38;
	[tilespmem:$0x10080] =	vst v63  }
0x1e: {  	_ =	swait.ge [sflag:s10], $0x10000  }
0x1f: {  	[sflag:s10] =	ssyncset.done $0x0  }
0x20: {  	[sflag:s10] =	ssyncadd.s32 $0xFFFF0000  }
0x21: {  	v3 =	vld [tilespmem:$0x0];
	_ =	sdelay $0x4  }
0x22: {  	v4 =	vshll.u32 v3, $0x3  }
0x23: {  	v3 =	vand.u32 $0x7, v3;
	v4 =	vand.u32 $0xFFFFFFC0, v4  }
0x24: {  	v3 =	vor.u32 v3, v4  }
0x25: {  	v4 =	vperm.xlane v3, v0;
	_ =	sdelay $0x1  }
0x26: {  	v4 =	vadd.s32 v1, v4;
	_ =	sdelay $0x4  }
0x27: {  	[hbm4b:s3+s2] =	stream.indirect_vreg.scatter [tilespmem:s1], [sflag:$0x1], $0x80, v4, vm0, $0xb8;
	[tilespmem:$0x10080] =	vst v63  }
0x28: {  	s0 =	simm.s32 $0x880;
	v3 =	vperm.xlane v3, v2  }
0x29: {  	[hbm4b:s6+s2] =	stream.indirect_vreg.scatter [tilespmem:s0], [sflag:$0x1], $0x80, v4, vm0, $0xb8;
	[tilespmem:$0x10080] =	vst v63  }
0x2a: {  	s16 =	simm.s32 $0x1080;
	v3 =	vadd.s32 v1, v3  }
0x2b: {  	[hbm4b:s7+s2] =	stream.indirect_vreg.scatter [tilespmem:s16], [sflag:$0x1], $0x80, v4, vm0, $0xb8;
	[tilespmem:$0x10080] =	vst v63  }
0x2c: {  	s17 =	simm.s32 $0x1880  }
0x2d: {  	[hbm4b:s8+s2] =	stream.indirect_vreg.scatter [tilespmem:s17], [sflag:$0x1], $0x80, v4, vm0, $0xb8;
	[tilespmem:$0x10080] =	vst v63  }
0x2e: {  	s18 =	simm.s32 $0x2080  }
0x2f: {  	[hbm4b:s3+s2] =	stream.indirect_vreg.scatter [tilespmem:s18], [sflag:$0x1], $0x80, v3, vm0, $0xb8;
	[tilespmem:$0x10080] =	vst v63  }
0x30: {  	s20 =	simm.s32 $0x2880  }
0x31: {  	[hbm4b:s6+s2] =	stream.indirect_vreg.scatter [tilespmem:s20], [sflag:$0x1], $0x80, v3, vm0, $0xb8;
	[tilespmem:$0x10080] =	vst v63  }
0x32: {  	s21 =	simm.s32 $0x3080  }
0x33: {  	[hbm4b:s7+s2] =	stream.indirect_vreg.scatter [tilespmem:s21], [sflag:$0x1], $0x80, v3, vm0, $0xb8;
	[tilespmem:$0x10080] =	vst v63  }
0x34: {  	s22 =	simm.s32 $0x3880  }
0x35: {  	[hbm4b:s8+s2] =	stream.indirect_vreg.scatter [tilespmem:s22], [sflag:$0x1], $0x80, v3, vm0, $0xb8;
	[tilespmem:$0x10080] =	vst v63  }
0x36: {  	v3 =	vld [tilespmem:$0x10];
	_ =	sdelay $0x4  }
0x37: {  	v49 =	vshll.u32 v3, $0x3  }
0x38: {  	v3 =	vand.u32 $0x7, v3;
	v4 =	vand.u32 $0xFFFFFFC0, v49  }
0x39: {  	v3 =	vor.u32 v3, v4  }
0x3a: {  	v4 =	vperm.xlane v3, v0;
	_ =	sdelay $0x1  }
0x3b: {  	v4 =	vadd.s32 v1, v4;
	_ =	sdelay $0x3  }
0x3c: {  	s23 =	simm.s32 $0x4080  }
0x3d: {  	[hbm4b:s3+s2] =	stream.indirect_vreg.scatter [tilespmem:s23], [sflag:$0x1], $0x80, v4, vm0, $0xb8;
	[tilespmem:$0x10080] =	vst v63  }
0x3e: {  	s24 =	simm.s32 $0x4880;
	v3 =	vperm.xlane v3, v2  }
0x3f: {  	[hbm4b:s6+s2] =	stream.indirect_vreg.scatter [tilespmem:s24], [sflag:$0x1], $0x80, v4, vm0, $0xb8;
	[tilespmem:$0x10080] =	vst v63  }
0x40: {  	s25 =	simm.s32 $0x5080;
	v3 =	vadd.s32 v1, v3  }
0x41: {  	[hbm4b:s7+s2] =	stream.indirect_vreg.scatter [tilespmem:s25], [sflag:$0x1], $0x80, v4, vm0, $0xb8;
	[tilespmem:$0x10080] =	vst v63  }
0x42: {  	s26 =	simm.s32 $0x5880  }
0x43: {  	[hbm4b:s8+s2] =	stream.indirect_vreg.scatter [tilespmem:s26], [sflag:$0x1], $0x80, v4, vm0, $0xb8;
	[tilespmem:$0x10080] =	vst v63  }
0x44: {  	s29 =	simm.s32 $0x6080  }
0x45: {  	[hbm4b:s3+s2] =	stream.indirect_vreg.scatter [tilespmem:s29], [sflag:$0x1], $0x80, v3, vm0, $0xb8;
	[tilespmem:$0x10080] =	vst v63  }
0x46: {  	s30 =	simm.s32 $0x6880  }
0x47: {  	[hbm4b:s6+s2] =	stream.indirect_vreg.scatter [tilespmem:s30], [sflag:$0x1], $0x80, v3, vm0, $0xb8;
	[tilespmem:$0x10080] =	vst v63  }
0x48: {  	s4 =	simm.s32 $0x7080  }
0x49: {  	[hbm4b:s7+s2] =	stream.indirect_vreg.scatter [tilespmem:s4], [sflag:$0x1], $0x80, v3, vm0, $0xb8;
	[tilespmem:$0x10080] =	vst v63  }
0x4a: {  	s5 =	simm.s32 $0x7880  }
0x4b: {  	[hbm4b:s8+s2] =	stream.indirect_vreg.scatter [tilespmem:s5], [sflag:$0x1], $0x80, v3, vm0, $0xb8;
	[tilespmem:$0x10080] =	vst v63  }
0x4c: {  	v3 =	vld [tilespmem:$0x20];
	_ =	sdelay $0x4  }
0x4d: {  	v50 =	vshll.u32 v3, $0x3  }
0x4e: {  	v3 =	vand.u32 $0x7, v3;
	v4 =	vand.u32 $0xFFFFFFC0, v50  }
0x4f: {  	v3 =	vor.u32 v3, v4  }
0x50: {  	v4 =	vperm.xlane v3, v0;
	_ =	sdelay $0x1  }
0x51: {  	v4 =	vadd.s32 v1, v4;
	_ =	sdelay $0x3  }
0x52: {  	s11 =	simm.s32 $0x8080  }
0x53: {  	[hbm4b:s3+s2] =	stream.indirect_vreg.scatter [tilespmem:s11], [sflag:$0x1], $0x80, v4, vm0, $0xb8;
	[tilespmem:$0x10080] =	vst v63  }
0x54: {  	s12 =	simm.s32 $0x8880;
	v3 =	vperm.xlane v3, v2  }
0x55: {  	[hbm4b:s6+s2] =	stream.indirect_vreg.scatter [tilespmem:s12], [sflag:$0x1], $0x80, v4, vm0, $0xb8;
	[tilespmem:$0x10080] =	vst v63  }
0x56: {  	s20 =	simm.s32 $0x9080;
	v3 =	vadd.s32 v1, v3  }
0x57: {  	[hbm4b:s7+s2] =	stream.indirect_vreg.scatter [tilespmem:s20], [sflag:$0x1], $0x80, v4, vm0, $0xb8;
	[tilespmem:$0x10080] =	vst v63  }
0x58: {  	s22 =	simm.s32 $0x9880  }
0x59: {  	[hbm4b:s8+s2] =	stream.indirect_vreg.scatter [tilespmem:s22], [sflag:$0x1], $0x80, v4, vm0, $0xb8;
	[tilespmem:$0x10080] =	vst v63  }
0x5a: {  	s23 =	simm.s32 $0xA080  }
0x5b: {  	[hbm4b:s3+s2] =	stream.indirect_vreg.scatter [tilespmem:s23], [sflag:$0x1], $0x80, v3, vm0, $0xb8;
	[tilespmem:$0x10080] =	vst v63  }
0x5c: {  	s24 =	simm.s32 $0xA880  }
0x5d: {  	[hbm4b:s6+s2] =	stream.indirect_vreg.scatter [tilespmem:s24], [sflag:$0x1], $0x80, v3, vm0, $0xb8;
	[tilespmem:$0x10080] =	vst v63  }
0x5e: {  	s25 =	simm.s32 $0xB080  }
0x5f: {  	[hbm4b:s7+s2] =	stream.indirect_vreg.scatter [tilespmem:s25], [sflag:$0x1], $0x80, v3, vm0, $0xb8;
	[tilespmem:$0x10080] =	vst v63  }
0x60: {  	s26 =	simm.s32 $0xB880  }
0x61: {  	[hbm4b:s8+s2] =	stream.indirect_vreg.scatter [tilespmem:s26], [sflag:$0x1], $0x80, v3, vm0, $0xb8;
	[tilespmem:$0x10080] =	vst v63  }
0x62: {  	v3 =	vld [tilespmem:$0x30];
	_ =	sdelay $0x4  }
0x63: {  	v51 =	vshll.u32 v3, $0x3  }
0x64: {  	v3 =	vand.u32 $0x7, v3;
	v4 =	vand.u32 $0xFFFFFFC0, v51  }
0x65: {  	v3 =	vor.u32 v3, v4  }
0x66: {  	v4 =	vperm.xlane v3, v0;
	_ =	sdelay $0x1  }
0x67: {  	v4 =	vadd.s32 v1, v4;
	_ =	sdelay $0x3  }
0x68: {  	s29 =	simm.s32 $0xC080  }
0x69: {  	[hbm4b:s3+s2] =	stream.indirect_vreg.scatter [tilespmem:s29], [sflag:$0x1], $0x80, v4, vm0, $0xb8;
	[tilespmem:$0x10080] =	vst v63  }
0x6a: {  	s30 =	simm.s32 $0xC880;
	v3 =	vperm.xlane v3, v2  }
0x6b: {  	[hbm4b:s6+s2] =	stream.indirect_vreg.scatter [tilespmem:s30], [sflag:$0x1], $0x80, v4, vm0, $0xb8;
	[tilespmem:$0x10080] =	vst v63  }
0x6c: {  	s4 =	simm.s32 $0xD080;
	v3 =	vadd.s32 v1, v3  }
0x6d: {  	[hbm4b:s7+s2] =	stream.indirect_vreg.scatter [tilespmem:s4], [sflag:$0x1], $0x80, v4, vm0, $0xb8;
	[tilespmem:$0x10080] =	vst v63  }
0x6e: {  	s5 =	simm.s32 $0xD880  }
0x6f: {  	[hbm4b:s8+s2] =	stream.indirect_vreg.scatter [tilespmem:s5], [sflag:$0x1], $0x80, v4, vm0, $0xb8;
	[tilespmem:$0x10080] =	vst v63  }
0x70: {  	s11 =	simm.s32 $0xE080  }
0x71: {  	[hbm4b:s3+s2] =	stream.indirect_vreg.scatter [tilespmem:s11], [sflag:$0x1], $0x80, v3, vm0, $0xb8;
	[tilespmem:$0x10080] =	vst v63  }
0x72: {  	s12 =	simm.s32 $0xE880  }
0x73: {  	[hbm4b:s6+s2] =	stream.indirect_vreg.scatter [tilespmem:s12], [sflag:$0x1], $0x80, v3, vm0, $0xb8;
	[tilespmem:$0x10080] =	vst v63  }
0x74: {  	s26 =	simm.s32 $0xF080  }
0x75: {  	[hbm4b:s7+s2] =	stream.indirect_vreg.scatter [tilespmem:s26], [sflag:$0x1], $0x80, v3, vm0, $0xb8;
	[tilespmem:$0x10080] =	vst v63  }
0x76: {  	s29 =	simm.s32 $0xF880  }
0x77: {  	[hbm4b:s8+s2] =	stream.indirect_vreg.scatter [tilespmem:s29], [sflag:$0x1], $0x80, v3, vm0, $0xb8;
	[tilespmem:$0x10080] =	vst v63  }
0x78: {  	_ =	swait.ge [sflag:s19], $0x10000  }
0x79: {  	[sflag:s19] =	ssyncset.done $0x0  }
0x7a: {  	s30 =	rddreg [dreg:$0x4];
	[sflag:s19] =	ssyncadd.s32 $0xFFFF0000  }
0x7b: {  	[tilespmem:s2], [sflag:$0x2] =	stream.linear.gather [hbm4b:s30+s2], $0x40, $0x38;
	[tilespmem:$0x10080] =	vst v63  }
0x7c: {  	_ =	swait.ge [sflag:s10], $0x40  }
0x7d: {  	[sflag:s10] =	ssyncset.done $0x0  }
0x7e: {  	s12 =	rddreg [dreg:$0x5];
	[sflag:s10] =	ssyncadd.s32 $0xFFFFFFC0  }
0x7f: {  	[tilespmem:s1], [sflag:$0x2] =	stream.linear.gather [hbm4b:s12+s2], $0x10000, $0x38;
	[tilespmem:$0x10080] =	vst v63  }
0x80: {  	_ =	swait.ge [sflag:s10], $0x10000  }
0x81: {  	[sflag:s10] =	ssyncset.done $0x0  }
0x82: {  	[sflag:s10] =	ssyncadd.s32 $0xFFFF0000  }
0x83: {  	v3 =	vld [tilespmem:$0x0];
	_ =	sdelay $0x4  }
0x84: {  	v52 =	vshll.u32 v3, $0x3  }
0x85: {  	v3 =	vand.u32 $0x7, v3;
	v4 =	vand.u32 $0xFFFFFFC0, v52  }
0x86: {  	v3 =	vor.u32 v3, v4  }
0x87: {  	v4 =	vperm.xlane v3, v0;
	_ =	sdelay $0x1  }
0x88: {  	v4 =	vadd.s32 v1, v4;
	_ =	sdelay $0x4  }
0x89: {  	[hbm4b:s3+s2] =	stream.indirect_vreg.scatter [tilespmem:s1], [sflag:$0x1], $0x80, v4, vm0, $0xb8;
	[tilespmem:$0x10080] =	vst v63  }
0x8a: {  	s28 =	simm.s32 $0x880;
	v3 =	vperm.xlane v3, v2  }
0x8b: {  	[hbm4b:s6+s2] =	stream.indirect_vreg.scatter [tilespmem:s28], [sflag:$0x1], $0x80, v4, vm0, $0xb8;
	[tilespmem:$0x10080] =	vst v63  }
0x8c: {  	s13 =	simm.s32 $0x1080;
	v3 =	vadd.s32 v1, v3  }
0x8d: {  	[hbm4b:s7+s2] =	stream.indirect_vreg.scatter [tilespmem:s13], [sflag:$0x1], $0x80, v4, vm0, $0xb8;
	[tilespmem:$0x10080] =	vst v63  }
0x8e: {  	s14 =	simm.s32 $0x1880  }
0x8f: {  	[hbm4b:s8+s2] =	stream.indirect_vreg.scatter [tilespmem:s14], [sflag:$0x1], $0x80, v4, vm0, $0xb8;
	[tilespmem:$0x10080] =	vst v63  }
0x90: {  	s15 =	simm.s32 $0x2080  }
0x91: {  	[hbm4b:s3+s2] =	stream.indirect_vreg.scatter [tilespmem:s15], [sflag:$0x1], $0x80, v3, vm0, $0xb8;
	[tilespmem:$0x10080] =	vst v63  }
0x92: {  	s16 =	simm.s32 $0x2880  }
0x93: {  	[hbm4b:s6+s2] =	stream.indirect_vreg.scatter [tilespmem:s16], [sflag:$0x1], $0x80, v3, vm0, $0xb8;
	[tilespmem:$0x10080] =	vst v63  }
0x94: {  	s17 =	simm.s32 $0x3080  }
0x95: {  	[hbm4b:s7+s2] =	stream.indirect_vreg.scatter [tilespmem:s17], [sflag:$0x1], $0x80, v3, vm0, $0xb8;
	[tilespmem:$0x10080] =	vst v63  }
0x96: {  	s29 =	simm.s32 $0x3880  }
0x97: {  	[hbm4b:s8+s2] =	stream.indirect_vreg.scatter [tilespmem:s29], [sflag:$0x1], $0x80, v3, vm0, $0xb8;
	[tilespmem:$0x10080] =	vst v63  }
0x98: {  	v3 =	vld [tilespmem:$0x10];
	_ =	sdelay $0x4  }
0x99: {  	v53 =	vshll.u32 v3, $0x3  }
0x9a: {  	v3 =	vand.u32 $0x7, v3;
	v4 =	vand.u32 $0xFFFFFFC0, v53  }
0x9b: {  	v3 =	vor.u32 v3, v4  }
0x9c: {  	v4 =	vperm.xlane v3, v0;
	_ =	sdelay $0x1  }
0x9d: {  	v4 =	vadd.s32 v1, v4;
	_ =	sdelay $0x3  }
0x9e: {  	s30 =	simm.s32 $0x4080  }
0x9f: {  	[hbm4b:s3+s2] =	stream.indirect_vreg.scatter [tilespmem:s30], [sflag:$0x1], $0x80, v4, vm0, $0xb8;
	[tilespmem:$0x10080] =	vst v63  }
0xa0: {  	s31 =	simm.s32 $0x4880;
	v3 =	vperm.xlane v3, v2  }
0xa1: {  	[hbm4b:s6+s2] =	stream.indirect_vreg.scatter [tilespmem:s31], [sflag:$0x1], $0x80, v4, vm0, $0xb8;
	[tilespmem:$0x10080] =	vst v63  }
0xa2: {  	v3 =	vadd.s32 v1, v3;
	s31 =	simm.s32 $0x5080  }
0xa3: {  	[hbm4b:s7+s2] =	stream.indirect_vreg.scatter [tilespmem:s31], [sflag:$0x1], $0x80, v4, vm0, $0xb8;
	[tilespmem:$0x10080] =	vst v63  }
0xa4: {  	s13 =	simm.s32 $0x5880  }
0xa5: {  	[hbm4b:s8+s2] =	stream.indirect_vreg.scatter [tilespmem:s13], [sflag:$0x1], $0x80, v4, vm0, $0xb8;
	[tilespmem:$0x10080] =	vst v63  }
0xa6: {  	s14 =	simm.s32 $0x6080  }
0xa7: {  	[hbm4b:s3+s2] =	stream.indirect_vreg.scatter [tilespmem:s14], [sflag:$0x1], $0x80, v3, vm0, $0xb8;
	[tilespmem:$0x10080] =	vst v63  }
0xa8: {  	s15 =	simm.s32 $0x6880  }
0xa9: {  	[hbm4b:s6+s2] =	stream.indirect_vreg.scatter [tilespmem:s15], [sflag:$0x1], $0x80, v3, vm0, $0xb8;
	[tilespmem:$0x10080] =	vst v63  }
0xaa: {  	s16 =	simm.s32 $0x7080  }
0xab: {  	[hbm4b:s7+s2] =	stream.indirect_vreg.scatter [tilespmem:s16], [sflag:$0x1], $0x80, v3, vm0, $0xb8;
	[tilespmem:$0x10080] =	vst v63  }
0xac: {  	s18 =	simm.s32 $0x7880  }
0xad: {  	[hbm4b:s8+s2] =	stream.indirect_vreg.scatter [tilespmem:s18], [sflag:$0x1], $0x80, v3, vm0, $0xb8;
	[tilespmem:$0x10080] =	vst v63  }
0xae: {  	v3 =	vld [tilespmem:$0x20];
	_ =	sdelay $0x4  }
0xaf: {  	v54 =	vshll.u32 v3, $0x3  }
0xb0: {  	v3 =	vand.u32 $0x7, v3;
	v4 =	vand.u32 $0xFFFFFFC0, v54  }
0xb1: {  	v3 =	vor.u32 v3, v4  }
0xb2: {  	v4 =	vperm.xlane v3, v0;
	_ =	sdelay $0x1  }
0xb3: {  	v4 =	vadd.s32 v1, v4;
	_ =	sdelay $0x3  }
0xb4: {  	s21 =	simm.s32 $0x8080  }
0xb5: {  	[hbm4b:s3+s2] =	stream.indirect_vreg.scatter [tilespmem:s21], [sflag:$0x1], $0x80, v4, vm0, $0xb8;
	[tilespmem:$0x10080] =	vst v63  }
0xb6: {  	s28 =	simm.s32 $0x8880;
	v3 =	vperm.xlane v3, v2  }
0xb7: {  	[hbm4b:s6+s2] =	stream.indirect_vreg.scatter [tilespmem:s28], [sflag:$0x1], $0x80, v4, vm0, $0xb8;
	[tilespmem:$0x10080] =	vst v63  }
0xb8: {  	s17 =	simm.s32 $0x9080;
	v3 =	vadd.s32 v1, v3  }
0xb9: {  	[hbm4b:s7+s2] =	stream.indirect_vreg.scatter [tilespmem:s17], [sflag:$0x1], $0x80, v4, vm0, $0xb8;
	[tilespmem:$0x10080] =	vst v63  }
0xba: {  	s18 =	simm.s32 $0x9880  }
0xbb: {  	[hbm4b:s8+s2] =	stream.indirect_vreg.scatter [tilespmem:s18], [sflag:$0x1], $0x80, v4, vm0, $0xb8;
	[tilespmem:$0x10080] =	vst v63  }
0xbc: {  	s21 =	simm.s32 $0xA080  }
0xbd: {  	[hbm4b:s3+s2] =	stream.indirect_vreg.scatter [tilespmem:s21], [sflag:$0x1], $0x80, v3, vm0, $0xb8;
	[tilespmem:$0x10080] =	vst v63  }
0xbe: {  	s22 =	simm.s32 $0xA880  }
0xbf: {  	[hbm4b:s6+s2] =	stream.indirect_vreg.scatter [tilespmem:s22], [sflag:$0x1], $0x80, v3, vm0, $0xb8;
	[tilespmem:$0x10080] =	vst v63  }
0xc0: {  	s0 =	simm.s32 $0xB080  }
0xc1: {  	[hbm4b:s7+s2] =	stream.indirect_vreg.scatter [tilespmem:s0], [sflag:$0x1], $0x80, v3, vm0, $0xb8;
	[tilespmem:$0x10080] =	vst v63  }
0xc2: {  	s23 =	simm.s32 $0xB880  }
0xc3: {  	[hbm4b:s8+s2] =	stream.indirect_vreg.scatter [tilespmem:s23], [sflag:$0x1], $0x80, v3, vm0, $0xb8;
	[tilespmem:$0x10080] =	vst v63  }
0xc4: {  	v3 =	vld [tilespmem:$0x30];
	_ =	sdelay $0x4  }
0xc5: {  	v55 =	vshll.u32 v3, $0x3  }
0xc6: {  	v3 =	vand.u32 $0x7, v3;
	v4 =	vand.u32 $0xFFFFFFC0, v55  }
0xc7: {  	v3 =	vor.u32 v3, v4  }
0xc8: {  	v4 =	vperm.xlane v3, v0;
	_ =	sdelay $0x1  }
0xc9: {  	v4 =	vadd.s32 v1, v4;
	_ =	sdelay $0x3  }
0xca: {  	s24 =	simm.s32 $0xC080  }
0xcb: {  	[hbm4b:s3+s2] =	stream.indirect_vreg.scatter [tilespmem:s24], [sflag:$0x1], $0x80, v4, vm0, $0xb8;
	[tilespmem:$0x10080] =	vst v63  }
0xcc: {  	s25 =	simm.s32 $0xC880;
	v3 =	vperm.xlane v3, v2  }
0xcd: {  	[hbm4b:s6+s2] =	stream.indirect_vreg.scatter [tilespmem:s25], [sflag:$0x1], $0x80, v4, vm0, $0xb8;
	[tilespmem:$0x10080] =	vst v63  }
0xce: {  	s4 =	simm.s32 $0xD080;
	v3 =	vadd.s32 v1, v3  }
0xcf: {  	[hbm4b:s7+s2] =	stream.indirect_vreg.scatter [tilespmem:s4], [sflag:$0x1], $0x80, v4, vm0, $0xb8;
	[tilespmem:$0x10080] =	vst v63  }
0xd0: {  	s5 =	simm.s32 $0xD880  }
0xd1: {  	[hbm4b:s8+s2] =	stream.indirect_vreg.scatter [tilespmem:s5], [sflag:$0x1], $0x80, v4, vm0, $0xb8;
	[tilespmem:$0x10080] =	vst v63  }
0xd2: {  	s11 =	simm.s32 $0xE080  }
0xd3: {  	[hbm4b:s3+s2] =	stream.indirect_vreg.scatter [tilespmem:s11], [sflag:$0x1], $0x80, v3, vm0, $0xb8;
	[tilespmem:$0x10080] =	vst v63  }
0xd4: {  	s24 =	simm.s32 $0xE880  }
0xd5: {  	[hbm4b:s6+s2] =	stream.indirect_vreg.scatter [tilespmem:s24], [sflag:$0x1], $0x80, v3, vm0, $0xb8;
	[tilespmem:$0x10080] =	vst v63  }
0xd6: {  	s25 =	simm.s32 $0xF080  }
0xd7: {  	[hbm4b:s7+s2] =	stream.indirect_vreg.scatter [tilespmem:s25], [sflag:$0x1], $0x80, v3, vm0, $0xb8;
	[tilespmem:$0x10080] =	vst v63  }
0xd8: {  	s26 =	simm.s32 $0xF880  }
0xd9: {  	[hbm4b:s8+s2] =	stream.indirect_vreg.scatter [tilespmem:s26], [sflag:$0x1], $0x80, v3, vm0, $0xb8;
	[tilespmem:$0x10080] =	vst v63  }
0xda: {  	_ =	swait.ge [sflag:s19], $0x10000  }
0xdb: {  	[sflag:s19] =	ssyncset.done $0x0  }
0xdc: {  	s26 =	rddreg [dreg:$0x6];
	[sflag:s19] =	ssyncadd.s32 $0xFFFF0000  }
0xdd: {  	[tilespmem:s2], [sflag:$0x2] =	stream.linear.gather [hbm4b:s26+s2], $0x40, $0x38;
	[tilespmem:$0x10080] =	vst v63  }
0xde: {  	_ =	swait.ge [sflag:s10], $0x40  }
0xdf: {  	[sflag:s10] =	ssyncset.done $0x0  }
0xe0: {  	s24 =	rddreg [dreg:$0x7];
	[sflag:s10] =	ssyncadd.s32 $0xFFFFFFC0  }
0xe1: {  	[tilespmem:s1], [sflag:$0x2] =	stream.linear.gather [hbm4b:s24+s2], $0x10000, $0x38;
	[tilespmem:$0x10080] =	vst v63  }
0xe2: {  	_ =	swait.ge [sflag:s10], $0x10000  }
0xe3: {  	[sflag:s10] =	ssyncset.done $0x0  }
0xe4: {  	[sflag:s10] =	ssyncadd.s32 $0xFFFF0000  }
0xe5: {  	v3 =	vld [tilespmem:$0x0];
	_ =	sdelay $0x4  }
0xe6: {  	v56 =	vshll.u32 v3, $0x3  }
0xe7: {  	v3 =	vand.u32 $0x7, v3;
	v4 =	vand.u32 $0xFFFFFFC0, v56  }
0xe8: {  	v3 =	vor.u32 v3, v4  }
0xe9: {  	v4 =	vperm.xlane v3, v0;
	_ =	sdelay $0x1  }
0xea: {  	v4 =	vadd.s32 v1, v4;
	_ =	sdelay $0x4  }
0xeb: {  	[hbm4b:s3+s2] =	stream.indirect_vreg.scatter [tilespmem:s1], [sflag:$0x1], $0x80, v4, vm0, $0xb8;
	[tilespmem:$0x10080] =	vst v63  }
0xec: {  	s25 =	simm.s32 $0x880;
	v3 =	vperm.xlane v3, v2  }
0xed: {  	[hbm4b:s6+s2] =	stream.indirect_vreg.scatter [tilespmem:s25], [sflag:$0x1], $0x80, v4, vm0, $0xb8;
	[tilespmem:$0x10080] =	vst v63  }
0xee: {  	s12 =	simm.s32 $0x1080;
	v3 =	vadd.s32 v1, v3  }
0xef: {  	[hbm4b:s7+s2] =	stream.indirect_vreg.scatter [tilespmem:s12], [sflag:$0x1], $0x80, v4, vm0, $0xb8;
	[tilespmem:$0x10080] =	vst v63  }
0xf0: {  	s26 =	simm.s32 $0x1880  }
0xf1: {  	[hbm4b:s8+s2] =	stream.indirect_vreg.scatter [tilespmem:s26], [sflag:$0x1], $0x80, v4, vm0, $0xb8;
	[tilespmem:$0x10080] =	vst v63  }
0xf2: {  	s20 =	simm.s32 $0x2080  }
0xf3: {  	[hbm4b:s3+s2] =	stream.indirect_vreg.scatter [tilespmem:s20], [sflag:$0x1], $0x80, v3, vm0, $0xb8;
	[tilespmem:$0x10080] =	vst v63  }
0xf4: {  	s26 =	simm.s32 $0x2880  }
0xf5: {  	[hbm4b:s6+s2] =	stream.indirect_vreg.scatter [tilespmem:s26], [sflag:$0x1], $0x80, v3, vm0, $0xb8;
	[tilespmem:$0x10080] =	vst v63  }
0xf6: {  	s20 =	simm.s32 $0x3080  }
0xf7: {  	[hbm4b:s7+s2] =	stream.indirect_vreg.scatter [tilespmem:s20], [sflag:$0x1], $0x80, v3, vm0, $0xb8;
	[tilespmem:$0x10080] =	vst v63  }
0xf8: {  	_ = 	snop  }
0xf9: {  	[hbm4b:s8+s2] =	stream.indirect_vreg.scatter [tilespmem:s29], [sflag:$0x1], $0x80, v3, vm0, $0xb8;
	[tilespmem:$0x10080] =	vst v63  }
0xfa: {  	v3 =	vld [tilespmem:$0x10];
	_ =	sdelay $0x4  }
0xfb: {  	v57 =	vshll.u32 v3, $0x3  }
0xfc: {  	v3 =	vand.u32 $0x7, v3;
	v4 =	vand.u32 $0xFFFFFFC0, v57  }
0xfd: {  	v3 =	vor.u32 v3, v4  }
0xfe: {  	v4 =	vperm.xlane v3, v0;
	_ =	sdelay $0x1  }
0xff: {  	v4 =	vadd.s32 v1, v4;
	_ =	sdelay $0x4  }
0x100: {  	[hbm4b:s3+s2] =	stream.indirect_vreg.scatter [tilespmem:s30], [sflag:$0x1], $0x80, v4, vm0, $0xb8;
	[tilespmem:$0x10080] =	vst v63  }
0x101: {  	s26 =	simm.s32 $0x4880;
	v3 =	vperm.xlane v3, v2  }
0x102: {  	[hbm4b:s6+s2] =	stream.indirect_vreg.scatter [tilespmem:s26], [sflag:$0x1], $0x80, v4, vm0, $0xb8;
	[tilespmem:$0x10080] =	vst v63  }
0x103: {  	v3 =	vadd.s32 v1, v3  }
0x104: {  	[hbm4b:s7+s2] =	stream.indirect_vreg.scatter [tilespmem:s31], [sflag:$0x1], $0x80, v4, vm0, $0xb8;
	[tilespmem:$0x10080] =	vst v63  }
0x105: {  	_ = 	snop  }
0x106: {  	[hbm4b:s8+s2] =	stream.indirect_vreg.scatter [tilespmem:s13], [sflag:$0x1], $0x80, v4, vm0, $0xb8;
	[tilespmem:$0x10080] =	vst v63  }
0x107: {  	_ = 	snop  }
0x108: {  	[hbm4b:s3+s2] =	stream.indirect_vreg.scatter [tilespmem:s14], [sflag:$0x1], $0x80, v3, vm0, $0xb8;
	[tilespmem:$0x10080] =	vst v63  }
0x109: {  	_ = 	snop  }
0x10a: {  	[hbm4b:s6+s2] =	stream.indirect_vreg.scatter [tilespmem:s15], [sflag:$0x1], $0x80, v3, vm0, $0xb8;
	[tilespmem:$0x10080] =	vst v63  }
0x10b: {  	_ = 	snop  }
0x10c: {  	[hbm4b:s7+s2] =	stream.indirect_vreg.scatter [tilespmem:s16], [sflag:$0x1], $0x80, v3, vm0, $0xb8;
	[tilespmem:$0x10080] =	vst v63  }
0x10d: {  	s20 =	simm.s32 $0x7880  }
0x10e: {  	[hbm4b:s8+s2] =	stream.indirect_vreg.scatter [tilespmem:s20], [sflag:$0x1], $0x80, v3, vm0, $0xb8;
	[tilespmem:$0x10080] =	vst v63  }
0x10f: {  	v3 =	vld [tilespmem:$0x20];
	_ =	sdelay $0x4  }
0x110: {  	v58 =	vshll.u32 v3, $0x3  }
0x111: {  	v3 =	vand.u32 $0x7, v3;
	v4 =	vand.u32 $0xFFFFFFC0, v58  }
0x112: {  	v3 =	vor.u32 v3, v4  }
0x113: {  	v4 =	vperm.xlane v3, v0;
	_ =	sdelay $0x1  }
0x114: {  	v4 =	vadd.s32 v1, v4;
	_ =	sdelay $0x3  }
0x115: {  	s26 =	simm.s32 $0x8080  }
0x116: {  	[hbm4b:s3+s2] =	stream.indirect_vreg.scatter [tilespmem:s26], [sflag:$0x1], $0x80, v4, vm0, $0xb8;
	[tilespmem:$0x10080] =	vst v63  }
0x117: {  	v3 =	vperm.xlane v3, v2  }
0x118: {  	[hbm4b:s6+s2] =	stream.indirect_vreg.scatter [tilespmem:s28], [sflag:$0x1], $0x80, v4, vm0, $0xb8;
	[tilespmem:$0x10080] =	vst v63  }
0x119: {  	v3 =	vadd.s32 v1, v3  }
0x11a: {  	[hbm4b:s7+s2] =	stream.indirect_vreg.scatter [tilespmem:s17], [sflag:$0x1], $0x80, v4, vm0, $0xb8;
	[tilespmem:$0x10080] =	vst v63  }
0x11b: {  	_ = 	snop  }
0x11c: {  	[hbm4b:s8+s2] =	stream.indirect_vreg.scatter [tilespmem:s18], [sflag:$0x1], $0x80, v4, vm0, $0xb8;
	[tilespmem:$0x10080] =	vst v63  }
0x11d: {  	_ = 	snop  }
0x11e: {  	[hbm4b:s3+s2] =	stream.indirect_vreg.scatter [tilespmem:s21], [sflag:$0x1], $0x80, v3, vm0, $0xb8;
	[tilespmem:$0x10080] =	vst v63  }
0x11f: {  	s28 =	simm.s32 $0xA880  }
0x120: {  	[hbm4b:s6+s2] =	stream.indirect_vreg.scatter [tilespmem:s28], [sflag:$0x1], $0x80, v3, vm0, $0xb8;
	[tilespmem:$0x10080] =	vst v63  }
0x121: {  	s0 =	simm.s32 $0xB080  }
0x122: {  	[hbm4b:s7+s2] =	stream.indirect_vreg.scatter [tilespmem:s0], [sflag:$0x1], $0x80, v3, vm0, $0xb8;
	[tilespmem:$0x10080] =	vst v63  }
0x123: {  	s20 =	simm.s32 $0xB880  }
0x124: {  	[hbm4b:s8+s2] =	stream.indirect_vreg.scatter [tilespmem:s20], [sflag:$0x1], $0x80, v3, vm0, $0xb8;
	[tilespmem:$0x10080] =	vst v63  }
0x125: {  	v3 =	vld [tilespmem:$0x30];
	_ =	sdelay $0x4  }
0x126: {  	v59 =	vshll.u32 v3, $0x3  }
0x127: {  	v3 =	vand.u32 $0x7, v3;
	v4 =	vand.u32 $0xFFFFFFC0, v59  }
0x128: {  	v3 =	vor.u32 v3, v4  }
0x129: {  	v4 =	vperm.xlane v3, v0;
	_ =	sdelay $0x1  }
0x12a: {  	v4 =	vadd.s32 v1, v4;
	_ =	sdelay $0x3  }
0x12b: {  	s20 =	simm.s32 $0xC080  }
0x12c: {  	[hbm4b:s3+s2] =	stream.indirect_vreg.scatter [tilespmem:s20], [sflag:$0x1], $0x80, v4, vm0, $0xb8;
	[tilespmem:$0x10080] =	vst v63  }
0x12d: {  	v3 =	vperm.xlane v3, v2;
	s20 =	simm.s32 $0xC880  }
0x12e: {  	[hbm4b:s6+s2] =	stream.indirect_vreg.scatter [tilespmem:s20], [sflag:$0x1], $0x80, v4, vm0, $0xb8;
	[tilespmem:$0x10080] =	vst v63  }
0x12f: {  	s4 =	simm.s32 $0xD080;
	v3 =	vadd.s32 v1, v3  }
0x130: {  	[hbm4b:s7+s2] =	stream.indirect_vreg.scatter [tilespmem:s4], [sflag:$0x1], $0x80, v4, vm0, $0xb8;
	[tilespmem:$0x10080] =	vst v63  }
0x131: {  	s5 =	simm.s32 $0xD880  }
0x132: {  	[hbm4b:s8+s2] =	stream.indirect_vreg.scatter [tilespmem:s5], [sflag:$0x1], $0x80, v4, vm0, $0xb8;
	[tilespmem:$0x10080] =	vst v63  }
0x133: {  	s11 =	simm.s32 $0xE080  }
0x134: {  	[hbm4b:s3+s2] =	stream.indirect_vreg.scatter [tilespmem:s11], [sflag:$0x1], $0x80, v3, vm0, $0xb8;
	[tilespmem:$0x10080] =	vst v63  }
0x135: {  	s22 =	simm.s32 $0xE880  }
0x136: {  	[hbm4b:s6+s2] =	stream.indirect_vreg.scatter [tilespmem:s22], [sflag:$0x1], $0x80, v3, vm0, $0xb8;
	[tilespmem:$0x10080] =	vst v63  }
0x137: {  	s23 =	simm.s32 $0xF080  }
0x138: {  	[hbm4b:s7+s2] =	stream.indirect_vreg.scatter [tilespmem:s23], [sflag:$0x1], $0x80, v3, vm0, $0xb8;
	[tilespmem:$0x10080] =	vst v63  }
0x139: {  	s23 =	simm.s32 $0xF880  }
0x13a: {  	[hbm4b:s8+s2] =	stream.indirect_vreg.scatter [tilespmem:s23], [sflag:$0x1], $0x80, v3, vm0, $0xb8;
	[tilespmem:$0x10080] =	vst v63  }
0x13b: {  	_ =	swait.ge [sflag:s19], $0x10000  }
0x13c: {  	[sflag:s19] =	ssyncset.done $0x0  }
0x13d: {  	s20 =	rddreg [dreg:$0x8];
	[sflag:s19] =	ssyncadd.s32 $0xFFFF0000  }
0x13e: {  	[tilespmem:s2], [sflag:$0x2] =	stream.linear.gather [hbm4b:s20+s2], $0x40, $0x38;
	[tilespmem:$0x10080] =	vst v63  }
0x13f: {  	_ =	swait.ge [sflag:s10], $0x40  }
0x140: {  	[sflag:s10] =	ssyncset.done $0x0  }
0x141: {  	s20 =	rddreg [dreg:$0x9];
	[sflag:s10] =	ssyncadd.s32 $0xFFFFFFC0  }
0x142: {  	[tilespmem:s1], [sflag:$0x2] =	stream.linear.gather [hbm4b:s20+s2], $0x10000, $0x38;
	[tilespmem:$0x10080] =	vst v63  }
0x143: {  	_ =	swait.ge [sflag:s10], $0x10000  }
0x144: {  	[sflag:s10] =	ssyncset.done $0x0  }
0x145: {  	[sflag:s10] =	ssyncadd.s32 $0xFFFF0000  }
0x146: {  	v3 =	vld [tilespmem:$0x0];
	_ =	sdelay $0x4  }
0x147: {  	v60 =	vshll.u32 v3, $0x3  }
0x148: {  	v3 =	vand.u32 $0x7, v3;
	v4 =	vand.u32 $0xFFFFFFC0, v60  }
0x149: {  	v3 =	vor.u32 v3, v4  }
0x14a: {  	v4 =	vperm.xlane v3, v0;
	_ =	sdelay $0x1  }
0x14b: {  	v4 =	vadd.s32 v1, v4;
	_ =	sdelay $0x4  }
0x14c: {  	[hbm4b:s3+s2] =	stream.indirect_vreg.scatter [tilespmem:s1], [sflag:$0x1], $0x80, v4, vm0, $0xb8;
	[tilespmem:$0x10080] =	vst v63  }
0x14d: {  	s20 =	simm.s32 $0x880;
	v3 =	vperm.xlane v3, v2  }
0x14e: {  	[hbm4b:s6+s2] =	stream.indirect_vreg.scatter [tilespmem:s20], [sflag:$0x1], $0x80, v4, vm0, $0xb8;
	[tilespmem:$0x10080] =	vst v63  }
0x14f: {  	s24 =	simm.s32 $0x1080;
	v3 =	vadd.s32 v1, v3  }
0x150: {  	[hbm4b:s7+s2] =	stream.indirect_vreg.scatter [tilespmem:s24], [sflag:$0x1], $0x80, v4, vm0, $0xb8;
	[tilespmem:$0x10080] =	vst v63  }
0x151: {  	s25 =	simm.s32 $0x1880  }
0x152: {  	[hbm4b:s8+s2] =	stream.indirect_vreg.scatter [tilespmem:s25], [sflag:$0x1], $0x80, v4, vm0, $0xb8;
	[tilespmem:$0x10080] =	vst v63  }
0x153: {  	s20 =	simm.s32 $0x2080  }
0x154: {  	[hbm4b:s3+s2] =	stream.indirect_vreg.scatter [tilespmem:s20], [sflag:$0x1], $0x80, v3, vm0, $0xb8;
	[tilespmem:$0x10080] =	vst v63  }
0x155: {  	s24 =	simm.s32 $0x2880  }
0x156: {  	[hbm4b:s6+s2] =	stream.indirect_vreg.scatter [tilespmem:s24], [sflag:$0x1], $0x80, v3, vm0, $0xb8;
	[tilespmem:$0x10080] =	vst v63  }
0x157: {  	s25 =	simm.s32 $0x3080  }
0x158: {  	[hbm4b:s7+s2] =	stream.indirect_vreg.scatter [tilespmem:s25], [sflag:$0x1], $0x80, v3, vm0, $0xb8;
	[tilespmem:$0x10080] =	vst v63  }
0x159: {  	s29 =	simm.s32 $0x3880  }
0x15a: {  	[hbm4b:s8+s2] =	stream.indirect_vreg.scatter [tilespmem:s29], [sflag:$0x1], $0x80, v3, vm0, $0xb8;
	[tilespmem:$0x10080] =	vst v63  }
0x15b: {  	v3 =	vld [tilespmem:$0x10];
	_ =	sdelay $0x4  }
0x15c: {  	v61 =	vshll.u32 v3, $0x3  }
0x15d: {  	v3 =	vand.u32 $0x7, v3;
	v4 =	vand.u32 $0xFFFFFFC0, v61  }
0x15e: {  	v3 =	vor.u32 v3, v4  }
0x15f: {  	v4 =	vperm.xlane v3, v0;
	_ =	sdelay $0x1  }
0x160: {  	v4 =	vadd.s32 v1, v4;
	_ =	sdelay $0x3  }
0x161: {  	s30 =	simm.s32 $0x4080  }
0x162: {  	[hbm4b:s3+s2] =	stream.indirect_vreg.scatter [tilespmem:s30], [sflag:$0x1], $0x80, v4, vm0, $0xb8;
	[tilespmem:$0x10080] =	vst v63  }
0x163: {  	s20 =	simm.s32 $0x4880;
	v3 =	vperm.xlane v3, v2  }
0x164: {  	[hbm4b:s6+s2] =	stream.indirect_vreg.scatter [tilespmem:s20], [sflag:$0x1], $0x80, v4, vm0, $0xb8;
	[tilespmem:$0x10080] =	vst v63  }
0x165: {  	s31 =	simm.s32 $0x5080;
	v3 =	vadd.s32 v1, v3  }
0x166: {  	[hbm4b:s7+s2] =	stream.indirect_vreg.scatter [tilespmem:s31], [sflag:$0x1], $0x80, v4, vm0, $0xb8;
	[tilespmem:$0x10080] =	vst v63  }
0x167: {  	s12 =	simm.s32 $0x5880  }
0x168: {  	[hbm4b:s8+s2] =	stream.indirect_vreg.scatter [tilespmem:s12], [sflag:$0x1], $0x80, v4, vm0, $0xb8;
	[tilespmem:$0x10080] =	vst v63  }
0x169: {  	s13 =	simm.s32 $0x6080  }
0x16a: {  	[hbm4b:s3+s2] =	stream.indirect_vreg.scatter [tilespmem:s13], [sflag:$0x1], $0x80, v3, vm0, $0xb8;
	[tilespmem:$0x10080] =	vst v63  }
0x16b: {  	s14 =	simm.s32 $0x6880  }
0x16c: {  	[hbm4b:s6+s2] =	stream.indirect_vreg.scatter [tilespmem:s14], [sflag:$0x1], $0x80, v3, vm0, $0xb8;
	[tilespmem:$0x10080] =	vst v63  }
0x16d: {  	s15 =	simm.s32 $0x7080  }
0x16e: {  	[hbm4b:s7+s2] =	stream.indirect_vreg.scatter [tilespmem:s15], [sflag:$0x1], $0x80, v3, vm0, $0xb8;
	[tilespmem:$0x10080] =	vst v63  }
0x16f: {  	s24 =	simm.s32 $0x7880  }
0x170: {  	[hbm4b:s8+s2] =	stream.indirect_vreg.scatter [tilespmem:s24], [sflag:$0x1], $0x80, v3, vm0, $0xb8;
	[tilespmem:$0x10080] =	vst v63  }
0x171: {  	v3 =	vld [tilespmem:$0x20];
	_ =	sdelay $0x4  }
0x172: {  	v62 =	vshll.u32 v3, $0x3  }
0x173: {  	v3 =	vand.u32 $0x7, v3;
	v4 =	vand.u32 $0xFFFFFFC0, v62  }
0x174: {  	v3 =	vor.u32 v3, v4  }
0x175: {  	v4 =	vperm.xlane v3, v0;
	_ =	sdelay $0x1  }
0x176: {  	v4 =	vadd.s32 v1, v4;
	_ =	sdelay $0x3  }
0x177: {  	s25 =	simm.s32 $0x8080  }
0x178: {  	[hbm4b:s3+s2] =	stream.indirect_vreg.scatter [tilespmem:s25], [sflag:$0x1], $0x80, v4, vm0, $0xb8;
	[tilespmem:$0x10080] =	vst v63  }
0x179: {  	s26 =	simm.s32 $0x8880;
	v3 =	vperm.xlane v3, v2  }
0x17a: {  	[hbm4b:s6+s2] =	stream.indirect_vreg.scatter [tilespmem:s26], [sflag:$0x1], $0x80, v4, vm0, $0xb8;
	[tilespmem:$0x10080] =	vst v63  }
0x17b: {  	s16 =	simm.s32 $0x9080;
	v3 =	vadd.s32 v1, v3  }
0x17c: {  	[hbm4b:s7+s2] =	stream.indirect_vreg.scatter [tilespmem:s16], [sflag:$0x1], $0x80, v4, vm0, $0xb8;
	[tilespmem:$0x10080] =	vst v63  }
0x17d: {  	s17 =	simm.s32 $0x9880  }
0x17e: {  	[hbm4b:s8+s2] =	stream.indirect_vreg.scatter [tilespmem:s17], [sflag:$0x1], $0x80, v4, vm0, $0xb8;
	[tilespmem:$0x10080] =	vst v63  }
0x17f: {  	s18 =	simm.s32 $0xA080  }
0x180: {  	[hbm4b:s3+s2] =	stream.indirect_vreg.scatter [tilespmem:s18], [sflag:$0x1], $0x80, v3, vm0, $0xb8;
	[tilespmem:$0x10080] =	vst v63  }
0x181: {  	s28 =	simm.s32 $0xA880  }
0x182: {  	[hbm4b:s6+s2] =	stream.indirect_vreg.scatter [tilespmem:s28], [sflag:$0x1], $0x80, v3, vm0, $0xb8;
	[tilespmem:$0x10080] =	vst v63  }
0x183: {  	s21 =	simm.s32 $0xB080  }
0x184: {  	[hbm4b:s7+s2] =	stream.indirect_vreg.scatter [tilespmem:s21], [sflag:$0x1], $0x80, v3, vm0, $0xb8;
	[tilespmem:$0x10080] =	vst v63  }
0x185: {  	s29 =	simm.s32 $0xB880  }
0x186: {  	[hbm4b:s8+s2] =	stream.indirect_vreg.scatter [tilespmem:s29], [sflag:$0x1], $0x80, v3, vm0, $0xb8;
	[tilespmem:$0x10080] =	vst v63  }
0x187: {  	v3 =	vld [tilespmem:$0x30];
	_ =	sdelay $0x4  }
0x188: {  	v63 =	vshll.u32 v3, $0x3  }
0x189: {  	v3 =	vand.u32 $0x7, v3;
	v4 =	vand.u32 $0xFFFFFFC0, v63  }
0x18a: {  	v3 =	vor.u32 v3, v4  }
0x18b: {  	v4 =	vperm.xlane v3, v0;
	_ =	sdelay $0x1  }
0x18c: {  	v4 =	vadd.s32 v1, v4;
	_ =	sdelay $0x3  }
0x18d: {  	s30 =	simm.s32 $0xC080  }
0x18e: {  	[hbm4b:s3+s2] =	stream.indirect_vreg.scatter [tilespmem:s30], [sflag:$0x1], $0x80, v4, vm0, $0xb8;
	[tilespmem:$0x10080] =	vst v63  }
0x18f: {  	s31 =	simm.s32 $0xC880;
	v3 =	vperm.xlane v3, v2  }
0x190: {  	[hbm4b:s6+s2] =	stream.indirect_vreg.scatter [tilespmem:s31], [sflag:$0x1], $0x80, v4, vm0, $0xb8;
	[tilespmem:$0x10080] =	vst v63  }
0x191: {  	s0 =	simm.s32 $0xD080;
	v3 =	vadd.s32 v1, v3  }
0x192: {  	[hbm4b:s7+s2] =	stream.indirect_vreg.scatter [tilespmem:s0], [sflag:$0x1], $0x80, v4, vm0, $0xb8;
	[tilespmem:$0x10080] =	vst v63  }
0x193: {  	s4 =	simm.s32 $0xD880  }
0x194: {  	[hbm4b:s8+s2] =	stream.indirect_vreg.scatter [tilespmem:s4], [sflag:$0x1], $0x80, v4, vm0, $0xb8;
	[tilespmem:$0x10080] =	vst v63  }
0x195: {  	s5 =	simm.s32 $0xE080  }
0x196: {  	[hbm4b:s3+s2] =	stream.indirect_vreg.scatter [tilespmem:s5], [sflag:$0x1], $0x80, v3, vm0, $0xb8;
	[tilespmem:$0x10080] =	vst v63  }
0x197: {  	s11 =	simm.s32 $0xE880  }
0x198: {  	[hbm4b:s6+s2] =	stream.indirect_vreg.scatter [tilespmem:s11], [sflag:$0x1], $0x80, v3, vm0, $0xb8;
	[tilespmem:$0x10080] =	vst v63  }
0x199: {  	p0 =	sne.s32 s9, $0x1;
	s22 =	simm.s32 $0xF080  }
0x19a: {  	[hbm4b:s7+s2] =	stream.indirect_vreg.scatter [tilespmem:s22], [sflag:$0x1], $0x80, v3, vm0, $0xb8;
	[tilespmem:$0x10080] =	vst v63  }
.Ltmp0:
0x19b: {  	s23 =	simm.s32 $0xF880;
	(pc) =	sbr.rel @p0 .LBB2_1-.Ltmp0, $4  }
0x19c: {  	[hbm4b:s8+s2] =	stream.indirect_vreg.scatter [tilespmem:s23], [sflag:$0x1], $0x80, v3, vm0, $0xb8;
	[tilespmem:$0x10080] =	vst v63  }
0x19d: {  	_ =	swait.ge [sflag:s19], $0x10000  }
0x19e: {  	[sflag:s19] =	ssyncset.done $0x0  }
0x19f: {  	s9 =	sadd.s32 $0xFFFFFFFF, s9;
	[sflag:s19] =	ssyncadd.s32 $0xFFFF0000  }
0x1a0: {  	_ =	sfence.sel $0x180000  }
0x1a1: {  	[bflag:$0x0] =	sbarrier.arrive $0xFFFF  }
0x1a2: {  	_ =	strace $0x90000047  }
0x1a3: {  	s0 =	stileid.u32;
	[bflag:$0x2] =	sbarrier.arrive $0xFFFF  }
0x1a4: {  	p0 =	sne.s32 s0, $0x0;
	s0 =	rddreg [dreg:$0x2]  }
0x1a5: {  	s0 =	sadd.s32 @!p0 $0x100000, s0  }
0x1a6: {  	[sflag:s0] =	ssyncadd.tile.s32 @!p0 $0x1;
	_ =	shalt  }
.Lfunc_end2:
_tile_overlayer_lowered:
.L_overlay_start_2:
0x1a7: {  	(tag) =	ssettag $0x2  }
0x1a8: {  	s0 =	rddreg [dreg:$0x0];
	s2 =	stileid.u32  }
0x1a9: {  	s1 =	rddreg [dreg:$0x1];
	p0 =	sne.s32 s2, $0x0  }
0x1aa: {  	s3 =	rddreg [dreg:$0x2];
	[bflag:$0x3] =	sbarrier.arrive $0xFFFF;
	s2 =	simm.s32 @!p0 $0x1C02  }
0x1ab: {  	[timem:s3], [sflag:s2] =	dma.local @!p0 [hbm:s0], s1  }
0x1ac: {  	s0 =	simm.s32 @!p0 $0x2  }
0x1ad: {  	_ =	swait.ge @!p0 [sflag:s0], s1  }
0x1ae: {  	s1 =	ssub.s32 @!p0 $0x0, s1;
	[sflag:s0] =	ssyncset.done @!p0 $0x0  }
0x1af: {  	[sflag:s0] =	ssyncadd.s32 @!p0 s1  }
0x1b0: {  	[bflag:$0x3] =	sbarrier.arrive $0xFFFF  }
0x1b1: {  	_ =	shalt  }

</sc_bundles>
